<compile_context>
chip_gen: v7x
topology: tpu7x:2x2x1
jax: 0.10.2.dev20260603
libtpu: 0.0.44.dev20260713+nightly
codegen_flags: <defaults>
</compile_context>

<pallas_src>
import functools

import jax
import jax.numpy as jnp
from jax import lax
from jax.experimental import pallas as pl
from jax.experimental.pallas import tpu as pltpu
from jax.experimental.pallas import tpu_sc as plsc

_N = 10000
_E = 320000
_H = 128
_B = 64
_LAYERS = 3

_NC = 2
_NS = 16
_NW = _NC * _NS
_CHUNK = 128
_NCHUNK = 80
_EPT = _NCHUNK * _CHUNK
_NPAD = 10240
_ROWS_PER_TILE = _NPAD // _NS
_NBUF = 2

_PREC = lax.Precision.HIGHEST


def _edge_agg(h, src, dst, zrows):
    mesh = plsc.VectorSubcoreMesh(core_axis_name="c", subcore_axis_name="s",
                                  num_cores=_NC, num_subcores=_NS)
    D = _NBUF

    @functools.partial(
        pl.kernel,
        out_type=jax.ShapeDtypeStruct((_NC, _NPAD, _H), jnp.float32),
        mesh=mesh,
        scratch_types=[
            [pltpu.VMEM((_CHUNK,), jnp.int32) for _ in range(D)],
            [pltpu.VMEM((_CHUNK,), jnp.int32) for _ in range(D)],
            [pltpu.VMEM((_CHUNK, _H), jnp.float32) for _ in range(D)],
            [pltpu.SemaphoreType.DMA for _ in range(D)],
            pltpu.VMEM_SHARED((_NPAD, _H), jnp.float32),
        ],
    )
    def k(h_hbm, src_hbm, dst_hbm, z_hbm, out_hbm, sv, dv, rows, gsem,
          agg_sh):
        cid = lax.axis_index("c")
        sid = lax.axis_index("s")
        wid = sid * _NC + cid
        ebase = wid * _EPT

        def fetch(j, q):
            pltpu.sync_copy(src_hbm.at[pl.ds(ebase + j * _CHUNK, _CHUNK)],
                            sv[q])
            pltpu.sync_copy(dst_hbm.at[pl.ds(ebase + j * _CHUNK, _CHUNK)],
                            dv[q])

        def gather(q):
            pltpu.async_copy(h_hbm.at[sv[q]], rows[q], gsem[q])

        def drain(q):
            pltpu.make_async_copy(h_hbm.at[sv[q]], rows[q], gsem[q]).wait()
            pltpu.sync_copy(rows[q], agg_sh.at[dv[q]], add=True)

        r0 = sid * _ROWS_PER_TILE
        pltpu.sync_copy(z_hbm, agg_sh.at[pl.ds(r0, _ROWS_PER_TILE)])
        fetch(0, 0)
        plsc.subcore_barrier()
        for q in range(D - 1):
            gather(q)
            fetch(q + 1, q + 1)

        def step(j, q, do_fetch):
            gather((q + D - 1) % D)
            drain(q)
            if do_fetch:
                fetch(j + D, q)

        NITER = (_NCHUNK - D) // D

        def body(i, carry):
            for u in range(D):
                step(D * i + u, u, True)
            return carry

        lax.fori_loop(0, NITER, body, 0)
        for j in range(D * NITER, _NCHUNK):
            q = j % D
            if j <= _NCHUNK - D:
                step(j, q, j + D < _NCHUNK)
            else:
                drain(q)
        plsc.subcore_barrier()

        pltpu.sync_copy(agg_sh.at[pl.ds(r0, _ROWS_PER_TILE)],
                        out_hbm.at[cid, pl.ds(r0, _ROWS_PER_TILE)])

    return k(h, src, dst, zrows)


_R = 1000
_G = _N // _R


def _onehot(batch_blk):
    cols = lax.broadcasted_iota(jnp.int32, (batch_blk.shape[0], _B), 1)
    return (batch_blk == cols).astype(jnp.float32)


def _leaky(t):
    return jnp.where(t >= 0, t, 0.2 * t)


def _proj_kernel(x_ref, w_ref, b_ref, vne_ref, batch_ref, h_ref, cnt_ref):
    i = pl.program_id(0)
    h = jnp.dot(x_ref[...], w_ref[...], precision=_PREC,
                preferred_element_type=jnp.float32)
    h_ref[...] = h + b_ref[...] + vne_ref[...]
    p = _onehot(batch_ref[...])
    c = jnp.sum(p, axis=0)[:, None]

    @pl.when(i == 0)
    def _():
        cnt_ref[...] = c

    @pl.when(i > 0)
    def _():
        cnt_ref[...] = cnt_ref[...] + c


def _proj(x, w, b, vne, batch2):
    return pl.pallas_call(
        _proj_kernel,
        grid=(_G,),
        in_specs=[
            pl.BlockSpec((_R, _H), lambda i: (i, 0)),
            pl.BlockSpec((_H, _H), lambda i: (0, 0)),
            pl.BlockSpec((1, _H), lambda i: (0, 0)),
            pl.BlockSpec((1, _H), lambda i: (0, 0)),
            pl.BlockSpec((_R, 1), lambda i: (i, 0)),
        ],
        out_specs=[
            pl.BlockSpec((_R, _H), lambda i: (i, 0)),
            pl.BlockSpec((_B, 1), lambda i: (0, 0)),
        ],
        out_shape=[
            jax.ShapeDtypeStruct((_N, _H), jnp.float32),
            jax.ShapeDtypeStruct((_B, 1), jnp.float32),
        ],
    )(x, w, b, vne, batch2)


def _layer_kernel(h_ref, a0_ref, a1_ref, batch_ref, w1_ref, b1_ref, g_ref,
                  bb_ref, m_ref, v_ref, w2_ref, b2_ref, hout_ref, seg_ref):
    i = pl.program_id(0)
    t = h_ref[...] + a0_ref[...] + a1_ref[...]
    t = jnp.dot(t, w1_ref[...], precision=_PREC,
                preferred_element_type=jnp.float32) + b1_ref[...]
    t = _leaky(t)
    t = g_ref[...] * (t - m_ref[...]) * lax.rsqrt(v_ref[...] + 1e-5) + bb_ref[...]
    t = jnp.dot(t, w2_ref[...], precision=_PREC,
                preferred_element_type=jnp.float32) + b2_ref[...]
    t = _leaky(t)
    hout_ref[...] = t
    p = _onehot(batch_ref[...])
    contrib = jnp.dot(p.T, t, precision=_PREC,
                      preferred_element_type=jnp.float32)

    @pl.when(i == 0)
    def _():
        seg_ref[...] = contrib

    @pl.when(i > 0)
    def _():
        seg_ref[...] = seg_ref[...] + contrib


def _layer(h, a0, a1, batch2, w1, b1, g, bb, m, v, w2, b2):
    full = lambda i: (0, 0)
    blk = lambda i: (i, 0)
    vec = pl.BlockSpec((1, _H), full)
    return pl.pallas_call(
        _layer_kernel,
        grid=(_G,),
        in_specs=[
            pl.BlockSpec((_R, _H), blk),
            pl.BlockSpec((_R, _H), blk),
            pl.BlockSpec((_R, _H), blk),
            pl.BlockSpec((_R, 1), blk),
            pl.BlockSpec((_H, _H), full),
            vec, vec, vec, vec, vec,
            pl.BlockSpec((_H, _H), full),
            vec,
        ],
        out_specs=[
            pl.BlockSpec((_R, _H), blk),
            pl.BlockSpec((_B, _H), full),
        ],
        out_shape=[
            jax.ShapeDtypeStruct((_N, _H), jnp.float32),
            jax.ShapeDtypeStruct((_B, _H), jnp.float32),
        ],
    )(h, a0, a1, batch2, w1, b1, g, bb, m, v, w2, b2)


def _vn_kernel(hout_ref, seg_ref, cnt_ref, vnp_ref, w1_ref, b1_ref, w2_ref,
               b2_ref, batch_ref, hin_ref, vn_ref):
    vn_up = seg_ref[...] / jnp.maximum(cnt_ref[...], 1.0)
    u = jnp.dot(vn_up, w1_ref[...], precision=_PREC,
                preferred_element_type=jnp.float32) + b1_ref[...]
    u = _leaky(u)
    u = jnp.dot(u, w2_ref[...], precision=_PREC,
                preferred_element_type=jnp.float32) + b2_ref[...]
    vn = vnp_ref[...] + u
    vn_ref[...] = vn
    p = _onehot(batch_ref[...])
    hin_ref[...] = hout_ref[...] + jnp.dot(
        p, vn, precision=_PREC, preferred_element_type=jnp.float32)


def _vn_step(hout, seg, cnt, vnp, w1, b1, w2, b2, batch2):
    full = lambda i: (0, 0)
    blk = lambda i: (i, 0)
    vec = pl.BlockSpec((1, _H), full)
    return pl.pallas_call(
        _vn_kernel,
        grid=(_G,),
        in_specs=[
            pl.BlockSpec((_R, _H), blk),
            pl.BlockSpec((_B, _H), full),
            pl.BlockSpec((_B, 1), full),
            pl.BlockSpec((_B, _H), full),
            pl.BlockSpec((_H, _H), full),
            vec,
            pl.BlockSpec((_H, _H), full),
            vec,
            pl.BlockSpec((_R, 1), blk),
        ],
        out_specs=[
            pl.BlockSpec((_R, _H), blk),
            pl.BlockSpec((_B, _H), full),
        ],
        out_shape=[
            jax.ShapeDtypeStruct((_N, _H), jnp.float32),
            jax.ShapeDtypeStruct((_B, _H), jnp.float32),
        ],
    )(hout, seg, cnt, vnp, w1, b1, w2, b2, batch2)


def _final_kernel(seg_ref, g_ref, b_ref, m_ref, v_ref, wfc_ref, bfc_ref,
                  out_ref):
    t = g_ref[...] * (seg_ref[...] - m_ref[...]) * lax.rsqrt(
        v_ref[...] + 1e-5) + b_ref[...]
    out_ref[...] = jnp.dot(t, wfc_ref[...], precision=_PREC,
                           preferred_element_type=jnp.float32) + bfc_ref[...]


def _final(seg, g, b, m, v, wfc, bfc):
    return pl.pallas_call(
        _final_kernel,
        out_shape=jax.ShapeDtypeStruct((_B, wfc.shape[1]), jnp.float32),
    )(seg, g, b, m, v, wfc, bfc)


def kernel(x, edge_index, batch, W_proj, b_proj, conv_W1, conv_b1, bn_g, bn_b,
           bn_m, bn_v, conv_W2, conv_b2, vn_emb, vn_W1, vn_b1, vn_W2, vn_b2,
           fbn_g, fbn_b, fbn_m, fbn_v, W_fc, b_fc):
    npad = _EPT - _E // _NW
    src = jnp.concatenate(
        [edge_index[0].reshape(_NW, -1).astype(jnp.int32),
         jnp.zeros((_NW, npad), jnp.int32)], axis=1).reshape(-1)
    dst = jnp.concatenate(
        [edge_index[1].reshape(_NW, -1).astype(jnp.int32),
         jnp.full((_NW, npad), _NPAD - 1, jnp.int32)], axis=1).reshape(-1)
    batch2 = batch.reshape(_N, 1).astype(jnp.int32)
    zrows = jnp.zeros((_ROWS_PER_TILE, _H), jnp.float32)
    row = lambda a: a.reshape(1, -1)

    h_in, cnt = _proj(x, W_proj, row(b_proj), vn_emb, batch2)
    vn = jnp.tile(vn_emb, (_B, 1))
    seg = None
    for l in range(_LAYERS):
        parts = _edge_agg(h_in, src, dst, zrows)
        h, seg = _layer(h_in, parts[0, :_N], parts[1, :_N], batch2, conv_W1[l],
                        row(conv_b1[l]), row(bn_g[l]), row(bn_b[l]),
                        row(bn_m[l]), row(bn_v[l]), conv_W2[l],
                        row(conv_b2[l]))
        if l < _LAYERS - 1:
            h_in, vn = _vn_step(h, seg, cnt, vn, vn_W1[l], row(vn_b1[l]),
                                vn_W2[l], row(vn_b2[l]), batch2)
    return _final(seg, row(fbn_g), row(fbn_b), row(fbn_m), row(fbn_v),
                  W_fc, row(b_fc))

# --- scband reference (transcript-rebuilt; emitter-appended) ---
"""Pipeline reference for scband-ginvirtual-node-86423331930333 (READ-ONLY COPY).

The authoritative reference and input builder live on the scoring server;
editing this copy changes nothing except your own understanding.
"""

import jax, jax.numpy as jnp
import numpy as np

N = 10000
E = 320000
D_IN = 128
H = 128
LATENT = 64
N_LAYERS = 3
B = 64


def _lin(k, fi, fo):
    return jax.random.normal(k, (fi, fo), jnp.float32) / np.sqrt(fi)


def setup_inputs(seed: int = 0):
    key = jax.random.key(seed)
    ks = jax.random.split(key, 12)
    inp = {}
    inp["x"] = jax.random.normal(ks[0], (N, D_IN), jnp.float32)
    inp["edge_index"] = jax.random.randint(ks[1], (2, E), 0, N)
    inp["batch"] = jnp.sort(jax.random.randint(ks[2], (N,), 0, B))
    inp["W_proj"] = _lin(ks[3], D_IN, H)
    inp["b_proj"] = jnp.zeros((H,), jnp.float32)
    k1 = jax.random.split(ks[4], N_LAYERS)
    k2 = jax.random.split(ks[5], N_LAYERS)
    k3 = jax.random.split(ks[6], N_LAYERS)
    k4 = jax.random.split(ks[7], N_LAYERS)
    inp["conv_W1"] = jnp.stack([_lin(k, H, H) for k in k1])
    inp["conv_b1"] = jnp.zeros((N_LAYERS, H), jnp.float32)
    inp["bn_g"] = jnp.ones((N_LAYERS, H), jnp.float32)
    inp["bn_b"] = jnp.zeros((N_LAYERS, H), jnp.float32)
    inp["bn_m"] = jnp.zeros((N_LAYERS, H), jnp.float32)
    inp["bn_v"] = jnp.ones((N_LAYERS, H), jnp.float32)
    inp["conv_W2"] = jnp.stack([_lin(k, H, H) for k in k2])
    inp["conv_b2"] = jnp.zeros((N_LAYERS, H), jnp.float32)
    inp["vn_emb"] = jax.random.normal(ks[8], (1, H), jnp.float32) * 0.1
    inp["vn_W1"] = jnp.stack([_lin(k, H, H) for k in k3])
    inp["vn_b1"] = jnp.zeros((N_LAYERS, H), jnp.float32)
    inp["vn_W2"] = jnp.stack([_lin(k, H, H) for k in k4])
    inp["vn_b2"] = jnp.zeros((N_LAYERS, H), jnp.float32)
    inp["fbn_g"] = jnp.ones((H,), jnp.float32)
    inp["fbn_b"] = jnp.zeros((H,), jnp.float32)
    inp["fbn_m"] = jnp.zeros((H,), jnp.float32)
    inp["fbn_v"] = jnp.ones((H,), jnp.float32)
    inp["W_fc"] = _lin(ks[9], H, LATENT)
    inp["b_fc"] = jnp.zeros((LATENT,), jnp.float32)
    return inp


def _leaky(x):
    return jnp.where(x >= 0, x, 0.2 * x)


def _bn(x, g, b, m, v):
    return g * (x - m) / jnp.sqrt(v + 1e-5) + b


def reference(x, edge_index, batch, W_proj, b_proj, conv_W1, conv_b1, bn_g, bn_b, bn_m, bn_v, conv_W2, conv_b2, vn_emb, vn_W1, vn_b1, vn_W2, vn_b2, fbn_g, fbn_b, fbn_m, fbn_v, W_fc, b_fc):
    src = edge_index[0]
    dst = edge_index[1]
    h = x @ W_proj + b_proj
    vn = jnp.tile(vn_emb, (B, 1))
    for l in range(N_LAYERS):
        h = h + vn[batch]
        agg = jax.ops.segment_sum(h[src], dst, num_segments=N)
        t = h + agg  # GIN: (1+eps)*x + sum_neighbors, eps=0
        t = _leaky(t @ conv_W1[l] + conv_b1[l])
        t = _bn(t, bn_g[l], bn_b[l], bn_m[l], bn_v[l])
        t = _leaky(t @ conv_W2[l] + conv_b2[l])
        h = t  # dropout is identity in eval mode
        counts = jax.ops.segment_sum(jnp.ones((N,), h.dtype), batch, num_segments=B)
        vn_up = jax.ops.segment_sum(h, batch, num_segments=B) / jnp.maximum(counts, 1.0)[:, None]
        u = _leaky(vn_up @ vn_W1[l] + vn_b1[l]) @ vn_W2[l] + vn_b2[l]
        vn = vn + u
    out = jax.ops.segment_sum(h, batch, num_segments=B)
    out = _bn(out, fbn_g, fbn_b, fbn_m, fbn_v)
    return out @ W_fc + b_fc

if __name__ == "__main__":
    import jax
    _d = setup_inputs()
    print(jax.jit(kernel)(*tuple(_d.values())))

</pallas_src>

<mosaic_0001>
#map = affine_map<(d0, d1) -> (0, 0)>
#map1 = affine_map<(d0, d1) -> (0)>
#map2 = affine_map<(d0, d1) -> (0, 0, 0)>
module attributes {stable_mosaic.version = 14 : i64} {
  func.func @k(%arg0: i32, %arg1: i32, %arg2: memref<10000x128xf32, #tpu.memory_space<hbm>>, %arg3: memref<327680xi32, #tpu.memory_space<hbm>>, %arg4: memref<327680xi32, #tpu.memory_space<hbm>>, %arg5: memref<640x128xf32, #tpu.memory_space<hbm>>, %arg6: memref<2x10240x128xf32, #tpu.memory_space<hbm>>, %arg7: memref<128xi32, #tpu.memory_space<vmem>>, %arg8: memref<128xi32, #tpu.memory_space<vmem>>, %arg9: memref<128xi32, #tpu.memory_space<vmem>>, %arg10: memref<128xi32, #tpu.memory_space<vmem>>, %arg11: memref<128x128xf32, #tpu.memory_space<vmem>>, %arg12: memref<128x128xf32, #tpu.memory_space<vmem>>, %arg13: memref<!tpu.dma_semaphore, #tpu.memory_space<semaphore_mem>>, %arg14: memref<!tpu.dma_semaphore, #tpu.memory_space<semaphore_mem>>, %arg15: memref<10240x128xf32, #tpu.memory_space<vmem_shared>>) attributes {dimension_semantics = [#tpu.dimension_semantics<core_parallel>, #tpu.dimension_semantics<subcore_parallel>], iteration_bounds = array<i64: 2, 16>, scalar_prefetch = 0 : i64, scratch_operands = 9 : i64, tpu.core_type = #tpu.core_type<sc_vector_subcore>, window_params = [{transform_indices = #map}, {transform_indices = #map1}, {transform_indices = #map1}, {transform_indices = #map}, {transform_indices = #map2}]} {
    %mul3A = arith.constant 2 : i32
    %mul3A_0 = arith.muli %arg1, %mul3A : i32
    %add3A = arith.addi %mul3A_0, %arg0 : i32
    %mul3A_1 = arith.constant 10240 : i32
    %mul3A_2 = arith.muli %add3A, %mul3A_1 : i32
    %mul3A_3 = arith.constant 640 : i32
    %mul3A_4 = arith.muli %arg1, %mul3A_3 : i32
    "tpu.region"() ({
      %run_scoped3A = tpu.sem_alloc : memref<!tpu.dma_semaphore, #tpu.memory_space<semaphore_mem>>
      %dma_start3A_29 = arith.constant 0 : i32
      %dma_start3A_30 = tpu.memref_slice %arg15[%mul3A_4, %dma_start3A_29] : memref<10240x128xf32, #tpu.memory_space<vmem_shared>> -> memref<640x128xf32, #tpu.memory_space<vmem_shared>>
      tpu.enqueue_dma source(%arg5 : memref<640x128xf32, #tpu.memory_space<hbm>>) target(%dma_start3A_30 : memref<640x128xf32, #tpu.memory_space<vmem_shared>>) target_semaphore(%run_scoped3A : memref<!tpu.dma_semaphore, #tpu.memory_space<semaphore_mem>>)
      %dma_wait3A_31 = arith.constant 0 : i32
      %dma_wait3A_32 = tpu.memref_slice %arg15[%mul3A_4, %dma_wait3A_31] : memref<10240x128xf32, #tpu.memory_space<vmem_shared>> -> memref<640x128xf32, #tpu.memory_space<vmem_shared>>
      tpu.wait_dma2 semaphore(%run_scoped3A : memref<!tpu.dma_semaphore, #tpu.memory_space<semaphore_mem>>) src(%arg5 : memref<640x128xf32, #tpu.memory_space<hbm>>) dst(%dma_wait3A_32 : memref<640x128xf32, #tpu.memory_space<vmem_shared>>)
      tpu.yield
    }) : () -> ()
    %add3A_5 = arith.constant 0 : i32
    %add3A_6 = arith.addi %mul3A_2, %add3A_5 : i32
    "tpu.region"() ({
      %run_scoped3A = tpu.sem_alloc : memref<!tpu.dma_semaphore, #tpu.memory_space<semaphore_mem>>
      %dma_start3A_29 = tpu.memref_slice %arg3[%add3A_6] : memref<327680xi32, #tpu.memory_space<hbm>> -> memref<128xi32, #tpu.memory_space<hbm>>
      %dma_start3A_30 = tpu.memref_slice %arg3[%add3A_6] : memref<327680xi32, #tpu.memory_space<hbm>> -> memref<128xi32, #tpu.memory_space<hbm>>
      tpu.enqueue_dma source(%dma_start3A_30 : memref<128xi32, #tpu.memory_space<hbm>>) target(%arg7 : memref<128xi32, #tpu.memory_space<vmem>>) target_semaphore(%run_scoped3A : memref<!tpu.dma_semaphore, #tpu.memory_space<semaphore_mem>>)
      %dma_wait3A_31 = tpu.memref_slice %arg3[%add3A_6] : memref<327680xi32, #tpu.memory_space<hbm>> -> memref<128xi32, #tpu.memory_space<hbm>>
      %dma_wait3A_32 = tpu.memref_slice %arg3[%add3A_6] : memref<327680xi32, #tpu.memory_space<hbm>> -> memref<128xi32, #tpu.memory_space<hbm>>
      tpu.wait_dma2 semaphore(%run_scoped3A : memref<!tpu.dma_semaphore, #tpu.memory_space<semaphore_mem>>) src(%dma_wait3A_32 : memref<128xi32, #tpu.memory_space<hbm>>) dst(%arg7 : memref<128xi32, #tpu.memory_space<vmem>>)
      tpu.yield
    }) : () -> ()
    %add3A_7 = arith.constant 0 : i32
    %add3A_8 = arith.addi %mul3A_2, %add3A_7 : i32
    "tpu.region"() ({
      %run_scoped3A = tpu.sem_alloc : memref<!tpu.dma_semaphore, #tpu.memory_space<semaphore_mem>>
      %dma_start3A_29 = tpu.memref_slice %arg4[%add3A_8] : memref<327680xi32, #tpu.memory_space<hbm>> -> memref<128xi32, #tpu.memory_space<hbm>>
      %dma_start3A_30 = tpu.memref_slice %arg4[%add3A_8] : memref<327680xi32, #tpu.memory_space<hbm>> -> memref<128xi32, #tpu.memory_space<hbm>>
      tpu.enqueue_dma source(%dma_start3A_30 : memref<128xi32, #tpu.memory_space<hbm>>) target(%arg9 : memref<128xi32, #tpu.memory_space<vmem>>) target_semaphore(%run_scoped3A : memref<!tpu.dma_semaphore, #tpu.memory_space<semaphore_mem>>)
      %dma_wait3A_31 = tpu.memref_slice %arg4[%add3A_8] : memref<327680xi32, #tpu.memory_space<hbm>> -> memref<128xi32, #tpu.memory_space<hbm>>
      %dma_wait3A_32 = tpu.memref_slice %arg4[%add3A_8] : memref<327680xi32, #tpu.memory_space<hbm>> -> memref<128xi32, #tpu.memory_space<hbm>>
      tpu.wait_dma2 semaphore(%run_scoped3A : memref<!tpu.dma_semaphore, #tpu.memory_space<semaphore_mem>>) src(%dma_wait3A_32 : memref<128xi32, #tpu.memory_space<hbm>>) dst(%arg9 : memref<128xi32, #tpu.memory_space<vmem>>)
      tpu.yield
    }) : () -> ()
    %barrier3A = arith.constant 0 : index
    tpu.barrier barrier_id(%barrier3A)
    %dma_start3A = arith.constant 0 : i32
    %dma_start3A_9 = arith.constant 0 : i32
    %dma_start3A_10 = tpu.memref_slice %arg2[%dma_start3A, %dma_start3A_9] : memref<10000x128xf32, #tpu.memory_space<hbm>> -> memref<10000x128xf32, #tpu.memory_space<hbm>>
    tpu.enqueue_indirect_dma source(%dma_start3A_10 : memref<10000x128xf32, #tpu.memory_space<hbm>>) target(%arg11 : memref<128x128xf32, #tpu.memory_space<vmem>>) offsets(%arg7 : memref<128xi32, #tpu.memory_space<vmem>>) semaphore(%arg13 : memref<!tpu.dma_semaphore, #tpu.memory_space<semaphore_mem>>)
    %add3A_11 = arith.constant 128 : i32
    %add3A_12 = arith.addi %mul3A_2, %add3A_11 : i32
    "tpu.region"() ({
      %run_scoped3A = tpu.sem_alloc : memref<!tpu.dma_semaphore, #tpu.memory_space<semaphore_mem>>
      %dma_start3A_29 = tpu.memref_slice %arg3[%add3A_12] : memref<327680xi32, #tpu.memory_space<hbm>> -> memref<128xi32, #tpu.memory_space<hbm>>
      %dma_start3A_30 = tpu.memref_slice %arg3[%add3A_12] : memref<327680xi32, #tpu.memory_space<hbm>> -> memref<128xi32, #tpu.memory_space<hbm>>
      tpu.enqueue_dma source(%dma_start3A_30 : memref<128xi32, #tpu.memory_space<hbm>>) target(%arg8 : memref<128xi32, #tpu.memory_space<vmem>>) target_semaphore(%run_scoped3A : memref<!tpu.dma_semaphore, #tpu.memory_space<semaphore_mem>>)
      %dma_wait3A_31 = tpu.memref_slice %arg3[%add3A_12] : memref<327680xi32, #tpu.memory_space<hbm>> -> memref<128xi32, #tpu.memory_space<hbm>>
      %dma_wait3A_32 = tpu.memref_slice %arg3[%add3A_12] : memref<327680xi32, #tpu.memory_space<hbm>> -> memref<128xi32, #tpu.memory_space<hbm>>
      tpu.wait_dma2 semaphore(%run_scoped3A : memref<!tpu.dma_semaphore, #tpu.memory_space<semaphore_mem>>) src(%dma_wait3A_32 : memref<128xi32, #tpu.memory_space<hbm>>) dst(%arg8 : memref<128xi32, #tpu.memory_space<vmem>>)
      tpu.yield
    }) : () -> ()
    %add3A_13 = arith.constant 128 : i32
    %add3A_14 = arith.addi %mul3A_2, %add3A_13 : i32
    "tpu.region"() ({
      %run_scoped3A = tpu.sem_alloc : memref<!tpu.dma_semaphore, #tpu.memory_space<semaphore_mem>>
      %dma_start3A_29 = tpu.memref_slice %arg4[%add3A_14] : memref<327680xi32, #tpu.memory_space<hbm>> -> memref<128xi32, #tpu.memory_space<hbm>>
      %dma_start3A_30 = tpu.memref_slice %arg4[%add3A_14] : memref<327680xi32, #tpu.memory_space<hbm>> -> memref<128xi32, #tpu.memory_space<hbm>>
      tpu.enqueue_dma source(%dma_start3A_30 : memref<128xi32, #tpu.memory_space<hbm>>) target(%arg10 : memref<128xi32, #tpu.memory_space<vmem>>) target_semaphore(%run_scoped3A : memref<!tpu.dma_semaphore, #tpu.memory_space<semaphore_mem>>)
      %dma_wait3A_31 = tpu.memref_slice %arg4[%add3A_14] : memref<327680xi32, #tpu.memory_space<hbm>> -> memref<128xi32, #tpu.memory_space<hbm>>
      %dma_wait3A_32 = tpu.memref_slice %arg4[%add3A_14] : memref<327680xi32, #tpu.memory_space<hbm>> -> memref<128xi32, #tpu.memory_space<hbm>>
      tpu.wait_dma2 semaphore(%run_scoped3A : memref<!tpu.dma_semaphore, #tpu.memory_space<semaphore_mem>>) src(%dma_wait3A_32 : memref<128xi32, #tpu.memory_space<hbm>>) dst(%arg10 : memref<128xi32, #tpu.memory_space<vmem>>)
      tpu.yield
    }) : () -> ()
    %scan3A = arith.constant 0 : i32
    %scan3A_15 = arith.constant 0 : i32
    %scan3A_16 = arith.constant 39 : i32
    %scan3A_17 = arith.addi %scan3A_15, %scan3A_16 : i32
    %scan3A_18 = arith.constant 1 : i32
    scf.for %scan3A_29 = %scan3A_15 to %scan3A_17 step %scan3A_18  : i32 {
      %mul3A_30 = arith.constant 2 : i32
      %mul3A_31 = arith.muli %mul3A_30, %scan3A_29 : i32
      %add3A_32 = arith.constant 0 : i32
      %add3A_33 = arith.addi %mul3A_31, %add3A_32 : i32
      %dma_start3A_34 = arith.constant 0 : i32
      %dma_start3A_35 = arith.constant 0 : i32
      %dma_start3A_36 = tpu.memref_slice %arg2[%dma_start3A_34, %dma_start3A_35] : memref<10000x128xf32, #tpu.memory_space<hbm>> -> memref<10000x128xf32, #tpu.memory_space<hbm>>
      tpu.enqueue_indirect_dma source(%dma_start3A_36 : memref<10000x128xf32, #tpu.memory_space<hbm>>) target(%arg12 : memref<128x128xf32, #tpu.memory_space<vmem>>) offsets(%arg8 : memref<128xi32, #tpu.memory_space<vmem>>) semaphore(%arg14 : memref<!tpu.dma_semaphore, #tpu.memory_space<semaphore_mem>>)
      %dma_wait3A_37 = arith.constant 0 : i32
      %dma_wait3A_38 = arith.constant 0 : i32
      %dma_wait3A_39 = tpu.memref_slice %arg2[%dma_wait3A_37, %dma_wait3A_38] : memref<10000x128xf32, #tpu.memory_space<hbm>> -> memref<10000x128xf32, #tpu.memory_space<hbm>>
      tpu.wait_indirect_dma semaphore(%arg13 : memref<!tpu.dma_semaphore, #tpu.memory_space<semaphore_mem>>) src(%dma_wait3A_39 : memref<10000x128xf32, #tpu.memory_space<hbm>>) dst(%arg11 : memref<128x128xf32, #tpu.memory_space<vmem>>)
      "tpu.region"() ({
        %run_scoped3A = tpu.sem_alloc : memref<!tpu.dma_semaphore, #tpu.memory_space<semaphore_mem>>
        %dma_start3A_66 = arith.constant 0 : i32
        %dma_start3A_67 = arith.constant 0 : i32
        %dma_start3A_68 = tpu.memref_slice %arg15[%dma_start3A_66, %dma_start3A_67] : memref<10240x128xf32, #tpu.memory_space<vmem_shared>> -> memref<10240x128xf32, #tpu.memory_space<vmem_shared>>
        tpu.enqueue_indirect_dma source(%arg11 : memref<128x128xf32, #tpu.memory_space<vmem>>) target(%dma_start3A_68 : memref<10240x128xf32, #tpu.memory_space<vmem_shared>>) offsets(%arg9 : memref<128xi32, #tpu.memory_space<vmem>>) semaphore(%run_scoped3A : memref<!tpu.dma_semaphore, #tpu.memory_space<semaphore_mem>>) {add = true}
        %dma_wait3A_69 = arith.constant 0 : i32
        %dma_wait3A_70 = arith.constant 0 : i32
        %dma_wait3A_71 = tpu.memref_slice %arg15[%dma_wait3A_69, %dma_wait3A_70] : memref<10240x128xf32, #tpu.memory_space<vmem_shared>> -> memref<10240x128xf32, #tpu.memory_space<vmem_shared>>
        tpu.wait_indirect_dma semaphore(%run_scoped3A : memref<!tpu.dma_semaphore, #tpu.memory_space<semaphore_mem>>) src(%arg11 : memref<128x128xf32, #tpu.memory_space<vmem>>) dst(%dma_wait3A_71 : memref<10240x128xf32, #tpu.memory_space<vmem_shared>>)
        tpu.yield
      }) : () -> ()
      %add3A_40 = arith.constant 2 : i32
      %add3A_41 = arith.addi %add3A_33, %add3A_40 : i32
      %mul3A_42 = arith.constant 128 : i32
      %mul3A_43 = arith.muli %add3A_41, %mul3A_42 : i32
      %add3A_44 = arith.addi %mul3A_2, %mul3A_43 : i32
      "tpu.region"() ({
        %run_scoped3A = tpu.sem_alloc : memref<!tpu.dma_semaphore, #tpu.memory_space<semaphore_mem>>
        %dma_start3A_66 = tpu.memref_slice %arg3[%add3A_44] : memref<327680xi32, #tpu.memory_space<hbm>> -> memref<128xi32, #tpu.memory_space<hbm>>
        %dma_start3A_67 = tpu.memref_slice %arg3[%add3A_44] : memref<327680xi32, #tpu.memory_space<hbm>> -> memref<128xi32, #tpu.memory_space<hbm>>
        tpu.enqueue_dma source(%dma_start3A_67 : memref<128xi32, #tpu.memory_space<hbm>>) target(%arg7 : memref<128xi32, #tpu.memory_space<vmem>>) target_semaphore(%run_scoped3A : memref<!tpu.dma_semaphore, #tpu.memory_space<semaphore_mem>>)
        %dma_wait3A_68 = tpu.memref_slice %arg3[%add3A_44] : memref<327680xi32, #tpu.memory_space<hbm>> -> memref<128xi32, #tpu.memory_space<hbm>>
        %dma_wait3A_69 = tpu.memref_slice %arg3[%add3A_44] : memref<327680xi32, #tpu.memory_space<hbm>> -> memref<128xi32, #tpu.memory_space<hbm>>
        tpu.wait_dma2 semaphore(%run_scoped3A : memref<!tpu.dma_semaphore, #tpu.memory_space<semaphore_mem>>) src(%dma_wait3A_69 : memref<128xi32, #tpu.memory_space<hbm>>) dst(%arg7 : memref<128xi32, #tpu.memory_space<vmem>>)
        tpu.yield
      }) : () -> ()
      %mul3A_45 = arith.constant 128 : i32
      %mul3A_46 = arith.muli %add3A_41, %mul3A_45 : i32
      %add3A_47 = arith.addi %mul3A_2, %mul3A_46 : i32
      "tpu.region"() ({
        %run_scoped3A = tpu.sem_alloc : memref<!tpu.dma_semaphore, #tpu.memory_space<semaphore_mem>>
        %dma_start3A_66 = tpu.memref_slice %arg4[%add3A_47] : memref<327680xi32, #tpu.memory_space<hbm>> -> memref<128xi32, #tpu.memory_space<hbm>>
        %dma_start3A_67 = tpu.memref_slice %arg4[%add3A_47] : memref<327680xi32, #tpu.memory_space<hbm>> -> memref<128xi32, #tpu.memory_space<hbm>>
        tpu.enqueue_dma source(%dma_start3A_67 : memref<128xi32, #tpu.memory_space<hbm>>) target(%arg9 : memref<128xi32, #tpu.memory_space<vmem>>) target_semaphore(%run_scoped3A : memref<!tpu.dma_semaphore, #tpu.memory_space<semaphore_mem>>)
        %dma_wait3A_68 = tpu.memref_slice %arg4[%add3A_47] : memref<327680xi32, #tpu.memory_space<hbm>> -> memref<128xi32, #tpu.memory_space<hbm>>
        %dma_wait3A_69 = tpu.memref_slice %arg4[%add3A_47] : memref<327680xi32, #tpu.memory_space<hbm>> -> memref<128xi32, #tpu.memory_space<hbm>>
        tpu.wait_dma2 semaphore(%run_scoped3A : memref<!tpu.dma_semaphore, #tpu.memory_space<semaphore_mem>>) src(%dma_wait3A_69 : memref<128xi32, #tpu.memory_space<hbm>>) dst(%arg9 : memref<128xi32, #tpu.memory_space<vmem>>)
        tpu.yield
      }) : () -> ()
      %mul3A_48 = arith.constant 2 : i32
      %mul3A_49 = arith.muli %mul3A_48, %scan3A_29 : i32
      %add3A_50 = arith.constant 1 : i32
      %add3A_51 = arith.addi %mul3A_49, %add3A_50 : i32
      %dma_start3A_52 = arith.constant 0 : i32
      %dma_start3A_53 = arith.constant 0 : i32
      %dma_start3A_54 = tpu.memref_slice %arg2[%dma_start3A_52, %dma_start3A_53] : memref<10000x128xf32, #tpu.memory_space<hbm>> -> memref<10000x128xf32, #tpu.memory_space<hbm>>
      tpu.enqueue_indirect_dma source(%dma_start3A_54 : memref<10000x128xf32, #tpu.memory_space<hbm>>) target(%arg11 : memref<128x128xf32, #tpu.memory_space<vmem>>) offsets(%arg7 : memref<128xi32, #tpu.memory_space<vmem>>) semaphore(%arg13 : memref<!tpu.dma_semaphore, #tpu.memory_space<semaphore_mem>>)
      %dma_wait3A_55 = arith.constant 0 : i32
      %dma_wait3A_56 = arith.constant 0 : i32
      %dma_wait3A_57 = tpu.memref_slice %arg2[%dma_wait3A_55, %dma_wait3A_56] : memref<10000x128xf32, #tpu.memory_space<hbm>> -> memref<10000x128xf32, #tpu.memory_space<hbm>>
      tpu.wait_indirect_dma semaphore(%arg14 : memref<!tpu.dma_semaphore, #tpu.memory_space<semaphore_mem>>) src(%dma_wait3A_57 : memref<10000x128xf32, #tpu.memory_space<hbm>>) dst(%arg12 : memref<128x128xf32, #tpu.memory_space<vmem>>)
      "tpu.region"() ({
        %run_scoped3A = tpu.sem_alloc : memref<!tpu.dma_semaphore, #tpu.memory_space<semaphore_mem>>
        %dma_start3A_66 = arith.constant 0 : i32
        %dma_start3A_67 = arith.constant 0 : i32
        %dma_start3A_68 = tpu.memref_slice %arg15[%dma_start3A_66, %dma_start3A_67] : memref<10240x128xf32, #tpu.memory_space<vmem_shared>> -> memref<10240x128xf32, #tpu.memory_space<vmem_shared>>
        tpu.enqueue_indirect_dma source(%arg12 : memref<128x128xf32, #tpu.memory_space<vmem>>) target(%dma_start3A_68 : memref<10240x128xf32, #tpu.memory_space<vmem_shared>>) offsets(%arg10 : memref<128xi32, #tpu.memory_space<vmem>>) semaphore(%run_scoped3A : memref<!tpu.dma_semaphore, #tpu.memory_space<semaphore_mem>>) {add = true}
        %dma_wait3A_69 = arith.constant 0 : i32
        %dma_wait3A_70 = arith.constant 0 : i32
        %dma_wait3A_71 = tpu.memref_slice %arg15[%dma_wait3A_69, %dma_wait3A_70] : memref<10240x128xf32, #tpu.memory_space<vmem_shared>> -> memref<10240x128xf32, #tpu.memory_space<vmem_shared>>
        tpu.wait_indirect_dma semaphore(%run_scoped3A : memref<!tpu.dma_semaphore, #tpu.memory_space<semaphore_mem>>) src(%arg12 : memref<128x128xf32, #tpu.memory_space<vmem>>) dst(%dma_wait3A_71 : memref<10240x128xf32, #tpu.memory_space<vmem_shared>>)
        tpu.yield
      }) : () -> ()
      %add3A_58 = arith.constant 2 : i32
      %add3A_59 = arith.addi %add3A_51, %add3A_58 : i32
      %mul3A_60 = arith.constant 128 : i32
      %mul3A_61 = arith.muli %add3A_59, %mul3A_60 : i32
      %add3A_62 = arith.addi %mul3A_2, %mul3A_61 : i32
      "tpu.region"() ({
        %run_scoped3A = tpu.sem_alloc : memref<!tpu.dma_semaphore, #tpu.memory_space<semaphore_mem>>
        %dma_start3A_66 = tpu.memref_slice %arg3[%add3A_62] : memref<327680xi32, #tpu.memory_space<hbm>> -> memref<128xi32, #tpu.memory_space<hbm>>
        %dma_start3A_67 = tpu.memref_slice %arg3[%add3A_62] : memref<327680xi32, #tpu.memory_space<hbm>> -> memref<128xi32, #tpu.memory_space<hbm>>
        tpu.enqueue_dma source(%dma_start3A_67 : memref<128xi32, #tpu.memory_space<hbm>>) target(%arg8 : memref<128xi32, #tpu.memory_space<vmem>>) target_semaphore(%run_scoped3A : memref<!tpu.dma_semaphore, #tpu.memory_space<semaphore_mem>>)
        %dma_wait3A_68 = tpu.memref_slice %arg3[%add3A_62] : memref<327680xi32, #tpu.memory_space<hbm>> -> memref<128xi32, #tpu.memory_space<hbm>>
        %dma_wait3A_69 = tpu.memref_slice %arg3[%add3A_62] : memref<327680xi32, #tpu.memory_space<hbm>> -> memref<128xi32, #tpu.memory_space<hbm>>
        tpu.wait_dma2 semaphore(%run_scoped3A : memref<!tpu.dma_semaphore, #tpu.memory_space<semaphore_mem>>) src(%dma_wait3A_69 : memref<128xi32, #tpu.memory_space<hbm>>) dst(%arg8 : memref<128xi32, #tpu.memory_space<vmem>>)
        tpu.yield
      }) : () -> ()
      %mul3A_63 = arith.constant 128 : i32
      %mul3A_64 = arith.muli %add3A_59, %mul3A_63 : i32
      %add3A_65 = arith.addi %mul3A_2, %mul3A_64 : i32
      "tpu.region"() ({
        %run_scoped3A = tpu.sem_alloc : memref<!tpu.dma_semaphore, #tpu.memory_space<semaphore_mem>>
        %dma_start3A_66 = tpu.memref_slice %arg4[%add3A_65] : memref<327680xi32, #tpu.memory_space<hbm>> -> memref<128xi32, #tpu.memory_space<hbm>>
        %dma_start3A_67 = tpu.memref_slice %arg4[%add3A_65] : memref<327680xi32, #tpu.memory_space<hbm>> -> memref<128xi32, #tpu.memory_space<hbm>>
        tpu.enqueue_dma source(%dma_start3A_67 : memref<128xi32, #tpu.memory_space<hbm>>) target(%arg10 : memref<128xi32, #tpu.memory_space<vmem>>) target_semaphore(%run_scoped3A : memref<!tpu.dma_semaphore, #tpu.memory_space<semaphore_mem>>)
        %dma_wait3A_68 = tpu.memref_slice %arg4[%add3A_65] : memref<327680xi32, #tpu.memory_space<hbm>> -> memref<128xi32, #tpu.memory_space<hbm>>
        %dma_wait3A_69 = tpu.memref_slice %arg4[%add3A_65] : memref<327680xi32, #tpu.memory_space<hbm>> -> memref<128xi32, #tpu.memory_space<hbm>>
        tpu.wait_dma2 semaphore(%run_scoped3A : memref<!tpu.dma_semaphore, #tpu.memory_space<semaphore_mem>>) src(%dma_wait3A_69 : memref<128xi32, #tpu.memory_space<hbm>>) dst(%arg10 : memref<128xi32, #tpu.memory_space<vmem>>)
        tpu.yield
      }) : () -> ()
    }
    %scan3A_19 = arith.constant 39 : i32
    %dma_start3A_20 = arith.constant 0 : i32
    %dma_start3A_21 = arith.constant 0 : i32
    %dma_start3A_22 = tpu.memref_slice %arg2[%dma_start3A_20, %dma_start3A_21] : memref<10000x128xf32, #tpu.memory_space<hbm>> -> memref<10000x128xf32, #tpu.memory_space<hbm>>
    tpu.enqueue_indirect_dma source(%dma_start3A_22 : memref<10000x128xf32, #tpu.memory_space<hbm>>) target(%arg12 : memref<128x128xf32, #tpu.memory_space<vmem>>) offsets(%arg8 : memref<128xi32, #tpu.memory_space<vmem>>) semaphore(%arg14 : memref<!tpu.dma_semaphore, #tpu.memory_space<semaphore_mem>>)
    %dma_wait3A = arith.constant 0 : i32
    %dma_wait3A_23 = arith.constant 0 : i32
    %dma_wait3A_24 = tpu.memref_slice %arg2[%dma_wait3A, %dma_wait3A_23] : memref<10000x128xf32, #tpu.memory_space<hbm>> -> memref<10000x128xf32, #tpu.memory_space<hbm>>
    tpu.wait_indirect_dma semaphore(%arg13 : memref<!tpu.dma_semaphore, #tpu.memory_space<semaphore_mem>>) src(%dma_wait3A_24 : memref<10000x128xf32, #tpu.memory_space<hbm>>) dst(%arg11 : memref<128x128xf32, #tpu.memory_space<vmem>>)
    "tpu.region"() ({
      %run_scoped3A = tpu.sem_alloc : memref<!tpu.dma_semaphore, #tpu.memory_space<semaphore_mem>>
      %dma_start3A_29 = arith.constant 0 : i32
      %dma_start3A_30 = arith.constant 0 : i32
      %dma_start3A_31 = tpu.memref_slice %arg15[%dma_start3A_29, %dma_start3A_30] : memref<10240x128xf32, #tpu.memory_space<vmem_shared>> -> memref<10240x128xf32, #tpu.memory_space<vmem_shared>>
      tpu.enqueue_indirect_dma source(%arg11 : memref<128x128xf32, #tpu.memory_space<vmem>>) target(%dma_start3A_31 : memref<10240x128xf32, #tpu.memory_space<vmem_shared>>) offsets(%arg9 : memref<128xi32, #tpu.memory_space<vmem>>) semaphore(%run_scoped3A : memref<!tpu.dma_semaphore, #tpu.memory_space<semaphore_mem>>) {add = true}
      %dma_wait3A_32 = arith.constant 0 : i32
      %dma_wait3A_33 = arith.constant 0 : i32
      %dma_wait3A_34 = tpu.memref_slice %arg15[%dma_wait3A_32, %dma_wait3A_33] : memref<10240x128xf32, #tpu.memory_space<vmem_shared>> -> memref<10240x128xf32, #tpu.memory_space<vmem_shared>>
      tpu.wait_indirect_dma semaphore(%run_scoped3A : memref<!tpu.dma_semaphore, #tpu.memory_space<semaphore_mem>>) src(%arg11 : memref<128x128xf32, #tpu.memory_space<vmem>>) dst(%dma_wait3A_34 : memref<10240x128xf32, #tpu.memory_space<vmem_shared>>)
      tpu.yield
    }) : () -> ()
    %dma_wait3A_25 = arith.constant 0 : i32
    %dma_wait3A_26 = arith.constant 0 : i32
    %dma_wait3A_27 = tpu.memref_slice %arg2[%dma_wait3A_25, %dma_wait3A_26] : memref<10000x128xf32, #tpu.memory_space<hbm>> -> memref<10000x128xf32, #tpu.memory_space<hbm>>
    tpu.wait_indirect_dma semaphore(%arg14 : memref<!tpu.dma_semaphore, #tpu.memory_space<semaphore_mem>>) src(%dma_wait3A_27 : memref<10000x128xf32, #tpu.memory_space<hbm>>) dst(%arg12 : memref<128x128xf32, #tpu.memory_space<vmem>>)
    "tpu.region"() ({
      %run_scoped3A = tpu.sem_alloc : memref<!tpu.dma_semaphore, #tpu.memory_space<semaphore_mem>>
      %dma_start3A_29 = arith.constant 0 : i32
      %dma_start3A_30 = arith.constant 0 : i32
      %dma_start3A_31 = tpu.memref_slice %arg15[%dma_start3A_29, %dma_start3A_30] : memref<10240x128xf32, #tpu.memory_space<vmem_shared>> -> memref<10240x128xf32, #tpu.memory_space<vmem_shared>>
      tpu.enqueue_indirect_dma source(%arg12 : memref<128x128xf32, #tpu.memory_space<vmem>>) target(%dma_start3A_31 : memref<10240x128xf32, #tpu.memory_space<vmem_shared>>) offsets(%arg10 : memref<128xi32, #tpu.memory_space<vmem>>) semaphore(%run_scoped3A : memref<!tpu.dma_semaphore, #tpu.memory_space<semaphore_mem>>) {add = true}
      %dma_wait3A_32 = arith.constant 0 : i32
      %dma_wait3A_33 = arith.constant 0 : i32
      %dma_wait3A_34 = tpu.memref_slice %arg15[%dma_wait3A_32, %dma_wait3A_33] : memref<10240x128xf32, #tpu.memory_space<vmem_shared>> -> memref<10240x128xf32, #tpu.memory_space<vmem_shared>>
      tpu.wait_indirect_dma semaphore(%run_scoped3A : memref<!tpu.dma_semaphore, #tpu.memory_space<semaphore_mem>>) src(%arg12 : memref<128x128xf32, #tpu.memory_space<vmem>>) dst(%dma_wait3A_34 : memref<10240x128xf32, #tpu.memory_space<vmem_shared>>)
      tpu.yield
    }) : () -> ()
    %barrier3A_28 = arith.constant 0 : index
    tpu.barrier barrier_id(%barrier3A_28)
    "tpu.region"() ({
      %run_scoped3A = tpu.sem_alloc : memref<!tpu.dma_semaphore, #tpu.memory_space<semaphore_mem>>
      %dma_start3A_29 = arith.constant 0 : i32
      %dma_start3A_30 = tpu.memref_slice %arg6[%arg0, %mul3A_4, %dma_start3A_29] : memref<2x10240x128xf32, #tpu.memory_space<hbm>> -> memref<1x640x128xf32, #tpu.memory_space<hbm>>
      %dma_start3A_31 = tpu.memref_squeeze %dma_start3A_30 : memref<1x640x128xf32, #tpu.memory_space<hbm>> -> memref<640x128xf32, #tpu.memory_space<hbm>>
      %dma_start3A_32 = arith.constant 0 : i32
      %dma_start3A_33 = tpu.memref_slice %arg15[%mul3A_4, %dma_start3A_32] : memref<10240x128xf32, #tpu.memory_space<vmem_shared>> -> memref<640x128xf32, #tpu.memory_space<vmem_shared>>
      tpu.enqueue_dma source(%dma_start3A_33 : memref<640x128xf32, #tpu.memory_space<vmem_shared>>) target(%dma_start3A_31 : memref<640x128xf32, #tpu.memory_space<hbm>>) target_semaphore(%run_scoped3A : memref<!tpu.dma_semaphore, #tpu.memory_space<semaphore_mem>>)
      %dma_wait3A_34 = arith.constant 0 : i32
      %dma_wait3A_35 = tpu.memref_slice %arg6[%arg0, %mul3A_4, %dma_wait3A_34] : memref<2x10240x128xf32, #tpu.memory_space<hbm>> -> memref<1x640x128xf32, #tpu.memory_space<hbm>>
      %dma_wait3A_36 = tpu.memref_squeeze %dma_wait3A_35 : memref<1x640x128xf32, #tpu.memory_space<hbm>> -> memref<640x128xf32, #tpu.memory_space<hbm>>
      %dma_wait3A_37 = arith.constant 0 : i32
      %dma_wait3A_38 = tpu.memref_slice %arg15[%mul3A_4, %dma_wait3A_37] : memref<10240x128xf32, #tpu.memory_space<vmem_shared>> -> memref<640x128xf32, #tpu.memory_space<vmem_shared>>
      tpu.wait_dma2 semaphore(%run_scoped3A : memref<!tpu.dma_semaphore, #tpu.memory_space<semaphore_mem>>) src(%dma_wait3A_38 : memref<640x128xf32, #tpu.memory_space<vmem_shared>>) dst(%dma_wait3A_36 : memref<640x128xf32, #tpu.memory_space<hbm>>)
      tpu.yield
    }) : () -> ()
    return
  }
}

#map = affine_map<(d0, d1) -> (0, 0)>
#map1 = affine_map<(d0, d1) -> (0)>
#map2 = affine_map<(d0, d1) -> (0, 0, 0)>
module attributes {stable_mosaic.version = 14 : i64} {
  func.func @k(%arg0: i32, %arg1: i32, %arg2: memref<10000x128xf32, #tpu.memory_space<hbm>>, %arg3: memref<327680xi32, #tpu.memory_space<hbm>>, %arg4: memref<327680xi32, #tpu.memory_space<hbm>>, %arg5: memref<640x128xf32, #tpu.memory_space<hbm>>, %arg6: memref<2x10240x128xf32, #tpu.memory_space<hbm>>, %arg7: memref<128xi32, #tpu.memory_space<vmem>>, %arg8: memref<128xi32, #tpu.memory_space<vmem>>, %arg9: memref<128xi32, #tpu.memory_space<vmem>>, %arg10: memref<128xi32, #tpu.memory_space<vmem>>, %arg11: memref<128x128xf32, #tpu.memory_space<vmem>>, %arg12: memref<128x128xf32, #tpu.memory_space<vmem>>, %arg13: memref<!tpu.dma_semaphore, #tpu.memory_space<semaphore_mem>>, %arg14: memref<!tpu.dma_semaphore, #tpu.memory_space<semaphore_mem>>, %arg15: memref<10240x128xf32, #tpu.memory_space<vmem_shared>>) attributes {dimension_semantics = [#tpu.dimension_semantics<core_parallel>, #tpu.dimension_semantics<subcore_parallel>], iteration_bounds = array<i64: 2, 16>, scalar_prefetch = 0 : i64, scratch_operands = 9 : i64, tpu.core_type = #tpu.core_type<sc_vector_subcore>, window_params = [{transform_indices = #map}, {transform_indices = #map1}, {transform_indices = #map1}, {transform_indices = #map}, {transform_indices = #map2}]} {
    %mul3A = arith.constant 2 : i32
    %mul3A_0 = arith.muli %arg1, %mul3A : i32
    %add3A = arith.addi %mul3A_0, %arg0 : i32
    %mul3A_1 = arith.constant 10240 : i32
    %mul3A_2 = arith.muli %add3A, %mul3A_1 : i32
    %mul3A_3 = arith.constant 640 : i32
    %mul3A_4 = arith.muli %arg1, %mul3A_3 : i32
    "tpu.region"() ({
      %run_scoped3A = tpu.sem_alloc : memref<!tpu.dma_semaphore, #tpu.memory_space<semaphore_mem>>
      %dma_start3A_29 = arith.constant 0 : i32
      %dma_start3A_30 = tpu.memref_slice %arg15[%mul3A_4, %dma_start3A_29] : memref<10240x128xf32, #tpu.memory_space<vmem_shared>> -> memref<640x128xf32, #tpu.memory_space<vmem_shared>>
      tpu.enqueue_dma source(%arg5 : memref<640x128xf32, #tpu.memory_space<hbm>>) target(%dma_start3A_30 : memref<640x128xf32, #tpu.memory_space<vmem_shared>>) target_semaphore(%run_scoped3A : memref<!tpu.dma_semaphore, #tpu.memory_space<semaphore_mem>>)
      %dma_wait3A_31 = arith.constant 0 : i32
      %dma_wait3A_32 = tpu.memref_slice %arg15[%mul3A_4, %dma_wait3A_31] : memref<10240x128xf32, #tpu.memory_space<vmem_shared>> -> memref<640x128xf32, #tpu.memory_space<vmem_shared>>
      tpu.wait_dma2 semaphore(%run_scoped3A : memref<!tpu.dma_semaphore, #tpu.memory_space<semaphore_mem>>) src(%arg5 : memref<640x128xf32, #tpu.memory_space<hbm>>) dst(%dma_wait3A_32 : memref<640x128xf32, #tpu.memory_space<vmem_shared>>)
      tpu.yield
    }) : () -> ()
    %add3A_5 = arith.constant 0 : i32
    %add3A_6 = arith.addi %mul3A_2, %add3A_5 : i32
    "tpu.region"() ({
      %run_scoped3A = tpu.sem_alloc : memref<!tpu.dma_semaphore, #tpu.memory_space<semaphore_mem>>
      %dma_start3A_29 = tpu.memref_slice %arg3[%add3A_6] : memref<327680xi32, #tpu.memory_space<hbm>> -> memref<128xi32, #tpu.memory_space<hbm>>
      %dma_start3A_30 = tpu.memref_slice %arg3[%add3A_6] : memref<327680xi32, #tpu.memory_space<hbm>> -> memref<128xi32, #tpu.memory_space<hbm>>
      tpu.enqueue_dma source(%dma_start3A_30 : memref<128xi32, #tpu.memory_space<hbm>>) target(%arg7 : memref<128xi32, #tpu.memory_space<vmem>>) target_semaphore(%run_scoped3A : memref<!tpu.dma_semaphore, #tpu.memory_space<semaphore_mem>>)
      %dma_wait3A_31 = tpu.memref_slice %arg3[%add3A_6] : memref<327680xi32, #tpu.memory_space<hbm>> -> memref<128xi32, #tpu.memory_space<hbm>>
      %dma_wait3A_32 = tpu.memref_slice %arg3[%add3A_6] : memref<327680xi32, #tpu.memory_space<hbm>> -> memref<128xi32, #tpu.memory_space<hbm>>
      tpu.wait_dma2 semaphore(%run_scoped3A : memref<!tpu.dma_semaphore, #tpu.memory_space<semaphore_mem>>) src(%dma_wait3A_32 : memref<128xi32, #tpu.memory_space<hbm>>) dst(%arg7 : memref<128xi32, #tpu.memory_space<vmem>>)
      tpu.yield
    }) : () -> ()
    %add3A_7 = arith.constant 0 : i32
    %add3A_8 = arith.addi %mul3A_2, %add3A_7 : i32
    "tpu.region"() ({
      %run_scoped3A = tpu.sem_alloc : memref<!tpu.dma_semaphore, #tpu.memory_space<semaphore_mem>>
      %dma_start3A_29 = tpu.memref_slice %arg4[%add3A_8] : memref<327680xi32, #tpu.memory_space<hbm>> -> memref<128xi32, #tpu.memory_space<hbm>>
      %dma_start3A_30 = tpu.memref_slice %arg4[%add3A_8] : memref<327680xi32, #tpu.memory_space<hbm>> -> memref<128xi32, #tpu.memory_space<hbm>>
      tpu.enqueue_dma source(%dma_start3A_30 : memref<128xi32, #tpu.memory_space<hbm>>) target(%arg9 : memref<128xi32, #tpu.memory_space<vmem>>) target_semaphore(%run_scoped3A : memref<!tpu.dma_semaphore, #tpu.memory_space<semaphore_mem>>)
      %dma_wait3A_31 = tpu.memref_slice %arg4[%add3A_8] : memref<327680xi32, #tpu.memory_space<hbm>> -> memref<128xi32, #tpu.memory_space<hbm>>
      %dma_wait3A_32 = tpu.memref_slice %arg4[%add3A_8] : memref<327680xi32, #tpu.memory_space<hbm>> -> memref<128xi32, #tpu.memory_space<hbm>>
      tpu.wait_dma2 semaphore(%run_scoped3A : memref<!tpu.dma_semaphore, #tpu.memory_space<semaphore_mem>>) src(%dma_wait3A_32 : memref<128xi32, #tpu.memory_space<hbm>>) dst(%arg9 : memref<128xi32, #tpu.memory_space<vmem>>)
      tpu.yield
    }) : () -> ()
    %barrier3A = arith.constant 0 : index
    tpu.barrier barrier_id(%barrier3A)
    %dma_start3A = arith.constant 0 : i32
    %dma_start3A_9 = arith.constant 0 : i32
    %dma_start3A_10 = tpu.memref_slice %arg2[%dma_start3A, %dma_start3A_9] : memref<10000x128xf32, #tpu.memory_space<hbm>> -> memref<10000x128xf32, #tpu.memory_space<hbm>>
    tpu.enqueue_indirect_dma source(%dma_start3A_10 : memref<10000x128xf32, #tpu.memory_space<hbm>>) target(%arg11 : memref<128x128xf32, #tpu.memory_space<vmem>>) offsets(%arg7 : memref<128xi32, #tpu.memory_space<vmem>>) semaphore(%arg13 : memref<!tpu.dma_semaphore, #tpu.memory_space<semaphore_mem>>)
    %add3A_11 = arith.constant 128 : i32
    %add3A_12 = arith.addi %mul3A_2, %add3A_11 : i32
    "tpu.region"() ({
      %run_scoped3A = tpu.sem_alloc : memref<!tpu.dma_semaphore, #tpu.memory_space<semaphore_mem>>
      %dma_start3A_29 = tpu.memref_slice %arg3[%add3A_12] : memref<327680xi32, #tpu.memory_space<hbm>> -> memref<128xi32, #tpu.memory_space<hbm>>
      %dma_start3A_30 = tpu.memref_slice %arg3[%add3A_12] : memref<327680xi32, #tpu.memory_space<hbm>> -> memref<128xi32, #tpu.memory_space<hbm>>
      tpu.enqueue_dma source(%dma_start3A_30 : memref<128xi32, #tpu.memory_space<hbm>>) target(%arg8 : memref<128xi32, #tpu.memory_space<vmem>>) target_semaphore(%run_scoped3A : memref<!tpu.dma_semaphore, #tpu.memory_space<semaphore_mem>>)
      %dma_wait3A_31 = tpu.memref_slice %arg3[%add3A_12] : memref<327680xi32, #tpu.memory_space<hbm>> -> memref<128xi32, #tpu.memory_space<hbm>>
      %dma_wait3A_32 = tpu.memref_slice %arg3[%add3A_12] : memref<327680xi32, #tpu.memory_space<hbm>> -> memref<128xi32, #tpu.memory_space<hbm>>
      tpu.wait_dma2 semaphore(%run_scoped3A : memref<!tpu.dma_semaphore, #tpu.memory_space<semaphore_mem>>) src(%dma_wait3A_32 : memref<128xi32, #tpu.memory_space<hbm>>) dst(%arg8 : memref<128xi32, #tpu.memory_space<vmem>>)
      tpu.yield
    }) : () -> ()
    %add3A_13 = arith.constant 128 : i32
    %add3A_14 = arith.addi %mul3A_2, %add3A_13 : i32
    "tpu.region"() ({
      %run_scoped3A = tpu.sem_alloc : memref<!tpu.dma_semaphore, #tpu.memory_space<semaphore_mem>>
      %dma_start3A_29 = tpu.memref_slice %arg4[%add3A_14] : memref<327680xi32, #tpu.memory_space<hbm>> -> memref<128xi32, #tpu.memory_space<hbm>>
      %dma_start3A_30 = tpu.memref_slice %arg4[%add3A_14] : memref<327680xi32, #tpu.memory_space<hbm>> -> memref<128xi32, #tpu.memory_space<hbm>>
      tpu.enqueue_dma source(%dma_start3A_30 : memref<128xi32, #tpu.memory_space<hbm>>) target(%arg10 : memref<128xi32, #tpu.memory_space<vmem>>) target_semaphore(%run_scoped3A : memref<!tpu.dma_semaphore, #tpu.memory_space<semaphore_mem>>)
      %dma_wait3A_31 = tpu.memref_slice %arg4[%add3A_14] : memref<327680xi32, #tpu.memory_space<hbm>> -> memref<128xi32, #tpu.memory_space<hbm>>
      %dma_wait3A_32 = tpu.memref_slice %arg4[%add3A_14] : memref<327680xi32, #tpu.memory_space<hbm>> -> memref<128xi32, #tpu.memory_space<hbm>>
      tpu.wait_dma2 semaphore(%run_scoped3A : memref<!tpu.dma_semaphore, #tpu.memory_space<semaphore_mem>>) src(%dma_wait3A_32 : memref<128xi32, #tpu.memory_space<hbm>>) dst(%arg10 : memref<128xi32, #tpu.memory_space<vmem>>)
      tpu.yield
    }) : () -> ()
    %scan3A = arith.constant 0 : i32
    %scan3A_15 = arith.constant 0 : i32
    %scan3A_16 = arith.constant 39 : i32
    %scan3A_17 = arith.addi %scan3A_15, %scan3A_16 : i32
    %scan3A_18 = arith.constant 1 : i32
    scf.for %scan3A_29 = %scan3A_15 to %scan3A_17 step %scan3A_18  : i32 {
      %mul3A_30 = arith.constant 2 : i32
      %mul3A_31 = arith.muli %mul3A_30, %scan3A_29 : i32
      %add3A_32 = arith.constant 0 : i32
      %add3A_33 = arith.addi %mul3A_31, %add3A_32 : i32
      %dma_start3A_34 = arith.constant 0 : i32
      %dma_start3A_35 = arith.constant 0 : i32
      %dma_start3A_36 = tpu.memref_slice %arg2[%dma_start3A_34, %dma_start3A_35] : memref<10000x128xf32, #tpu.memory_space<hbm>> -> memref<10000x128xf32, #tpu.memory_space<hbm>>
      tpu.enqueue_indirect_dma source(%dma_start3A_36 : memref<10000x128xf32, #tpu.memory_space<hbm>>) target(%arg12 : memref<128x128xf32, #tpu.memory_space<vmem>>) offsets(%arg8 : memref<128xi32, #tpu.memory_space<vmem>>) semaphore(%arg14 : memref<!tpu.dma_semaphore, #tpu.memory_space<semaphore_mem>>)
      %dma_wait3A_37 = arith.constant 0 : i32
      %dma_wait3A_38 = arith.constant 0 : i32
      %dma_wait3A_39 = tpu.memref_slice %arg2[%dma_wait3A_37, %dma_wait3A_38] : memref<10000x128xf32, #tpu.memory_space<hbm>> -> memref<10000x128xf32, #tpu.memory_space<hbm>>
      tpu.wait_indirect_dma semaphore(%arg13 : memref<!tpu.dma_semaphore, #tpu.memory_space<semaphore_mem>>) src(%dma_wait3A_39 : memref<10000x128xf32, #tpu.memory_space<hbm>>) dst(%arg11 : memref<128x128xf32, #tpu.memory_space<vmem>>)
      "tpu.region"() ({
        %run_scoped3A = tpu.sem_alloc : memref<!tpu.dma_semaphore, #tpu.memory_space<semaphore_mem>>
        %dma_start3A_66 = arith.constant 0 : i32
        %dma_start3A_67 = arith.constant 0 : i32
        %dma_start3A_68 = tpu.memref_slice %arg15[%dma_start3A_66, %dma_start3A_67] : memref<10240x128xf32, #tpu.memory_space<vmem_shared>> -> memref<10240x128xf32, #tpu.memory_space<vmem_shared>>
        tpu.enqueue_indirect_dma source(%arg11 : memref<128x128xf32, #tpu.memory_space<vmem>>) target(%dma_start3A_68 : memref<10240x128xf32, #tpu.memory_space<vmem_shared>>) offsets(%arg9 : memref<128xi32, #tpu.memory_space<vmem>>) semaphore(%run_scoped3A : memref<!tpu.dma_semaphore, #tpu.memory_space<semaphore_mem>>) {add = true}
        %dma_wait3A_69 = arith.constant 0 : i32
        %dma_wait3A_70 = arith.constant 0 : i32
        %dma_wait3A_71 = tpu.memref_slice %arg15[%dma_wait3A_69, %dma_wait3A_70] : memref<10240x128xf32, #tpu.memory_space<vmem_shared>> -> memref<10240x128xf32, #tpu.memory_space<vmem_shared>>
        tpu.wait_indirect_dma semaphore(%run_scoped3A : memref<!tpu.dma_semaphore, #tpu.memory_space<semaphore_mem>>) src(%arg11 : memref<128x128xf32, #tpu.memory_space<vmem>>) dst(%dma_wait3A_71 : memref<10240x128xf32, #tpu.memory_space<vmem_shared>>)
        tpu.yield
      }) : () -> ()
      %add3A_40 = arith.constant 2 : i32
      %add3A_41 = arith.addi %add3A_33, %add3A_40 : i32
      %mul3A_42 = arith.constant 128 : i32
      %mul3A_43 = arith.muli %add3A_41, %mul3A_42 : i32
      %add3A_44 = arith.addi %mul3A_2, %mul3A_43 : i32
      "tpu.region"() ({
        %run_scoped3A = tpu.sem_alloc : memref<!tpu.dma_semaphore, #tpu.memory_space<semaphore_mem>>
        %dma_start3A_66 = tpu.memref_slice %arg3[%add3A_44] : memref<327680xi32, #tpu.memory_space<hbm>> -> memref<128xi32, #tpu.memory_space<hbm>>
        %dma_start3A_67 = tpu.memref_slice %arg3[%add3A_44] : memref<327680xi32, #tpu.memory_space<hbm>> -> memref<128xi32, #tpu.memory_space<hbm>>
        tpu.enqueue_dma source(%dma_start3A_67 : memref<128xi32, #tpu.memory_space<hbm>>) target(%arg7 : memref<128xi32, #tpu.memory_space<vmem>>) target_semaphore(%run_scoped3A : memref<!tpu.dma_semaphore, #tpu.memory_space<semaphore_mem>>)
        %dma_wait3A_68 = tpu.memref_slice %arg3[%add3A_44] : memref<327680xi32, #tpu.memory_space<hbm>> -> memref<128xi32, #tpu.memory_space<hbm>>
        %dma_wait3A_69 = tpu.memref_slice %arg3[%add3A_44] : memref<327680xi32, #tpu.memory_space<hbm>> -> memref<128xi32, #tpu.memory_space<hbm>>
        tpu.wait_dma2 semaphore(%run_scoped3A : memref<!tpu.dma_semaphore, #tpu.memory_space<semaphore_mem>>) src(%dma_wait3A_69 : memref<128xi32, #tpu.memory_space<hbm>>) dst(%arg7 : memref<128xi32, #tpu.memory_space<vmem>>)
        tpu.yield
      }) : () -> ()
      %mul3A_45 = arith.constant 128 : i32
      %mul3A_46 = arith.muli %add3A_41, %mul3A_45 : i32
      %add3A_47 = arith.addi %mul3A_2, %mul3A_46 : i32
      "tpu.region"() ({
        %run_scoped3A = tpu.sem_alloc : memref<!tpu.dma_semaphore, #tpu.memory_space<semaphore_mem>>
        %dma_start3A_66 = tpu.memref_slice %arg4[%add3A_47] : memref<327680xi32, #tpu.memory_space<hbm>> -> memref<128xi32, #tpu.memory_space<hbm>>
        %dma_start3A_67 = tpu.memref_slice %arg4[%add3A_47] : memref<327680xi32, #tpu.memory_space<hbm>> -> memref<128xi32, #tpu.memory_space<hbm>>
        tpu.enqueue_dma source(%dma_start3A_67 : memref<128xi32, #tpu.memory_space<hbm>>) target(%arg9 : memref<128xi32, #tpu.memory_space<vmem>>) target_semaphore(%run_scoped3A : memref<!tpu.dma_semaphore, #tpu.memory_space<semaphore_mem>>)
        %dma_wait3A_68 = tpu.memref_slice %arg4[%add3A_47] : memref<327680xi32, #tpu.memory_space<hbm>> -> memref<128xi32, #tpu.memory_space<hbm>>
        %dma_wait3A_69 = tpu.memref_slice %arg4[%add3A_47] : memref<327680xi32, #tpu.memory_space<hbm>> -> memref<128xi32, #tpu.memory_space<hbm>>
        tpu.wait_dma2 semaphore(%run_scoped3A : memref<!tpu.dma_semaphore, #tpu.memory_space<semaphore_mem>>) src(%dma_wait3A_69 : memref<128xi32, #tpu.memory_space<hbm>>) dst(%arg9 : memref<128xi32, #tpu.memory_space<vmem>>)
        tpu.yield
      }) : () -> ()
      %mul3A_48 = arith.constant 2 : i32
      %mul3A_49 = arith.muli %mul3A_48, %scan3A_29 : i32
      %add3A_50 = arith.constant 1 : i32
      %add3A_51 = arith.addi %mul3A_49, %add3A_50 : i32
      %dma_start3A_52 = arith.constant 0 : i32
      %dma_start3A_53 = arith.constant 0 : i32
      %dma_start3A_54 = tpu.memref_slice %arg2[%dma_start3A_52, %dma_start3A_53] : memref<10000x128xf32, #tpu.memory_space<hbm>> -> memref<10000x128xf32, #tpu.memory_space<hbm>>
      tpu.enqueue_indirect_dma source(%dma_start3A_54 : memref<10000x128xf32, #tpu.memory_space<hbm>>) target(%arg11 : memref<128x128xf32, #tpu.memory_space<vmem>>) offsets(%arg7 : memref<128xi32, #tpu.memory_space<vmem>>) semaphore(%arg13 : memref<!tpu.dma_semaphore, #tpu.memory_space<semaphore_mem>>)
      %dma_wait3A_55 = arith.constant 0 : i32
      %dma_wait3A_56 = arith.constant 0 : i32
      %dma_wait3A_57 = tpu.memref_slice %arg2[%dma_wait3A_55, %dma_wait3A_56] : memref<10000x128xf32, #tpu.memory_space<hbm>> -> memref<10000x128xf32, #tpu.memory_space<hbm>>
      tpu.wait_indirect_dma semaphore(%arg14 : memref<!tpu.dma_semaphore, #tpu.memory_space<semaphore_mem>>) src(%dma_wait3A_57 : memref<10000x128xf32, #tpu.memory_space<hbm>>) dst(%arg12 : memref<128x128xf32, #tpu.memory_space<vmem>>)
      "tpu.region"() ({
        %run_scoped3A = tpu.sem_alloc : memref<!tpu.dma_semaphore, #tpu.memory_space<semaphore_mem>>
        %dma_start3A_66 = arith.constant 0 : i32
        %dma_start3A_67 = arith.constant 0 : i32
        %dma_start3A_68 = tpu.memref_slice %arg15[%dma_start3A_66, %dma_start3A_67] : memref<10240x128xf32, #tpu.memory_space<vmem_shared>> -> memref<10240x128xf32, #tpu.memory_space<vmem_shared>>
        tpu.enqueue_indirect_dma source(%arg12 : memref<128x128xf32, #tpu.memory_space<vmem>>) target(%dma_start3A_68 : memref<10240x128xf32, #tpu.memory_space<vmem_shared>>) offsets(%arg10 : memref<128xi32, #tpu.memory_space<vmem>>) semaphore(%run_scoped3A : memref<!tpu.dma_semaphore, #tpu.memory_space<semaphore_mem>>) {add = true}
        %dma_wait3A_69 = arith.constant 0 : i32
        %dma_wait3A_70 = arith.constant 0 : i32
        %dma_wait3A_71 = tpu.memref_slice %arg15[%dma_wait3A_69, %dma_wait3A_70] : memref<10240x128xf32, #tpu.memory_space<vmem_shared>> -> memref<10240x128xf32, #tpu.memory_space<vmem_shared>>
        tpu.wait_indirect_dma semaphore(%run_scoped3A : memref<!tpu.dma_semaphore, #tpu.memory_space<semaphore_mem>>) src(%arg12 : memref<128x128xf32, #tpu.memory_space<vmem>>) dst(%dma_wait3A_71 : memref<10240x128xf32, #tpu.memory_space<vmem_shared>>)
        tpu.yield
      }) : () -> ()
      %add3A_58 = arith.constant 2 : i32
      %add3A_59 = arith.addi %add3A_51, %add3A_58 : i32
      %mul3A_60 = arith.constant 128 : i32
      %mul3A_61 = arith.muli %add3A_59, %mul3A_60 : i32
      %add3A_62 = arith.addi %mul3A_2, %mul3A_61 : i32
      "tpu.region"() ({
        %run_scoped3A = tpu.sem_alloc : memref<!tpu.dma_semaphore, #tpu.memory_space<semaphore_mem>>
        %dma_start3A_66 = tpu.memref_slice %arg3[%add3A_62] : memref<327680xi32, #tpu.memory_space<hbm>> -> memref<128xi32, #tpu.memory_space<hbm>>
        %dma_start3A_67 = tpu.memref_slice %arg3[%add3A_62] : memref<327680xi32, #tpu.memory_space<hbm>> -> memref<128xi32, #tpu.memory_space<hbm>>
        tpu.enqueue_dma source(%dma_start3A_67 : memref<128xi32, #tpu.memory_space<hbm>>) target(%arg8 : memref<128xi32, #tpu.memory_space<vmem>>) target_semaphore(%run_scoped3A : memref<!tpu.dma_semaphore, #tpu.memory_space<semaphore_mem>>)
        %dma_wait3A_68 = tpu.memref_slice %arg3[%add3A_62] : memref<327680xi32, #tpu.memory_space<hbm>> -> memref<128xi32, #tpu.memory_space<hbm>>
        %dma_wait3A_69 = tpu.memref_slice %arg3[%add3A_62] : memref<327680xi32, #tpu.memory_space<hbm>> -> memref<128xi32, #tpu.memory_space<hbm>>
        tpu.wait_dma2 semaphore(%run_scoped3A : memref<!tpu.dma_semaphore, #tpu.memory_space<semaphore_mem>>) src(%dma_wait3A_69 : memref<128xi32, #tpu.memory_space<hbm>>) dst(%arg8 : memref<128xi32, #tpu.memory_space<vmem>>)
        tpu.yield
      }) : () -> ()
      %mul3A_63 = arith.constant 128 : i32
      %mul3A_64 = arith.muli %add3A_59, %mul3A_63 : i32
      %add3A_65 = arith.addi %mul3A_2, %mul3A_64 : i32
      "tpu.region"() ({
        %run_scoped3A = tpu.sem_alloc : memref<!tpu.dma_semaphore, #tpu.memory_space<semaphore_mem>>
        %dma_start3A_66 = tpu.memref_slice %arg4[%add3A_65] : memref<327680xi32, #tpu.memory_space<hbm>> -> memref<128xi32, #tpu.memory_space<hbm>>
        %dma_start3A_67 = tpu.memref_slice %arg4[%add3A_65] : memref<327680xi32, #tpu.memory_space<hbm>> -> memref<128xi32, #tpu.memory_space<hbm>>
        tpu.enqueue_dma source(%dma_start3A_67 : memref<128xi32, #tpu.memory_space<hbm>>) target(%arg10 : memref<128xi32, #tpu.memory_space<vmem>>) target_semaphore(%run_scoped3A : memref<!tpu.dma_semaphore, #tpu.memory_space<semaphore_mem>>)
        %dma_wait3A_68 = tpu.memref_slice %arg4[%add3A_65] : memref<327680xi32, #tpu.memory_space<hbm>> -> memref<128xi32, #tpu.memory_space<hbm>>
        %dma_wait3A_69 = tpu.memref_slice %arg4[%add3A_65] : memref<327680xi32, #tpu.memory_space<hbm>> -> memref<128xi32, #tpu.memory_space<hbm>>
        tpu.wait_dma2 semaphore(%run_scoped3A : memref<!tpu.dma_semaphore, #tpu.memory_space<semaphore_mem>>) src(%dma_wait3A_69 : memref<128xi32, #tpu.memory_space<hbm>>) dst(%arg10 : memref<128xi32, #tpu.memory_space<vmem>>)
        tpu.yield
      }) : () -> ()
    }
    %scan3A_19 = arith.constant 39 : i32
    %dma_start3A_20 = arith.constant 0 : i32
    %dma_start3A_21 = arith.constant 0 : i32
    %dma_start3A_22 = tpu.memref_slice %arg2[%dma_start3A_20, %dma_start3A_21] : memref<10000x128xf32, #tpu.memory_space<hbm>> -> memref<10000x128xf32, #tpu.memory_space<hbm>>
    tpu.enqueue_indirect_dma source(%dma_start3A_22 : memref<10000x128xf32, #tpu.memory_space<hbm>>) target(%arg12 : memref<128x128xf32, #tpu.memory_space<vmem>>) offsets(%arg8 : memref<128xi32, #tpu.memory_space<vmem>>) semaphore(%arg14 : memref<!tpu.dma_semaphore, #tpu.memory_space<semaphore_mem>>)
    %dma_wait3A = arith.constant 0 : i32
    %dma_wait3A_23 = arith.constant 0 : i32
    %dma_wait3A_24 = tpu.memref_slice %arg2[%dma_wait3A, %dma_wait3A_23] : memref<10000x128xf32, #tpu.memory_space<hbm>> -> memref<10000x128xf32, #tpu.memory_space<hbm>>
    tpu.wait_indirect_dma semaphore(%arg13 : memref<!tpu.dma_semaphore, #tpu.memory_space<semaphore_mem>>) src(%dma_wait3A_24 : memref<10000x128xf32, #tpu.memory_space<hbm>>) dst(%arg11 : memref<128x128xf32, #tpu.memory_space<vmem>>)
    "tpu.region"() ({
      %run_scoped3A = tpu.sem_alloc : memref<!tpu.dma_semaphore, #tpu.memory_space<semaphore_mem>>
      %dma_start3A_29 = arith.constant 0 : i32
      %dma_start3A_30 = arith.constant 0 : i32
      %dma_start3A_31 = tpu.memref_slice %arg15[%dma_start3A_29, %dma_start3A_30] : memref<10240x128xf32, #tpu.memory_space<vmem_shared>> -> memref<10240x128xf32, #tpu.memory_space<vmem_shared>>
      tpu.enqueue_indirect_dma source(%arg11 : memref<128x128xf32, #tpu.memory_space<vmem>>) target(%dma_start3A_31 : memref<10240x128xf32, #tpu.memory_space<vmem_shared>>) offsets(%arg9 : memref<128xi32, #tpu.memory_space<vmem>>) semaphore(%run_scoped3A : memref<!tpu.dma_semaphore, #tpu.memory_space<semaphore_mem>>) {add = true}
      %dma_wait3A_32 = arith.constant 0 : i32
      %dma_wait3A_33 = arith.constant 0 : i32
      %dma_wait3A_34 = tpu.memref_slice %arg15[%dma_wait3A_32, %dma_wait3A_33] : memref<10240x128xf32, #tpu.memory_space<vmem_shared>> -> memref<10240x128xf32, #tpu.memory_space<vmem_shared>>
      tpu.wait_indirect_dma semaphore(%run_scoped3A : memref<!tpu.dma_semaphore, #tpu.memory_space<semaphore_mem>>) src(%arg11 : memref<128x128xf32, #tpu.memory_space<vmem>>) dst(%dma_wait3A_34 : memref<10240x128xf32, #tpu.memory_space<vmem_shared>>)
      tpu.yield
    }) : () -> ()
    %dma_wait3A_25 = arith.constant 0 : i32
    %dma_wait3A_26 = arith.constant 0 : i32
    %dma_wait3A_27 = tpu.memref_slice %arg2[%dma_wait3A_25, %dma_wait3A_26] : memref<10000x128xf32, #tpu.memory_space<hbm>> -> memref<10000x128xf32, #tpu.memory_space<hbm>>
    tpu.wait_indirect_dma semaphore(%arg14 : memref<!tpu.dma_semaphore, #tpu.memory_space<semaphore_mem>>) src(%dma_wait3A_27 : memref<10000x128xf32, #tpu.memory_space<hbm>>) dst(%arg12 : memref<128x128xf32, #tpu.memory_space<vmem>>)
    "tpu.region"() ({
      %run_scoped3A = tpu.sem_alloc : memref<!tpu.dma_semaphore, #tpu.memory_space<semaphore_mem>>
      %dma_start3A_29 = arith.constant 0 : i32
      %dma_start3A_30 = arith.constant 0 : i32
      %dma_start3A_31 = tpu.memref_slice %arg15[%dma_start3A_29, %dma_start3A_30] : memref<10240x128xf32, #tpu.memory_space<vmem_shared>> -> memref<10240x128xf32, #tpu.memory_space<vmem_shared>>
      tpu.enqueue_indirect_dma source(%arg12 : memref<128x128xf32, #tpu.memory_space<vmem>>) target(%dma_start3A_31 : memref<10240x128xf32, #tpu.memory_space<vmem_shared>>) offsets(%arg10 : memref<128xi32, #tpu.memory_space<vmem>>) semaphore(%run_scoped3A : memref<!tpu.dma_semaphore, #tpu.memory_space<semaphore_mem>>) {add = true}
      %dma_wait3A_32 = arith.constant 0 : i32
      %dma_wait3A_33 = arith.constant 0 : i32
      %dma_wait3A_34 = tpu.memref_slice %arg15[%dma_wait3A_32, %dma_wait3A_33] : memref<10240x128xf32, #tpu.memory_space<vmem_shared>> -> memref<10240x128xf32, #tpu.memory_space<vmem_shared>>
      tpu.wait_indirect_dma semaphore(%run_scoped3A : memref<!tpu.dma_semaphore, #tpu.memory_space<semaphore_mem>>) src(%arg12 : memref<128x128xf32, #tpu.memory_space<vmem>>) dst(%dma_wait3A_34 : memref<10240x128xf32, #tpu.memory_space<vmem_shared>>)
      tpu.yield
    }) : () -> ()
    %barrier3A_28 = arith.constant 0 : index
    tpu.barrier barrier_id(%barrier3A_28)
    "tpu.region"() ({
      %run_scoped3A = tpu.sem_alloc : memref<!tpu.dma_semaphore, #tpu.memory_space<semaphore_mem>>
      %dma_start3A_29 = arith.constant 0 : i32
      %dma_start3A_30 = tpu.memref_slice %arg6[%arg0, %mul3A_4, %dma_start3A_29] : memref<2x10240x128xf32, #tpu.memory_space<hbm>> -> memref<1x640x128xf32, #tpu.memory_space<hbm>>
      %dma_start3A_31 = tpu.memref_squeeze %dma_start3A_30 : memref<1x640x128xf32, #tpu.memory_space<hbm>> -> memref<640x128xf32, #tpu.memory_space<hbm>>
      %dma_start3A_32 = arith.constant 0 : i32
      %dma_start3A_33 = tpu.memref_slice %arg15[%mul3A_4, %dma_start3A_32] : memref<10240x128xf32, #tpu.memory_space<vmem_shared>> -> memref<640x128xf32, #tpu.memory_space<vmem_shared>>
      tpu.enqueue_dma source(%dma_start3A_33 : memref<640x128xf32, #tpu.memory_space<vmem_shared>>) target(%dma_start3A_31 : memref<640x128xf32, #tpu.memory_space<hbm>>) target_semaphore(%run_scoped3A : memref<!tpu.dma_semaphore, #tpu.memory_space<semaphore_mem>>)
      %dma_wait3A_34 = arith.constant 0 : i32
      %dma_wait3A_35 = tpu.memref_slice %arg6[%arg0, %mul3A_4, %dma_wait3A_34] : memref<2x10240x128xf32, #tpu.memory_space<hbm>> -> memref<1x640x128xf32, #tpu.memory_space<hbm>>
      %dma_wait3A_36 = tpu.memref_squeeze %dma_wait3A_35 : memref<1x640x128xf32, #tpu.memory_space<hbm>> -> memref<640x128xf32, #tpu.memory_space<hbm>>
      %dma_wait3A_37 = arith.constant 0 : i32
      %dma_wait3A_38 = tpu.memref_slice %arg15[%mul3A_4, %dma_wait3A_37] : memref<10240x128xf32, #tpu.memory_space<vmem_shared>> -> memref<640x128xf32, #tpu.memory_space<vmem_shared>>
      tpu.wait_dma2 semaphore(%run_scoped3A : memref<!tpu.dma_semaphore, #tpu.memory_space<semaphore_mem>>) src(%dma_wait3A_38 : memref<640x128xf32, #tpu.memory_space<vmem_shared>>) dst(%dma_wait3A_36 : memref<640x128xf32, #tpu.memory_space<hbm>>)
      tpu.yield
    }) : () -> ()
    return
  }
}

#map = affine_map<(d0, d1) -> (0, 0)>
#map1 = affine_map<(d0, d1) -> (0)>
#map2 = affine_map<(d0, d1) -> (0, 0, 0)>
module attributes {stable_mosaic.version = 14 : i64} {
  func.func @k(%arg0: i32, %arg1: i32, %arg2: memref<10000x128xf32, #tpu.memory_space<hbm>>, %arg3: memref<327680xi32, #tpu.memory_space<hbm>>, %arg4: memref<327680xi32, #tpu.memory_space<hbm>>, %arg5: memref<640x128xf32, #tpu.memory_space<hbm>>, %arg6: memref<2x10240x128xf32, #tpu.memory_space<hbm>>, %arg7: memref<128xi32, #tpu.memory_space<vmem>>, %arg8: memref<128xi32, #tpu.memory_space<vmem>>, %arg9: memref<128xi32, #tpu.memory_space<vmem>>, %arg10: memref<128xi32, #tpu.memory_space<vmem>>, %arg11: memref<128x128xf32, #tpu.memory_space<vmem>>, %arg12: memref<128x128xf32, #tpu.memory_space<vmem>>, %arg13: memref<!tpu.dma_semaphore, #tpu.memory_space<semaphore_mem>>, %arg14: memref<!tpu.dma_semaphore, #tpu.memory_space<semaphore_mem>>, %arg15: memref<10240x128xf32, #tpu.memory_space<vmem_shared>>) attributes {dimension_semantics = [#tpu.dimension_semantics<core_parallel>, #tpu.dimension_semantics<subcore_parallel>], iteration_bounds = array<i64: 2, 16>, scalar_prefetch = 0 : i64, scratch_operands = 9 : i64, tpu.core_type = #tpu.core_type<sc_vector_subcore>, window_params = [{transform_indices = #map}, {transform_indices = #map1}, {transform_indices = #map1}, {transform_indices = #map}, {transform_indices = #map2}]} {
    %mul3A = arith.constant 2 : i32
    %mul3A_0 = arith.muli %arg1, %mul3A : i32
    %add3A = arith.addi %mul3A_0, %arg0 : i32
    %mul3A_1 = arith.constant 10240 : i32
    %mul3A_2 = arith.muli %add3A, %mul3A_1 : i32
    %mul3A_3 = arith.constant 640 : i32
    %mul3A_4 = arith.muli %arg1, %mul3A_3 : i32
    "tpu.region"() ({
      %run_scoped3A = tpu.sem_alloc : memref<!tpu.dma_semaphore, #tpu.memory_space<semaphore_mem>>
      %dma_start3A_29 = arith.constant 0 : i32
      %dma_start3A_30 = tpu.memref_slice %arg15[%mul3A_4, %dma_start3A_29] : memref<10240x128xf32, #tpu.memory_space<vmem_shared>> -> memref<640x128xf32, #tpu.memory_space<vmem_shared>>
      tpu.enqueue_dma source(%arg5 : memref<640x128xf32, #tpu.memory_space<hbm>>) target(%dma_start3A_30 : memref<640x128xf32, #tpu.memory_space<vmem_shared>>) target_semaphore(%run_scoped3A : memref<!tpu.dma_semaphore, #tpu.memory_space<semaphore_mem>>)
      %dma_wait3A_31 = arith.constant 0 : i32
      %dma_wait3A_32 = tpu.memref_slice %arg15[%mul3A_4, %dma_wait3A_31] : memref<10240x128xf32, #tpu.memory_space<vmem_shared>> -> memref<640x128xf32, #tpu.memory_space<vmem_shared>>
      tpu.wait_dma2 semaphore(%run_scoped3A : memref<!tpu.dma_semaphore, #tpu.memory_space<semaphore_mem>>) src(%arg5 : memref<640x128xf32, #tpu.memory_space<hbm>>) dst(%dma_wait3A_32 : memref<640x128xf32, #tpu.memory_space<vmem_shared>>)
      tpu.yield
    }) : () -> ()
    %add3A_5 = arith.constant 0 : i32
    %add3A_6 = arith.addi %mul3A_2, %add3A_5 : i32
    "tpu.region"() ({
      %run_scoped3A = tpu.sem_alloc : memref<!tpu.dma_semaphore, #tpu.memory_space<semaphore_mem>>
      %dma_start3A_29 = tpu.memref_slice %arg3[%add3A_6] : memref<327680xi32, #tpu.memory_space<hbm>> -> memref<128xi32, #tpu.memory_space<hbm>>
      %dma_start3A_30 = tpu.memref_slice %arg3[%add3A_6] : memref<327680xi32, #tpu.memory_space<hbm>> -> memref<128xi32, #tpu.memory_space<hbm>>
      tpu.enqueue_dma source(%dma_start3A_30 : memref<128xi32, #tpu.memory_space<hbm>>) target(%arg7 : memref<128xi32, #tpu.memory_space<vmem>>) target_semaphore(%run_scoped3A : memref<!tpu.dma_semaphore, #tpu.memory_space<semaphore_mem>>)
      %dma_wait3A_31 = tpu.memref_slice %arg3[%add3A_6] : memref<327680xi32, #tpu.memory_space<hbm>> -> memref<128xi32, #tpu.memory_space<hbm>>
      %dma_wait3A_32 = tpu.memref_slice %arg3[%add3A_6] : memref<327680xi32, #tpu.memory_space<hbm>> -> memref<128xi32, #tpu.memory_space<hbm>>
      tpu.wait_dma2 semaphore(%run_scoped3A : memref<!tpu.dma_semaphore, #tpu.memory_space<semaphore_mem>>) src(%dma_wait3A_32 : memref<128xi32, #tpu.memory_space<hbm>>) dst(%arg7 : memref<128xi32, #tpu.memory_space<vmem>>)
      tpu.yield
    }) : () -> ()
    %add3A_7 = arith.constant 0 : i32
    %add3A_8 = arith.addi %mul3A_2, %add3A_7 : i32
    "tpu.region"() ({
      %run_scoped3A = tpu.sem_alloc : memref<!tpu.dma_semaphore, #tpu.memory_space<semaphore_mem>>
      %dma_start3A_29 = tpu.memref_slice %arg4[%add3A_8] : memref<327680xi32, #tpu.memory_space<hbm>> -> memref<128xi32, #tpu.memory_space<hbm>>
      %dma_start3A_30 = tpu.memref_slice %arg4[%add3A_8] : memref<327680xi32, #tpu.memory_space<hbm>> -> memref<128xi32, #tpu.memory_space<hbm>>
      tpu.enqueue_dma source(%dma_start3A_30 : memref<128xi32, #tpu.memory_space<hbm>>) target(%arg9 : memref<128xi32, #tpu.memory_space<vmem>>) target_semaphore(%run_scoped3A : memref<!tpu.dma_semaphore, #tpu.memory_space<semaphore_mem>>)
      %dma_wait3A_31 = tpu.memref_slice %arg4[%add3A_8] : memref<327680xi32, #tpu.memory_space<hbm>> -> memref<128xi32, #tpu.memory_space<hbm>>
      %dma_wait3A_32 = tpu.memref_slice %arg4[%add3A_8] : memref<327680xi32, #tpu.memory_space<hbm>> -> memref<128xi32, #tpu.memory_space<hbm>>
      tpu.wait_dma2 semaphore(%run_scoped3A : memref<!tpu.dma_semaphore, #tpu.memory_space<semaphore_mem>>) src(%dma_wait3A_32 : memref<128xi32, #tpu.memory_space<hbm>>) dst(%arg9 : memref<128xi32, #tpu.memory_space<vmem>>)
      tpu.yield
    }) : () -> ()
    %barrier3A = arith.constant 0 : index
    tpu.barrier barrier_id(%barrier3A)
    %dma_start3A = arith.constant 0 : i32
    %dma_start3A_9 = arith.constant 0 : i32
    %dma_start3A_10 = tpu.memref_slice %arg2[%dma_start3A, %dma_start3A_9] : memref<10000x128xf32, #tpu.memory_space<hbm>> -> memref<10000x128xf32, #tpu.memory_space<hbm>>
    tpu.enqueue_indirect_dma source(%dma_start3A_10 : memref<10000x128xf32, #tpu.memory_space<hbm>>) target(%arg11 : memref<128x128xf32, #tpu.memory_space<vmem>>) offsets(%arg7 : memref<128xi32, #tpu.memory_space<vmem>>) semaphore(%arg13 : memref<!tpu.dma_semaphore, #tpu.memory_space<semaphore_mem>>)
    %add3A_11 = arith.constant 128 : i32
    %add3A_12 = arith.addi %mul3A_2, %add3A_11 : i32
    "tpu.region"() ({
      %run_scoped3A = tpu.sem_alloc : memref<!tpu.dma_semaphore, #tpu.memory_space<semaphore_mem>>
      %dma_start3A_29 = tpu.memref_slice %arg3[%add3A_12] : memref<327680xi32, #tpu.memory_space<hbm>> -> memref<128xi32, #tpu.memory_space<hbm>>
      %dma_start3A_30 = tpu.memref_slice %arg3[%add3A_12] : memref<327680xi32, #tpu.memory_space<hbm>> -> memref<128xi32, #tpu.memory_space<hbm>>
      tpu.enqueue_dma source(%dma_start3A_30 : memref<128xi32, #tpu.memory_space<hbm>>) target(%arg8 : memref<128xi32, #tpu.memory_space<vmem>>) target_semaphore(%run_scoped3A : memref<!tpu.dma_semaphore, #tpu.memory_space<semaphore_mem>>)
      %dma_wait3A_31 = tpu.memref_slice %arg3[%add3A_12] : memref<327680xi32, #tpu.memory_space<hbm>> -> memref<128xi32, #tpu.memory_space<hbm>>
      %dma_wait3A_32 = tpu.memref_slice %arg3[%add3A_12] : memref<327680xi32, #tpu.memory_space<hbm>> -> memref<128xi32, #tpu.memory_space<hbm>>
      tpu.wait_dma2 semaphore(%run_scoped3A : memref<!tpu.dma_semaphore, #tpu.memory_space<semaphore_mem>>) src(%dma_wait3A_32 : memref<128xi32, #tpu.memory_space<hbm>>) dst(%arg8 : memref<128xi32, #tpu.memory_space<vmem>>)
      tpu.yield
    }) : () -> ()
    %add3A_13 = arith.constant 128 : i32
    %add3A_14 = arith.addi %mul3A_2, %add3A_13 : i32
    "tpu.region"() ({
      %run_scoped3A = tpu.sem_alloc : memref<!tpu.dma_semaphore, #tpu.memory_space<semaphore_mem>>
      %dma_start3A_29 = tpu.memref_slice %arg4[%add3A_14] : memref<327680xi32, #tpu.memory_space<hbm>> -> memref<128xi32, #tpu.memory_space<hbm>>
      %dma_start3A_30 = tpu.memref_slice %arg4[%add3A_14] : memref<327680xi32, #tpu.memory_space<hbm>> -> memref<128xi32, #tpu.memory_space<hbm>>
      tpu.enqueue_dma source(%dma_start3A_30 : memref<128xi32, #tpu.memory_space<hbm>>) target(%arg10 : memref<128xi32, #tpu.memory_space<vmem>>) target_semaphore(%run_scoped3A : memref<!tpu.dma_semaphore, #tpu.memory_space<semaphore_mem>>)
      %dma_wait3A_31 = tpu.memref_slice %arg4[%add3A_14] : memref<327680xi32, #tpu.memory_space<hbm>> -> memref<128xi32, #tpu.memory_space<hbm>>
      %dma_wait3A_32 = tpu.memref_slice %arg4[%add3A_14] : memref<327680xi32, #tpu.memory_space<hbm>> -> memref<128xi32, #tpu.memory_space<hbm>>
      tpu.wait_dma2 semaphore(%run_scoped3A : memref<!tpu.dma_semaphore, #tpu.memory_space<semaphore_mem>>) src(%dma_wait3A_32 : memref<128xi32, #tpu.memory_space<hbm>>) dst(%arg10 : memref<128xi32, #tpu.memory_space<vmem>>)
      tpu.yield
    }) : () -> ()
    %scan3A = arith.constant 0 : i32
    %scan3A_15 = arith.constant 0 : i32
    %scan3A_16 = arith.constant 39 : i32
    %scan3A_17 = arith.addi %scan3A_15, %scan3A_16 : i32
    %scan3A_18 = arith.constant 1 : i32
    scf.for %scan3A_29 = %scan3A_15 to %scan3A_17 step %scan3A_18  : i32 {
      %mul3A_30 = arith.constant 2 : i32
      %mul3A_31 = arith.muli %mul3A_30, %scan3A_29 : i32
      %add3A_32 = arith.constant 0 : i32
      %add3A_33 = arith.addi %mul3A_31, %add3A_32 : i32
      %dma_start3A_34 = arith.constant 0 : i32
      %dma_start3A_35 = arith.constant 0 : i32
      %dma_start3A_36 = tpu.memref_slice %arg2[%dma_start3A_34, %dma_start3A_35] : memref<10000x128xf32, #tpu.memory_space<hbm>> -> memref<10000x128xf32, #tpu.memory_space<hbm>>
      tpu.enqueue_indirect_dma source(%dma_start3A_36 : memref<10000x128xf32, #tpu.memory_space<hbm>>) target(%arg12 : memref<128x128xf32, #tpu.memory_space<vmem>>) offsets(%arg8 : memref<128xi32, #tpu.memory_space<vmem>>) semaphore(%arg14 : memref<!tpu.dma_semaphore, #tpu.memory_space<semaphore_mem>>)
      %dma_wait3A_37 = arith.constant 0 : i32
      %dma_wait3A_38 = arith.constant 0 : i32
      %dma_wait3A_39 = tpu.memref_slice %arg2[%dma_wait3A_37, %dma_wait3A_38] : memref<10000x128xf32, #tpu.memory_space<hbm>> -> memref<10000x128xf32, #tpu.memory_space<hbm>>
      tpu.wait_indirect_dma semaphore(%arg13 : memref<!tpu.dma_semaphore, #tpu.memory_space<semaphore_mem>>) src(%dma_wait3A_39 : memref<10000x128xf32, #tpu.memory_space<hbm>>) dst(%arg11 : memref<128x128xf32, #tpu.memory_space<vmem>>)
      "tpu.region"() ({
        %run_scoped3A = tpu.sem_alloc : memref<!tpu.dma_semaphore, #tpu.memory_space<semaphore_mem>>
        %dma_start3A_66 = arith.constant 0 : i32
        %dma_start3A_67 = arith.constant 0 : i32
        %dma_start3A_68 = tpu.memref_slice %arg15[%dma_start3A_66, %dma_start3A_67] : memref<10240x128xf32, #tpu.memory_space<vmem_shared>> -> memref<10240x128xf32, #tpu.memory_space<vmem_shared>>
        tpu.enqueue_indirect_dma source(%arg11 : memref<128x128xf32, #tpu.memory_space<vmem>>) target(%dma_start3A_68 : memref<10240x128xf32, #tpu.memory_space<vmem_shared>>) offsets(%arg9 : memref<128xi32, #tpu.memory_space<vmem>>) semaphore(%run_scoped3A : memref<!tpu.dma_semaphore, #tpu.memory_space<semaphore_mem>>) {add = true}
        %dma_wait3A_69 = arith.constant 0 : i32
        %dma_wait3A_70 = arith.constant 0 : i32
        %dma_wait3A_71 = tpu.memref_slice %arg15[%dma_wait3A_69, %dma_wait3A_70] : memref<10240x128xf32, #tpu.memory_space<vmem_shared>> -> memref<10240x128xf32, #tpu.memory_space<vmem_shared>>
        tpu.wait_indirect_dma semaphore(%run_scoped3A : memref<!tpu.dma_semaphore, #tpu.memory_space<semaphore_mem>>) src(%arg11 : memref<128x128xf32, #tpu.memory_space<vmem>>) dst(%dma_wait3A_71 : memref<10240x128xf32, #tpu.memory_space<vmem_shared>>)
        tpu.yield
      }) : () -> ()
      %add3A_40 = arith.constant 2 : i32
      %add3A_41 = arith.addi %add3A_33, %add3A_40 : i32
      %mul3A_42 = arith.constant 128 : i32
      %mul3A_43 = arith.muli %add3A_41, %mul3A_42 : i32
      %add3A_44 = arith.addi %mul3A_2, %mul3A_43 : i32
      "tpu.region"() ({
        %run_scoped3A = tpu.sem_alloc : memref<!tpu.dma_semaphore, #tpu.memory_space<semaphore_mem>>
        %dma_start3A_66 = tpu.memref_slice %arg3[%add3A_44] : memref<327680xi32, #tpu.memory_space<hbm>> -> memref<128xi32, #tpu.memory_space<hbm>>
        %dma_start3A_67 = tpu.memref_slice %arg3[%add3A_44] : memref<327680xi32, #tpu.memory_space<hbm>> -> memref<128xi32, #tpu.memory_space<hbm>>
        tpu.enqueue_dma source(%dma_start3A_67 : memref<128xi32, #tpu.memory_space<hbm>>) target(%arg7 : memref<128xi32, #tpu.memory_space<vmem>>) target_semaphore(%run_scoped3A : memref<!tpu.dma_semaphore, #tpu.memory_space<semaphore_mem>>)
        %dma_wait3A_68 = tpu.memref_slice %arg3[%add3A_44] : memref<327680xi32, #tpu.memory_space<hbm>> -> memref<128xi32, #tpu.memory_space<hbm>>
        %dma_wait3A_69 = tpu.memref_slice %arg3[%add3A_44] : memref<327680xi32, #tpu.memory_space<hbm>> -> memref<128xi32, #tpu.memory_space<hbm>>
        tpu.wait_dma2 semaphore(%run_scoped3A : memref<!tpu.dma_semaphore, #tpu.memory_space<semaphore_mem>>) src(%dma_wait3A_69 : memref<128xi32, #tpu.memory_space<hbm>>) dst(%arg7 : memref<128xi32, #tpu.memory_space<vmem>>)
        tpu.yield
      }) : () -> ()
      %mul3A_45 = arith.constant 128 : i32
      %mul3A_46 = arith.muli %add3A_41, %mul3A_45 : i32
      %add3A_47 = arith.addi %mul3A_2, %mul3A_46 : i32
      "tpu.region"() ({
        %run_scoped3A = tpu.sem_alloc : memref<!tpu.dma_semaphore, #tpu.memory_space<semaphore_mem>>
        %dma_start3A_66 = tpu.memref_slice %arg4[%add3A_47] : memref<327680xi32, #tpu.memory_space<hbm>> -> memref<128xi32, #tpu.memory_space<hbm>>
        %dma_start3A_67 = tpu.memref_slice %arg4[%add3A_47] : memref<327680xi32, #tpu.memory_space<hbm>> -> memref<128xi32, #tpu.memory_space<hbm>>
        tpu.enqueue_dma source(%dma_start3A_67 : memref<128xi32, #tpu.memory_space<hbm>>) target(%arg9 : memref<128xi32, #tpu.memory_space<vmem>>) target_semaphore(%run_scoped3A : memref<!tpu.dma_semaphore, #tpu.memory_space<semaphore_mem>>)
        %dma_wait3A_68 = tpu.memref_slice %arg4[%add3A_47] : memref<327680xi32, #tpu.memory_space<hbm>> -> memref<128xi32, #tpu.memory_space<hbm>>
        %dma_wait3A_69 = tpu.memref_slice %arg4[%add3A_47] : memref<327680xi32, #tpu.memory_space<hbm>> -> memref<128xi32, #tpu.memory_space<hbm>>
        tpu.wait_dma2 semaphore(%run_scoped3A : memref<!tpu.dma_semaphore, #tpu.memory_space<semaphore_mem>>) src(%dma_wait3A_69 : memref<128xi32, #tpu.memory_space<hbm>>) dst(%arg9 : memref<128xi32, #tpu.memory_space<vmem>>)
        tpu.yield
      }) : () -> ()
      %mul3A_48 = arith.constant 2 : i32
      %mul3A_49 = arith.muli %mul3A_48, %scan3A_29 : i32
      %add3A_50 = arith.constant 1 : i32
      %add3A_51 = arith.addi %mul3A_49, %add3A_50 : i32
      %dma_start3A_52 = arith.constant 0 : i32
      %dma_start3A_53 = arith.constant 0 : i32
      %dma_start3A_54 = tpu.memref_slice %arg2[%dma_start3A_52, %dma_start3A_53] : memref<10000x128xf32, #tpu.memory_space<hbm>> -> memref<10000x128xf32, #tpu.memory_space<hbm>>
      tpu.enqueue_indirect_dma source(%dma_start3A_54 : memref<10000x128xf32, #tpu.memory_space<hbm>>) target(%arg11 : memref<128x128xf32, #tpu.memory_space<vmem>>) offsets(%arg7 : memref<128xi32, #tpu.memory_space<vmem>>) semaphore(%arg13 : memref<!tpu.dma_semaphore, #tpu.memory_space<semaphore_mem>>)
      %dma_wait3A_55 = arith.constant 0 : i32
      %dma_wait3A_56 = arith.constant 0 : i32
      %dma_wait3A_57 = tpu.memref_slice %arg2[%dma_wait3A_55, %dma_wait3A_56] : memref<10000x128xf32, #tpu.memory_space<hbm>> -> memref<10000x128xf32, #tpu.memory_space<hbm>>
      tpu.wait_indirect_dma semaphore(%arg14 : memref<!tpu.dma_semaphore, #tpu.memory_space<semaphore_mem>>) src(%dma_wait3A_57 : memref<10000x128xf32, #tpu.memory_space<hbm>>) dst(%arg12 : memref<128x128xf32, #tpu.memory_space<vmem>>)
      "tpu.region"() ({
        %run_scoped3A = tpu.sem_alloc : memref<!tpu.dma_semaphore, #tpu.memory_space<semaphore_mem>>
        %dma_start3A_66 = arith.constant 0 : i32
        %dma_start3A_67 = arith.constant 0 : i32
        %dma_start3A_68 = tpu.memref_slice %arg15[%dma_start3A_66, %dma_start3A_67] : memref<10240x128xf32, #tpu.memory_space<vmem_shared>> -> memref<10240x128xf32, #tpu.memory_space<vmem_shared>>
        tpu.enqueue_indirect_dma source(%arg12 : memref<128x128xf32, #tpu.memory_space<vmem>>) target(%dma_start3A_68 : memref<10240x128xf32, #tpu.memory_space<vmem_shared>>) offsets(%arg10 : memref<128xi32, #tpu.memory_space<vmem>>) semaphore(%run_scoped3A : memref<!tpu.dma_semaphore, #tpu.memory_space<semaphore_mem>>) {add = true}
        %dma_wait3A_69 = arith.constant 0 : i32
        %dma_wait3A_70 = arith.constant 0 : i32
        %dma_wait3A_71 = tpu.memref_slice %arg15[%dma_wait3A_69, %dma_wait3A_70] : memref<10240x128xf32, #tpu.memory_space<vmem_shared>> -> memref<10240x128xf32, #tpu.memory_space<vmem_shared>>
        tpu.wait_indirect_dma semaphore(%run_scoped3A : memref<!tpu.dma_semaphore, #tpu.memory_space<semaphore_mem>>) src(%arg12 : memref<128x128xf32, #tpu.memory_space<vmem>>) dst(%dma_wait3A_71 : memref<10240x128xf32, #tpu.memory_space<vmem_shared>>)
        tpu.yield
      }) : () -> ()
      %add3A_58 = arith.constant 2 : i32
      %add3A_59 = arith.addi %add3A_51, %add3A_58 : i32
      %mul3A_60 = arith.constant 128 : i32
      %mul3A_61 = arith.muli %add3A_59, %mul3A_60 : i32
      %add3A_62 = arith.addi %mul3A_2, %mul3A_61 : i32
      "tpu.region"() ({
        %run_scoped3A = tpu.sem_alloc : memref<!tpu.dma_semaphore, #tpu.memory_space<semaphore_mem>>
        %dma_start3A_66 = tpu.memref_slice %arg3[%add3A_62] : memref<327680xi32, #tpu.memory_space<hbm>> -> memref<128xi32, #tpu.memory_space<hbm>>
        %dma_start3A_67 = tpu.memref_slice %arg3[%add3A_62] : memref<327680xi32, #tpu.memory_space<hbm>> -> memref<128xi32, #tpu.memory_space<hbm>>
        tpu.enqueue_dma source(%dma_start3A_67 : memref<128xi32, #tpu.memory_space<hbm>>) target(%arg8 : memref<128xi32, #tpu.memory_space<vmem>>) target_semaphore(%run_scoped3A : memref<!tpu.dma_semaphore, #tpu.memory_space<semaphore_mem>>)
        %dma_wait3A_68 = tpu.memref_slice %arg3[%add3A_62] : memref<327680xi32, #tpu.memory_space<hbm>> -> memref<128xi32, #tpu.memory_space<hbm>>
        %dma_wait3A_69 = tpu.memref_slice %arg3[%add3A_62] : memref<327680xi32, #tpu.memory_space<hbm>> -> memref<128xi32, #tpu.memory_space<hbm>>
        tpu.wait_dma2 semaphore(%run_scoped3A : memref<!tpu.dma_semaphore, #tpu.memory_space<semaphore_mem>>) src(%dma_wait3A_69 : memref<128xi32, #tpu.memory_space<hbm>>) dst(%arg8 : memref<128xi32, #tpu.memory_space<vmem>>)
        tpu.yield
      }) : () -> ()
      %mul3A_63 = arith.constant 128 : i32
      %mul3A_64 = arith.muli %add3A_59, %mul3A_63 : i32
      %add3A_65 = arith.addi %mul3A_2, %mul3A_64 : i32
      "tpu.region"() ({
        %run_scoped3A = tpu.sem_alloc : memref<!tpu.dma_semaphore, #tpu.memory_space<semaphore_mem>>
        %dma_start3A_66 = tpu.memref_slice %arg4[%add3A_65] : memref<327680xi32, #tpu.memory_space<hbm>> -> memref<128xi32, #tpu.memory_space<hbm>>
        %dma_start3A_67 = tpu.memref_slice %arg4[%add3A_65] : memref<327680xi32, #tpu.memory_space<hbm>> -> memref<128xi32, #tpu.memory_space<hbm>>
        tpu.enqueue_dma source(%dma_start3A_67 : memref<128xi32, #tpu.memory_space<hbm>>) target(%arg10 : memref<128xi32, #tpu.memory_space<vmem>>) target_semaphore(%run_scoped3A : memref<!tpu.dma_semaphore, #tpu.memory_space<semaphore_mem>>)
        %dma_wait3A_68 = tpu.memref_slice %arg4[%add3A_65] : memref<327680xi32, #tpu.memory_space<hbm>> -> memref<128xi32, #tpu.memory_space<hbm>>
        %dma_wait3A_69 = tpu.memref_slice %arg4[%add3A_65] : memref<327680xi32, #tpu.memory_space<hbm>> -> memref<128xi32, #tpu.memory_space<hbm>>
        tpu.wait_dma2 semaphore(%run_scoped3A : memref<!tpu.dma_semaphore, #tpu.memory_space<semaphore_mem>>) src(%dma_wait3A_69 : memref<128xi32, #tpu.memory_space<hbm>>) dst(%arg10 : memref<128xi32, #tpu.memory_space<vmem>>)
        tpu.yield
      }) : () -> ()
    }
    %scan3A_19 = arith.constant 39 : i32
    %dma_start3A_20 = arith.constant 0 : i32
    %dma_start3A_21 = arith.constant 0 : i32
    %dma_start3A_22 = tpu.memref_slice %arg2[%dma_start3A_20, %dma_start3A_21] : memref<10000x128xf32, #tpu.memory_space<hbm>> -> memref<10000x128xf32, #tpu.memory_space<hbm>>
    tpu.enqueue_indirect_dma source(%dma_start3A_22 : memref<10000x128xf32, #tpu.memory_space<hbm>>) target(%arg12 : memref<128x128xf32, #tpu.memory_space<vmem>>) offsets(%arg8 : memref<128xi32, #tpu.memory_space<vmem>>) semaphore(%arg14 : memref<!tpu.dma_semaphore, #tpu.memory_space<semaphore_mem>>)
    %dma_wait3A = arith.constant 0 : i32
    %dma_wait3A_23 = arith.constant 0 : i32
    %dma_wait3A_24 = tpu.memref_slice %arg2[%dma_wait3A, %dma_wait3A_23] : memref<10000x128xf32, #tpu.memory_space<hbm>> -> memref<10000x128xf32, #tpu.memory_space<hbm>>
    tpu.wait_indirect_dma semaphore(%arg13 : memref<!tpu.dma_semaphore, #tpu.memory_space<semaphore_mem>>) src(%dma_wait3A_24 : memref<10000x128xf32, #tpu.memory_space<hbm>>) dst(%arg11 : memref<128x128xf32, #tpu.memory_space<vmem>>)
    "tpu.region"() ({
      %run_scoped3A = tpu.sem_alloc : memref<!tpu.dma_semaphore, #tpu.memory_space<semaphore_mem>>
      %dma_start3A_29 = arith.constant 0 : i32
      %dma_start3A_30 = arith.constant 0 : i32
      %dma_start3A_31 = tpu.memref_slice %arg15[%dma_start3A_29, %dma_start3A_30] : memref<10240x128xf32, #tpu.memory_space<vmem_shared>> -> memref<10240x128xf32, #tpu.memory_space<vmem_shared>>
      tpu.enqueue_indirect_dma source(%arg11 : memref<128x128xf32, #tpu.memory_space<vmem>>) target(%dma_start3A_31 : memref<10240x128xf32, #tpu.memory_space<vmem_shared>>) offsets(%arg9 : memref<128xi32, #tpu.memory_space<vmem>>) semaphore(%run_scoped3A : memref<!tpu.dma_semaphore, #tpu.memory_space<semaphore_mem>>) {add = true}
      %dma_wait3A_32 = arith.constant 0 : i32
      %dma_wait3A_33 = arith.constant 0 : i32
      %dma_wait3A_34 = tpu.memref_slice %arg15[%dma_wait3A_32, %dma_wait3A_33] : memref<10240x128xf32, #tpu.memory_space<vmem_shared>> -> memref<10240x128xf32, #tpu.memory_space<vmem_shared>>
      tpu.wait_indirect_dma semaphore(%run_scoped3A : memref<!tpu.dma_semaphore, #tpu.memory_space<semaphore_mem>>) src(%arg11 : memref<128x128xf32, #tpu.memory_space<vmem>>) dst(%dma_wait3A_34 : memref<10240x128xf32, #tpu.memory_space<vmem_shared>>)
      tpu.yield
    }) : () -> ()
    %dma_wait3A_25 = arith.constant 0 : i32
    %dma_wait3A_26 = arith.constant 0 : i32
    %dma_wait3A_27 = tpu.memref_slice %arg2[%dma_wait3A_25, %dma_wait3A_26] : memref<10000x128xf32, #tpu.memory_space<hbm>> -> memref<10000x128xf32, #tpu.memory_space<hbm>>
    tpu.wait_indirect_dma semaphore(%arg14 : memref<!tpu.dma_semaphore, #tpu.memory_space<semaphore_mem>>) src(%dma_wait3A_27 : memref<10000x128xf32, #tpu.memory_space<hbm>>) dst(%arg12 : memref<128x128xf32, #tpu.memory_space<vmem>>)
    "tpu.region"() ({
      %run_scoped3A = tpu.sem_alloc : memref<!tpu.dma_semaphore, #tpu.memory_space<semaphore_mem>>
      %dma_start3A_29 = arith.constant 0 : i32
      %dma_start3A_30 = arith.constant 0 : i32
      %dma_start3A_31 = tpu.memref_slice %arg15[%dma_start3A_29, %dma_start3A_30] : memref<10240x128xf32, #tpu.memory_space<vmem_shared>> -> memref<10240x128xf32, #tpu.memory_space<vmem_shared>>
      tpu.enqueue_indirect_dma source(%arg12 : memref<128x128xf32, #tpu.memory_space<vmem>>) target(%dma_start3A_31 : memref<10240x128xf32, #tpu.memory_space<vmem_shared>>) offsets(%arg10 : memref<128xi32, #tpu.memory_space<vmem>>) semaphore(%run_scoped3A : memref<!tpu.dma_semaphore, #tpu.memory_space<semaphore_mem>>) {add = true}
      %dma_wait3A_32 = arith.constant 0 : i32
      %dma_wait3A_33 = arith.constant 0 : i32
      %dma_wait3A_34 = tpu.memref_slice %arg15[%dma_wait3A_32, %dma_wait3A_33] : memref<10240x128xf32, #tpu.memory_space<vmem_shared>> -> memref<10240x128xf32, #tpu.memory_space<vmem_shared>>
      tpu.wait_indirect_dma semaphore(%run_scoped3A : memref<!tpu.dma_semaphore, #tpu.memory_space<semaphore_mem>>) src(%arg12 : memref<128x128xf32, #tpu.memory_space<vmem>>) dst(%dma_wait3A_34 : memref<10240x128xf32, #tpu.memory_space<vmem_shared>>)
      tpu.yield
    }) : () -> ()
    %barrier3A_28 = arith.constant 0 : index
    tpu.barrier barrier_id(%barrier3A_28)
    "tpu.region"() ({
      %run_scoped3A = tpu.sem_alloc : memref<!tpu.dma_semaphore, #tpu.memory_space<semaphore_mem>>
      %dma_start3A_29 = arith.constant 0 : i32
      %dma_start3A_30 = tpu.memref_slice %arg6[%arg0, %mul3A_4, %dma_start3A_29] : memref<2x10240x128xf32, #tpu.memory_space<hbm>> -> memref<1x640x128xf32, #tpu.memory_space<hbm>>
      %dma_start3A_31 = tpu.memref_squeeze %dma_start3A_30 : memref<1x640x128xf32, #tpu.memory_space<hbm>> -> memref<640x128xf32, #tpu.memory_space<hbm>>
      %dma_start3A_32 = arith.constant 0 : i32
      %dma_start3A_33 = tpu.memref_slice %arg15[%mul3A_4, %dma_start3A_32] : memref<10240x128xf32, #tpu.memory_space<vmem_shared>> -> memref<640x128xf32, #tpu.memory_space<vmem_shared>>
      tpu.enqueue_dma source(%dma_start3A_33 : memref<640x128xf32, #tpu.memory_space<vmem_shared>>) target(%dma_start3A_31 : memref<640x128xf32, #tpu.memory_space<hbm>>) target_semaphore(%run_scoped3A : memref<!tpu.dma_semaphore, #tpu.memory_space<semaphore_mem>>)
      %dma_wait3A_34 = arith.constant 0 : i32
      %dma_wait3A_35 = tpu.memref_slice %arg6[%arg0, %mul3A_4, %dma_wait3A_34] : memref<2x10240x128xf32, #tpu.memory_space<hbm>> -> memref<1x640x128xf32, #tpu.memory_space<hbm>>
      %dma_wait3A_36 = tpu.memref_squeeze %dma_wait3A_35 : memref<1x640x128xf32, #tpu.memory_space<hbm>> -> memref<640x128xf32, #tpu.memory_space<hbm>>
      %dma_wait3A_37 = arith.constant 0 : i32
      %dma_wait3A_38 = tpu.memref_slice %arg15[%mul3A_4, %dma_wait3A_37] : memref<10240x128xf32, #tpu.memory_space<vmem_shared>> -> memref<640x128xf32, #tpu.memory_space<vmem_shared>>
      tpu.wait_dma2 semaphore(%run_scoped3A : memref<!tpu.dma_semaphore, #tpu.memory_space<semaphore_mem>>) src(%dma_wait3A_38 : memref<640x128xf32, #tpu.memory_space<vmem_shared>>) dst(%dma_wait3A_36 : memref<640x128xf32, #tpu.memory_space<hbm>>)
      tpu.yield
    }) : () -> ()
    return
  }
}

module attributes {stable_mosaic.version = 14 : i64} {
  func.func @_proj_kernel(%arg0: i32, %arg1: memref<1000x128xf32, #tpu.memory_space<vmem>>, %arg2: memref<128x128xf32, #tpu.memory_space<vmem>>, %arg3: memref<1x128xf32, #tpu.memory_space<vmem>>, %arg4: memref<1x128xf32, #tpu.memory_space<vmem>>, %arg5: memref<1000x1xi32, #tpu.memory_space<vmem>>, %arg6: memref<1000x128xf32, #tpu.memory_space<vmem>>, %arg7: memref<64x1xf32, #tpu.memory_space<vmem>>) attributes {dimension_semantics = [#tpu.dimension_semantics<arbitrary>], iteration_bounds = array<i64: 10>, scalar_prefetch = 0 : i64, scratch_operands = 0 : i64, tpu.core_type = #tpu.core_type<tc>, window_params = [{transform_indices = @transform_0, window_bounds = array<i64: 1000, 128>}, {pipeline_mode = #tpu.pipeline_mode<synchronous>, transform_indices = @transform_1, window_bounds = array<i64: 128, 128>}, {pipeline_mode = #tpu.pipeline_mode<synchronous>, transform_indices = @transform_2, window_bounds = array<i64: 1, 128>}, {pipeline_mode = #tpu.pipeline_mode<synchronous>, transform_indices = @transform_3, window_bounds = array<i64: 1, 128>}, {transform_indices = @transform_4, window_bounds = array<i64: 1000, 1>}, {transform_indices = @transform_5, window_bounds = array<i64: 1000, 128>}, {pipeline_mode = #tpu.pipeline_mode<synchronous>, transform_indices = @transform_6, window_bounds = array<i64: 64, 1>}]} {
    %get3A = arith.constant 0 : index
    %get3A_0 = arith.constant 0 : index
    %get3A_1 = vector.load %arg1[%get3A, %get3A_0] : memref<1000x128xf32, #tpu.memory_space<vmem>>, vector<1000x128xf32>
    %get3A_2 = arith.constant 0 : index
    %get3A_3 = arith.constant 0 : index
    %get3A_4 = vector.load %arg2[%get3A_2, %get3A_3] : memref<128x128xf32, #tpu.memory_space<vmem>>, vector<128x128xf32>
    %dot_general3A = arith.constant dense<0.000000e+00> : vector<1000x128xf32>
    %dot_general3A_5 = tpu.matmul %get3A_1, %get3A_4, %dot_general3A {dimension_numbers = #tpu.dot_dimension_numbers<[1], [0], [0], [1], [0, 0, 1, 1], [], []>, precision = #tpu.contract_precision<fp32>, transpose_lhs_hint = false} : vector<1000x128xf32>, vector<128x128xf32>, vector<1000x128xf32> -> vector<1000x128xf32>
    %get3A_6 = arith.constant 0 : index
    %get3A_7 = arith.constant 0 : index
    %get3A_8 = vector.load %arg3[%get3A_6, %get3A_7] : memref<1x128xf32, #tpu.memory_space<vmem>>, vector<1x128xf32>
    %add3A = vector.broadcast %get3A_8 : vector<1x128xf32> to vector<1000x128xf32>
    %add3A_9 = arith.addf %dot_general3A_5, %add3A : vector<1000x128xf32>
    %get3A_10 = arith.constant 0 : index
    %get3A_11 = arith.constant 0 : index
    %get3A_12 = vector.load %arg4[%get3A_10, %get3A_11] : memref<1x128xf32, #tpu.memory_space<vmem>>, vector<1x128xf32>
    %add3A_13 = vector.broadcast %get3A_12 : vector<1x128xf32> to vector<1000x128xf32>
    %add3A_14 = arith.addf %add3A_9, %add3A_13 : vector<1000x128xf32>
    %swap3A = arith.constant 0 : index
    %swap3A_15 = arith.constant 0 : index
    %swap3A_16 = vector.load %arg6[%swap3A, %swap3A_15] : memref<1000x128xf32, #tpu.memory_space<vmem>>, vector<1000x128xf32>
    tpu.vector_store %arg6[%swap3A, %swap3A_15], %add3A_14 {strides = array<i32>} : memref<1000x128xf32, #tpu.memory_space<vmem>>, vector<1000x128xf32>,
    %get3A_17 = arith.constant 0 : index
    %get3A_18 = arith.constant 0 : index
    %get3A_19 = vector.load %arg5[%get3A_17, %get3A_18] : memref<1000x1xi32, #tpu.memory_space<vmem>>, vector<1000x1xi32>
    %iota3A = tpu.iota {dimensions = array<i32: 1>} : vector<1000x64xi32>
    %eq3A = vector.broadcast %get3A_19 : vector<1000x1xi32> to vector<1000x64xi32>
    %eq3A_20 = arith.cmpi eq, %eq3A, %iota3A : vector<1000x64xi32>
    %convert_element_type3A = arith.extui %eq3A_20 : vector<1000x64xi1> to vector<1000x64xi32>
    %convert_element_type3A_21 = arith.sitofp %convert_element_type3A : vector<1000x64xi32> to vector<1000x64xf32>
    %reduce_sum3A = arith.constant dense<0.000000e+00> : vector<64xf32>
    %reduce_sum3A_22 = vector.multi_reduction <add>, %convert_element_type3A_21, %reduce_sum3A [0] : vector<1000x64xf32> to vector<64xf32>
    %broadcast_in_dim3A = vector.shape_cast %reduce_sum3A_22 : vector<64xf32> to vector<64x1xf32>
    %eq3A_23 = arith.constant 0 : i32
    %eq3A_24 = arith.cmpi eq, %arg0, %eq3A_23 : i32
    %convert_element_type3A_25 = arith.extui %eq3A_24 : i1 to i32
    %cond3A = arith.constant 0 : i32
    %cond3A_26 = arith.cmpi ne, %convert_element_type3A_25, %cond3A : i32
    scf.if %cond3A_26 {
      %swap3A_31 = arith.constant 0 : index
      %swap3A_32 = arith.constant 0 : index
      %swap3A_33 = vector.load %arg7[%swap3A_31, %swap3A_32] : memref<64x1xf32, #tpu.memory_space<vmem>>, vector<64x1xf32>
      tpu.vector_store %arg7[%swap3A_31, %swap3A_32], %broadcast_in_dim3A {strides = array<i32>} : memref<64x1xf32, #tpu.memory_space<vmem>>, vector<64x1xf32>,
    } else {
    }
    %gt3A = arith.constant 0 : i32
    %gt3A_27 = arith.cmpi sgt, %arg0, %gt3A : i32
    %convert_element_type3A_28 = arith.extui %gt3A_27 : i1 to i32
    %cond3A_29 = arith.constant 0 : i32
    %cond3A_30 = arith.cmpi ne, %convert_element_type3A_28, %cond3A_29 : i32
    scf.if %cond3A_30 {
      %get3A_31 = arith.constant 0 : index
      %get3A_32 = arith.constant 0 : index
      %get3A_33 = vector.load %arg7[%get3A_31, %get3A_32] : memref<64x1xf32, #tpu.memory_space<vmem>>, vector<64x1xf32>
      %add3A_34 = arith.addf %get3A_33, %broadcast_in_dim3A : vector<64x1xf32>
      %swap3A_35 = arith.constant 0 : index
      %swap3A_36 = arith.constant 0 : index
      %swap3A_37 = vector.load %arg7[%swap3A_35, %swap3A_36] : memref<64x1xf32, #tpu.memory_space<vmem>>, vector<64x1xf32>
      tpu.vector_store %arg7[%swap3A_35, %swap3A_36], %add3A_34 {strides = array<i32>} : memref<64x1xf32, #tpu.memory_space<vmem>>, vector<64x1xf32>,
    } else {
    }
    return
  }
  func.func @transform_0(%arg0: i32) -> (i32, i32) {
    %c0_i32 = arith.constant 0 : i32
    %c0_i32_0 = arith.constant 0 : i32
    return %arg0, %c0_i32 : i32, i32
  }
  func.func @transform_1(%arg0: i32) -> (i32, i32) {
    %c0_i32 = arith.constant 0 : i32
    %c0_i32_0 = arith.constant 0 : i32
    %c0_i32_1 = arith.constant 0 : i32
    return %c0_i32, %c0_i32_0 : i32, i32
  }
  func.func @transform_2(%arg0: i32) -> (i32, i32) {
    %c0_i32 = arith.constant 0 : i32
    %c0_i32_0 = arith.constant 0 : i32
    %c0_i32_1 = arith.constant 0 : i32
    return %c0_i32, %c0_i32_0 : i32, i32
  }
  func.func @transform_3(%arg0: i32) -> (i32, i32) {
    %c0_i32 = arith.constant 0 : i32
    %c0_i32_0 = arith.constant 0 : i32
    %c0_i32_1 = arith.constant 0 : i32
    return %c0_i32, %c0_i32_0 : i32, i32
  }
  func.func @transform_4(%arg0: i32) -> (i32, i32) {
    %c0_i32 = arith.constant 0 : i32
    %c0_i32_0 = arith.constant 0 : i32
    return %arg0, %c0_i32 : i32, i32
  }
  func.func @transform_5(%arg0: i32) -> (i32, i32) {
    %c0_i32 = arith.constant 0 : i32
    %c0_i32_0 = arith.constant 0 : i32
    return %arg0, %c0_i32 : i32, i32
  }
  func.func @transform_6(%arg0: i32) -> (i32, i32) {
    %c0_i32 = arith.constant 0 : i32
    %c0_i32_0 = arith.constant 0 : i32
    %c0_i32_1 = arith.constant 0 : i32
    return %c0_i32, %c0_i32_0 : i32, i32
  }
}

module attributes {stable_mosaic.version = 14 : i64} {
  func.func @_layer_kernel(%arg0: i32, %arg1: memref<1000x128xf32, #tpu.memory_space<vmem>>, %arg2: memref<1000x128xf32, #tpu.memory_space<vmem>>, %arg3: memref<1000x128xf32, #tpu.memory_space<vmem>>, %arg4: memref<1000x1xi32, #tpu.memory_space<vmem>>, %arg5: memref<128x128xf32, #tpu.memory_space<vmem>>, %arg6: memref<1x128xf32, #tpu.memory_space<vmem>>, %arg7: memref<1x128xf32, #tpu.memory_space<vmem>>, %arg8: memref<1x128xf32, #tpu.memory_space<vmem>>, %arg9: memref<1x128xf32, #tpu.memory_space<vmem>>, %arg10: memref<1x128xf32, #tpu.memory_space<vmem>>, %arg11: memref<128x128xf32, #tpu.memory_space<vmem>>, %arg12: memref<1x128xf32, #tpu.memory_space<vmem>>, %arg13: memref<1000x128xf32, #tpu.memory_space<vmem>>, %arg14: memref<64x128xf32, #tpu.memory_space<vmem>>) attributes {dimension_semantics = [#tpu.dimension_semantics<arbitrary>], iteration_bounds = array<i64: 10>, scalar_prefetch = 0 : i64, scratch_operands = 0 : i64, tpu.core_type = #tpu.core_type<tc>, window_params = [{transform_indices = @transform_0, window_bounds = array<i64: 1000, 128>}, {transform_indices = @transform_1, window_bounds = array<i64: 1000, 128>}, {transform_indices = @transform_2, window_bounds = array<i64: 1000, 128>}, {transform_indices = @transform_3, window_bounds = array<i64: 1000, 1>}, {pipeline_mode = #tpu.pipeline_mode<synchronous>, transform_indices = @transform_4, window_bounds = array<i64: 128, 128>}, {pipeline_mode = #tpu.pipeline_mode<synchronous>, transform_indices = @transform_5, window_bounds = array<i64: 1, 128>}, {pipeline_mode = #tpu.pipeline_mode<synchronous>, transform_indices = @transform_6, window_bounds = array<i64: 1, 128>}, {pipeline_mode = #tpu.pipeline_mode<synchronous>, transform_indices = @transform_7, window_bounds = array<i64: 1, 128>}, {pipeline_mode = #tpu.pipeline_mode<synchronous>, transform_indices = @transform_8, window_bounds = array<i64: 1, 128>}, {pipeline_mode = #tpu.pipeline_mode<synchronous>, transform_indices = @transform_9, window_bounds = array<i64: 1, 128>}, {pipeline_mode = #tpu.pipeline_mode<synchronous>, transform_indices = @transform_10, window_bounds = array<i64: 128, 128>}, {pipeline_mode = #tpu.pipeline_mode<synchronous>, transform_indices = @transform_11, window_bounds = array<i64: 1, 128>}, {transform_indices = @transform_12, window_bounds = array<i64: 1000, 128>}, {pipeline_mode = #tpu.pipeline_mode<synchronous>, transform_indices = @transform_13, window_bounds = array<i64: 64, 128>}]} {
    %get3A = arith.constant 0 : index
    %get3A_0 = arith.constant 0 : index
    %get3A_1 = vector.load %arg1[%get3A, %get3A_0] : memref<1000x128xf32, #tpu.memory_space<vmem>>, vector<1000x128xf32>
    %get3A_2 = arith.constant 0 : index
    %get3A_3 = arith.constant 0 : index
    %get3A_4 = vector.load %arg2[%get3A_2, %get3A_3] : memref<1000x128xf32, #tpu.memory_space<vmem>>, vector<1000x128xf32>
    %add3A = arith.addf %get3A_1, %get3A_4 : vector<1000x128xf32>
    %get3A_5 = arith.constant 0 : index
    %get3A_6 = arith.constant 0 : index
    %get3A_7 = vector.load %arg3[%get3A_5, %get3A_6] : memref<1000x128xf32, #tpu.memory_space<vmem>>, vector<1000x128xf32>
    %add3A_8 = arith.addf %add3A, %get3A_7 : vector<1000x128xf32>
    %get3A_9 = arith.constant 0 : index
    %get3A_10 = arith.constant 0 : index
    %get3A_11 = vector.load %arg5[%get3A_9, %get3A_10] : memref<128x128xf32, #tpu.memory_space<vmem>>, vector<128x128xf32>
    %dot_general3A = arith.constant dense<0.000000e+00> : vector<1000x128xf32>
    %dot_general3A_12 = tpu.matmul %add3A_8, %get3A_11, %dot_general3A {dimension_numbers = #tpu.dot_dimension_numbers<[1], [0], [0], [1], [0, 0, 1, 1], [], []>, precision = #tpu.contract_precision<fp32>, transpose_lhs_hint = false} : vector<1000x128xf32>, vector<128x128xf32>, vector<1000x128xf32> -> vector<1000x128xf32>
    %get3A_13 = arith.constant 0 : index
    %get3A_14 = arith.constant 0 : index
    %get3A_15 = vector.load %arg6[%get3A_13, %get3A_14] : memref<1x128xf32, #tpu.memory_space<vmem>>, vector<1x128xf32>
    %add3A_16 = vector.broadcast %get3A_15 : vector<1x128xf32> to vector<1000x128xf32>
    %add3A_17 = arith.addf %dot_general3A_12, %add3A_16 : vector<1000x128xf32>
    %ge3A = arith.constant 0.000000e+00 : f32
    %ge3A_18 = vector.broadcast %ge3A : f32 to vector<1000x128xf32>
    %ge3A_19 = arith.cmpf oge, %add3A_17, %ge3A_18 : vector<1000x128xf32>
    %mul3A = arith.constant 2.000000e-01 : f32
    %mul3A_20 = vector.broadcast %mul3A : f32 to vector<1000x128xf32>
    %mul3A_21 = arith.mulf %mul3A_20, %add3A_17 : vector<1000x128xf32>
    %select_n3A = arith.select %ge3A_19, %add3A_17, %mul3A_21 : vector<1000x128xi1>, vector<1000x128xf32>
    %get3A_22 = arith.constant 0 : index
    %get3A_23 = arith.constant 0 : index
    %get3A_24 = vector.load %arg7[%get3A_22, %get3A_23] : memref<1x128xf32, #tpu.memory_space<vmem>>, vector<1x128xf32>
    %get3A_25 = arith.constant 0 : index
    %get3A_26 = arith.constant 0 : index
    %get3A_27 = vector.load %arg9[%get3A_25, %get3A_26] : memref<1x128xf32, #tpu.memory_space<vmem>>, vector<1x128xf32>
    %sub3A = vector.broadcast %get3A_27 : vector<1x128xf32> to vector<1000x128xf32>
    %sub3A_28 = arith.subf %select_n3A, %sub3A : vector<1000x128xf32>
    %mul3A_29 = vector.broadcast %get3A_24 : vector<1x128xf32> to vector<1000x128xf32>
    %mul3A_30 = arith.mulf %mul3A_29, %sub3A_28 : vector<1000x128xf32>
    %get3A_31 = arith.constant 0 : index
    %get3A_32 = arith.constant 0 : index
    %get3A_33 = vector.load %arg10[%get3A_31, %get3A_32] : memref<1x128xf32, #tpu.memory_space<vmem>>, vector<1x128xf32>
    %add3A_34 = arith.constant 9.99999974E-6 : f32
    %add3A_35 = vector.broadcast %add3A_34 : f32 to vector<1x128xf32>
    %add3A_36 = arith.addf %get3A_33, %add3A_35 : vector<1x128xf32>
    %rsqrt3A = math.rsqrt %add3A_36 : vector<1x128xf32>
    %mul3A_37 = vector.broadcast %rsqrt3A : vector<1x128xf32> to vector<1000x128xf32>
    %mul3A_38 = arith.mulf %mul3A_30, %mul3A_37 : vector<1000x128xf32>
    %get3A_39 = arith.constant 0 : index
    %get3A_40 = arith.constant 0 : index
    %get3A_41 = vector.load %arg8[%get3A_39, %get3A_40] : memref<1x128xf32, #tpu.memory_space<vmem>>, vector<1x128xf32>
    %add3A_42 = vector.broadcast %get3A_41 : vector<1x128xf32> to vector<1000x128xf32>
    %add3A_43 = arith.addf %mul3A_38, %add3A_42 : vector<1000x128xf32>
    %get3A_44 = arith.constant 0 : index
    %get3A_45 = arith.constant 0 : index
    %get3A_46 = vector.load %arg11[%get3A_44, %get3A_45] : memref<128x128xf32, #tpu.memory_space<vmem>>, vector<128x128xf32>
    %dot_general3A_47 = arith.constant dense<0.000000e+00> : vector<1000x128xf32>
    %dot_general3A_48 = tpu.matmul %add3A_43, %get3A_46, %dot_general3A_47 {dimension_numbers = #tpu.dot_dimension_numbers<[1], [0], [0], [1], [0, 0, 1, 1], [], []>, precision = #tpu.contract_precision<fp32>, transpose_lhs_hint = false} : vector<1000x128xf32>, vector<128x128xf32>, vector<1000x128xf32> -> vector<1000x128xf32>
    %get3A_49 = arith.constant 0 : index
    %get3A_50 = arith.constant 0 : index
    %get3A_51 = vector.load %arg12[%get3A_49, %get3A_50] : memref<1x128xf32, #tpu.memory_space<vmem>>, vector<1x128xf32>
    %add3A_52 = vector.broadcast %get3A_51 : vector<1x128xf32> to vector<1000x128xf32>
    %add3A_53 = arith.addf %dot_general3A_48, %add3A_52 : vector<1000x128xf32>
    %ge3A_54 = arith.constant 0.000000e+00 : f32
    %ge3A_55 = vector.broadcast %ge3A_54 : f32 to vector<1000x128xf32>
    %ge3A_56 = arith.cmpf oge, %add3A_53, %ge3A_55 : vector<1000x128xf32>
    %mul3A_57 = arith.constant 2.000000e-01 : f32
    %mul3A_58 = vector.broadcast %mul3A_57 : f32 to vector<1000x128xf32>
    %mul3A_59 = arith.mulf %mul3A_58, %add3A_53 : vector<1000x128xf32>
    %select_n3A_60 = arith.select %ge3A_56, %add3A_53, %mul3A_59 : vector<1000x128xi1>, vector<1000x128xf32>
    %swap3A = arith.constant 0 : index
    %swap3A_61 = arith.constant 0 : index
    %swap3A_62 = vector.load %arg13[%swap3A, %swap3A_61] : memref<1000x128xf32, #tpu.memory_space<vmem>>, vector<1000x128xf32>
    tpu.vector_store %arg13[%swap3A, %swap3A_61], %select_n3A_60 {strides = array<i32>} : memref<1000x128xf32, #tpu.memory_space<vmem>>, vector<1000x128xf32>,
    %get3A_63 = arith.constant 0 : index
    %get3A_64 = arith.constant 0 : index
    %get3A_65 = vector.load %arg4[%get3A_63, %get3A_64] : memref<1000x1xi32, #tpu.memory_space<vmem>>, vector<1000x1xi32>
    %iota3A = tpu.iota {dimensions = array<i32: 1>} : vector<1000x64xi32>
    %eq3A = vector.broadcast %get3A_65 : vector<1000x1xi32> to vector<1000x64xi32>
    %eq3A_66 = arith.cmpi eq, %eq3A, %iota3A : vector<1000x64xi32>
    %convert_element_type3A = arith.extui %eq3A_66 : vector<1000x64xi1> to vector<1000x64xi32>
    %convert_element_type3A_67 = arith.sitofp %convert_element_type3A : vector<1000x64xi32> to vector<1000x64xf32>
    %transpose3A = tpu.transpose %convert_element_type3A_67, [1, 0] : vector<1000x64xf32> -> vector<64x1000xf32>
    %dot_general3A_68 = arith.constant dense<0.000000e+00> : vector<64x128xf32>
    %dot_general3A_69 = tpu.matmul %transpose3A, %select_n3A_60, %dot_general3A_68 {dimension_numbers = #tpu.dot_dimension_numbers<[1], [0], [0], [1], [0, 0, 1, 1], [], []>, precision = #tpu.contract_precision<fp32>, transpose_lhs_hint = false} : vector<64x1000xf32>, vector<1000x128xf32>, vector<64x128xf32> -> vector<64x128xf32>
    %eq3A_70 = arith.constant 0 : i32
    %eq3A_71 = arith.cmpi eq, %arg0, %eq3A_70 : i32
    %convert_element_type3A_72 = arith.extui %eq3A_71 : i1 to i32
    %cond3A = arith.constant 0 : i32
    %cond3A_73 = arith.cmpi ne, %convert_element_type3A_72, %cond3A : i32
    scf.if %cond3A_73 {
      %swap3A_78 = arith.constant 0 : index
      %swap3A_79 = arith.constant 0 : index
      %swap3A_80 = vector.load %arg14[%swap3A_78, %swap3A_79] : memref<64x128xf32, #tpu.memory_space<vmem>>, vector<64x128xf32>
      tpu.vector_store %arg14[%swap3A_78, %swap3A_79], %dot_general3A_69 {strides = array<i32>} : memref<64x128xf32, #tpu.memory_space<vmem>>, vector<64x128xf32>,
    } else {
    }
    %gt3A = arith.constant 0 : i32
    %gt3A_74 = arith.cmpi sgt, %arg0, %gt3A : i32
    %convert_element_type3A_75 = arith.extui %gt3A_74 : i1 to i32
    %cond3A_76 = arith.constant 0 : i32
    %cond3A_77 = arith.cmpi ne, %convert_element_type3A_75, %cond3A_76 : i32
    scf.if %cond3A_77 {
      %get3A_78 = arith.constant 0 : index
      %get3A_79 = arith.constant 0 : index
      %get3A_80 = vector.load %arg14[%get3A_78, %get3A_79] : memref<64x128xf32, #tpu.memory_space<vmem>>, vector<64x128xf32>
      %add3A_81 = arith.addf %get3A_80, %dot_general3A_69 : vector<64x128xf32>
      %swap3A_82 = arith.constant 0 : index
      %swap3A_83 = arith.constant 0 : index
      %swap3A_84 = vector.load %arg14[%swap3A_82, %swap3A_83] : memref<64x128xf32, #tpu.memory_space<vmem>>, vector<64x128xf32>
      tpu.vector_store %arg14[%swap3A_82, %swap3A_83], %add3A_81 {strides = array<i32>} : memref<64x128xf32, #tpu.memory_space<vmem>>, vector<64x128xf32>,
    } else {
    }
    return
  }
  func.func @transform_0(%arg0: i32) -> (i32, i32) {
    %c0_i32 = arith.constant 0 : i32
    %c0_i32_0 = arith.constant 0 : i32
    return %arg0, %c0_i32 : i32, i32
  }
  func.func @transform_1(%arg0: i32) -> (i32, i32) {
    %c0_i32 = arith.constant 0 : i32
    %c0_i32_0 = arith.constant 0 : i32
    return %arg0, %c0_i32 : i32, i32
  }
  func.func @transform_2(%arg0: i32) -> (i32, i32) {
    %c0_i32 = arith.constant 0 : i32
    %c0_i32_0 = arith.constant 0 : i32
    return %arg0, %c0_i32 : i32, i32
  }
  func.func @transform_3(%arg0: i32) -> (i32, i32) {
    %c0_i32 = arith.constant 0 : i32
    %c0_i32_0 = arith.constant 0 : i32
    return %arg0, %c0_i32 : i32, i32
  }
  func.func @transform_4(%arg0: i32) -> (i32, i32) {
    %c0_i32 = arith.constant 0 : i32
    %c0_i32_0 = arith.constant 0 : i32
    %c0_i32_1 = arith.constant 0 : i32
    return %c0_i32, %c0_i32_0 : i32, i32
  }
  func.func @transform_5(%arg0: i32) -> (i32, i32) {
    %c0_i32 = arith.constant 0 : i32
    %c0_i32_0 = arith.constant 0 : i32
    %c0_i32_1 = arith.constant 0 : i32
    return %c0_i32, %c0_i32_0 : i32, i32
  }
  func.func @transform_6(%arg0: i32) -> (i32, i32) {
    %c0_i32 = arith.constant 0 : i32
    %c0_i32_0 = arith.constant 0 : i32
    %c0_i32_1 = arith.constant 0 : i32
    return %c0_i32, %c0_i32_0 : i32, i32
  }
  func.func @transform_7(%arg0: i32) -> (i32, i32) {
    %c0_i32 = arith.constant 0 : i32
    %c0_i32_0 = arith.constant 0 : i32
    %c0_i32_1 = arith.constant 0 : i32
    return %c0_i32, %c0_i32_0 : i32, i32
  }
  func.func @transform_8(%arg0: i32) -> (i32, i32) {
    %c0_i32 = arith.constant 0 : i32
    %c0_i32_0 = arith.constant 0 : i32
    %c0_i32_1 = arith.constant 0 : i32
    return %c0_i32, %c0_i32_0 : i32, i32
  }
  func.func @transform_9(%arg0: i32) -> (i32, i32) {
    %c0_i32 = arith.constant 0 : i32
    %c0_i32_0 = arith.constant 0 : i32
    %c0_i32_1 = arith.constant 0 : i32
    return %c0_i32, %c0_i32_0 : i32, i32
  }
  func.func @transform_10(%arg0: i32) -> (i32, i32) {
    %c0_i32 = arith.constant 0 : i32
    %c0_i32_0 = arith.constant 0 : i32
    %c0_i32_1 = arith.constant 0 : i32
    return %c0_i32, %c0_i32_0 : i32, i32
  }
  func.func @transform_11(%arg0: i32) -> (i32, i32) {
    %c0_i32 = arith.constant 0 : i32
    %c0_i32_0 = arith.constant 0 : i32
    %c0_i32_1 = arith.constant 0 : i32
    return %c0_i32, %c0_i32_0 : i32, i32
  }
  func.func @transform_12(%arg0: i32) -> (i32, i32) {
    %c0_i32 = arith.constant 0 : i32
    %c0_i32_0 = arith.constant 0 : i32
    return %arg0, %c0_i32 : i32, i32
  }
  func.func @transform_13(%arg0: i32) -> (i32, i32) {
    %c0_i32 = arith.constant 0 : i32
    %c0_i32_0 = arith.constant 0 : i32
    %c0_i32_1 = arith.constant 0 : i32
    return %c0_i32, %c0_i32_0 : i32, i32
  }
}

module attributes {stable_mosaic.version = 14 : i64} {
  func.func @_vn_kernel(%arg0: i32, %arg1: memref<1000x128xf32, #tpu.memory_space<vmem>>, %arg2: memref<64x128xf32, #tpu.memory_space<vmem>>, %arg3: memref<64x1xf32, #tpu.memory_space<vmem>>, %arg4: memref<64x128xf32, #tpu.memory_space<vmem>>, %arg5: memref<128x128xf32, #tpu.memory_space<vmem>>, %arg6: memref<1x128xf32, #tpu.memory_space<vmem>>, %arg7: memref<128x128xf32, #tpu.memory_space<vmem>>, %arg8: memref<1x128xf32, #tpu.memory_space<vmem>>, %arg9: memref<1000x1xi32, #tpu.memory_space<vmem>>, %arg10: memref<1000x128xf32, #tpu.memory_space<vmem>>, %arg11: memref<64x128xf32, #tpu.memory_space<vmem>>) attributes {dimension_semantics = [#tpu.dimension_semantics<arbitrary>], iteration_bounds = array<i64: 10>, scalar_prefetch = 0 : i64, scratch_operands = 0 : i64, tpu.core_type = #tpu.core_type<tc>, window_params = [{transform_indices = @transform_0, window_bounds = array<i64: 1000, 128>}, {pipeline_mode = #tpu.pipeline_mode<synchronous>, transform_indices = @transform_1, window_bounds = array<i64: 64, 128>}, {pipeline_mode = #tpu.pipeline_mode<synchronous>, transform_indices = @transform_2, window_bounds = array<i64: 64, 1>}, {pipeline_mode = #tpu.pipeline_mode<synchronous>, transform_indices = @transform_3, window_bounds = array<i64: 64, 128>}, {pipeline_mode = #tpu.pipeline_mode<synchronous>, transform_indices = @transform_4, window_bounds = array<i64: 128, 128>}, {pipeline_mode = #tpu.pipeline_mode<synchronous>, transform_indices = @transform_5, window_bounds = array<i64: 1, 128>}, {pipeline_mode = #tpu.pipeline_mode<synchronous>, transform_indices = @transform_6, window_bounds = array<i64: 128, 128>}, {pipeline_mode = #tpu.pipeline_mode<synchronous>, transform_indices = @transform_7, window_bounds = array<i64: 1, 128>}, {transform_indices = @transform_8, window_bounds = array<i64: 1000, 1>}, {transform_indices = @transform_9, window_bounds = array<i64: 1000, 128>}, {pipeline_mode = #tpu.pipeline_mode<synchronous>, transform_indices = @transform_10, window_bounds = array<i64: 64, 128>}]} {
    %get3A = arith.constant 0 : index
    %get3A_0 = arith.constant 0 : index
    %get3A_1 = vector.load %arg2[%get3A, %get3A_0] : memref<64x128xf32, #tpu.memory_space<vmem>>, vector<64x128xf32>
    %get3A_2 = arith.constant 0 : index
    %get3A_3 = arith.constant 0 : index
    %get3A_4 = vector.load %arg3[%get3A_2, %get3A_3] : memref<64x1xf32, #tpu.memory_space<vmem>>, vector<64x1xf32>
    %max3A = arith.constant 1.000000e+00 : f32
    %max3A_5 = vector.broadcast %max3A : f32 to vector<64x1xf32>
    %max3A_6 = arith.maximumf %get3A_4, %max3A_5 : vector<64x1xf32>
    %div3A = vector.broadcast %max3A_6 : vector<64x1xf32> to vector<64x128xf32>
    %div3A_7 = arith.divf %get3A_1, %div3A : vector<64x128xf32>
    %get3A_8 = arith.constant 0 : index
    %get3A_9 = arith.constant 0 : index
    %get3A_10 = vector.load %arg5[%get3A_8, %get3A_9] : memref<128x128xf32, #tpu.memory_space<vmem>>, vector<128x128xf32>
    %dot_general3A = arith.constant dense<0.000000e+00> : vector<64x128xf32>
    %dot_general3A_11 = tpu.matmul %div3A_7, %get3A_10, %dot_general3A {dimension_numbers = #tpu.dot_dimension_numbers<[1], [0], [0], [1], [0, 0, 1, 1], [], []>, precision = #tpu.contract_precision<fp32>, transpose_lhs_hint = false} : vector<64x128xf32>, vector<128x128xf32>, vector<64x128xf32> -> vector<64x128xf32>
    %get3A_12 = arith.constant 0 : index
    %get3A_13 = arith.constant 0 : index
    %get3A_14 = vector.load %arg6[%get3A_12, %get3A_13] : memref<1x128xf32, #tpu.memory_space<vmem>>, vector<1x128xf32>
    %add3A = vector.broadcast %get3A_14 : vector<1x128xf32> to vector<64x128xf32>
    %add3A_15 = arith.addf %dot_general3A_11, %add3A : vector<64x128xf32>
    %ge3A = arith.constant 0.000000e+00 : f32
    %ge3A_16 = vector.broadcast %ge3A : f32 to vector<64x128xf32>
    %ge3A_17 = arith.cmpf oge, %add3A_15, %ge3A_16 : vector<64x128xf32>
    %mul3A = arith.constant 2.000000e-01 : f32
    %mul3A_18 = vector.broadcast %mul3A : f32 to vector<64x128xf32>
    %mul3A_19 = arith.mulf %mul3A_18, %add3A_15 : vector<64x128xf32>
    %select_n3A = arith.select %ge3A_17, %add3A_15, %mul3A_19 : vector<64x128xi1>, vector<64x128xf32>
    %get3A_20 = arith.constant 0 : index
    %get3A_21 = arith.constant 0 : index
    %get3A_22 = vector.load %arg7[%get3A_20, %get3A_21] : memref<128x128xf32, #tpu.memory_space<vmem>>, vector<128x128xf32>
    %dot_general3A_23 = arith.constant dense<0.000000e+00> : vector<64x128xf32>
    %dot_general3A_24 = tpu.matmul %select_n3A, %get3A_22, %dot_general3A_23 {dimension_numbers = #tpu.dot_dimension_numbers<[1], [0], [0], [1], [0, 0, 1, 1], [], []>, precision = #tpu.contract_precision<fp32>, transpose_lhs_hint = false} : vector<64x128xf32>, vector<128x128xf32>, vector<64x128xf32> -> vector<64x128xf32>
    %get3A_25 = arith.constant 0 : index
    %get3A_26 = arith.constant 0 : index
    %get3A_27 = vector.load %arg8[%get3A_25, %get3A_26] : memref<1x128xf32, #tpu.memory_space<vmem>>, vector<1x128xf32>
    %add3A_28 = vector.broadcast %get3A_27 : vector<1x128xf32> to vector<64x128xf32>
    %add3A_29 = arith.addf %dot_general3A_24, %add3A_28 : vector<64x128xf32>
    %get3A_30 = arith.constant 0 : index
    %get3A_31 = arith.constant 0 : index
    %get3A_32 = vector.load %arg4[%get3A_30, %get3A_31] : memref<64x128xf32, #tpu.memory_space<vmem>>, vector<64x128xf32>
    %add3A_33 = arith.addf %get3A_32, %add3A_29 : vector<64x128xf32>
    %swap3A = arith.constant 0 : index
    %swap3A_34 = arith.constant 0 : index
    %swap3A_35 = vector.load %arg11[%swap3A, %swap3A_34] : memref<64x128xf32, #tpu.memory_space<vmem>>, vector<64x128xf32>
    tpu.vector_store %arg11[%swap3A, %swap3A_34], %add3A_33 {strides = array<i32>} : memref<64x128xf32, #tpu.memory_space<vmem>>, vector<64x128xf32>,
    %get3A_36 = arith.constant 0 : index
    %get3A_37 = arith.constant 0 : index
    %get3A_38 = vector.load %arg9[%get3A_36, %get3A_37] : memref<1000x1xi32, #tpu.memory_space<vmem>>, vector<1000x1xi32>
    %iota3A = tpu.iota {dimensions = array<i32: 1>} : vector<1000x64xi32>
    %eq3A = vector.broadcast %get3A_38 : vector<1000x1xi32> to vector<1000x64xi32>
    %eq3A_39 = arith.cmpi eq, %eq3A, %iota3A : vector<1000x64xi32>
    %convert_element_type3A = arith.extui %eq3A_39 : vector<1000x64xi1> to vector<1000x64xi32>
    %convert_element_type3A_40 = arith.sitofp %convert_element_type3A : vector<1000x64xi32> to vector<1000x64xf32>
    %get3A_41 = arith.constant 0 : index
    %get3A_42 = arith.constant 0 : index
    %get3A_43 = vector.load %arg1[%get3A_41, %get3A_42] : memref<1000x128xf32, #tpu.memory_space<vmem>>, vector<1000x128xf32>
    %dot_general3A_44 = arith.constant dense<0.000000e+00> : vector<1000x128xf32>
    %dot_general3A_45 = tpu.matmul %convert_element_type3A_40, %add3A_33, %dot_general3A_44 {dimension_numbers = #tpu.dot_dimension_numbers<[1], [0], [0], [1], [0, 0, 1, 1], [], []>, precision = #tpu.contract_precision<fp32>, transpose_lhs_hint = false} : vector<1000x64xf32>, vector<64x128xf32>, vector<1000x128xf32> -> vector<1000x128xf32>
    %add3A_46 = arith.addf %get3A_43, %dot_general3A_45 : vector<1000x128xf32>
    %swap3A_47 = arith.constant 0 : index
    %swap3A_48 = arith.constant 0 : index
    %swap3A_49 = vector.load %arg10[%swap3A_47, %swap3A_48] : memref<1000x128xf32, #tpu.memory_space<vmem>>, vector<1000x128xf32>
    tpu.vector_store %arg10[%swap3A_47, %swap3A_48], %add3A_46 {strides = array<i32>} : memref<1000x128xf32, #tpu.memory_space<vmem>>, vector<1000x128xf32>,
    return
  }
  func.func @transform_0(%arg0: i32) -> (i32, i32) {
    %c0_i32 = arith.constant 0 : i32
    %c0_i32_0 = arith.constant 0 : i32
    return %arg0, %c0_i32 : i32, i32
  }
  func.func @transform_1(%arg0: i32) -> (i32, i32) {
    %c0_i32 = arith.constant 0 : i32
    %c0_i32_0 = arith.constant 0 : i32
    %c0_i32_1 = arith.constant 0 : i32
    return %c0_i32, %c0_i32_0 : i32, i32
  }
  func.func @transform_2(%arg0: i32) -> (i32, i32) {
    %c0_i32 = arith.constant 0 : i32
    %c0_i32_0 = arith.constant 0 : i32
    %c0_i32_1 = arith.constant 0 : i32
    return %c0_i32, %c0_i32_0 : i32, i32
  }
  func.func @transform_3(%arg0: i32) -> (i32, i32) {
    %c0_i32 = arith.constant 0 : i32
    %c0_i32_0 = arith.constant 0 : i32
    %c0_i32_1 = arith.constant 0 : i32
    return %c0_i32, %c0_i32_0 : i32, i32
  }
  func.func @transform_4(%arg0: i32) -> (i32, i32) {
    %c0_i32 = arith.constant 0 : i32
    %c0_i32_0 = arith.constant 0 : i32
    %c0_i32_1 = arith.constant 0 : i32
    return %c0_i32, %c0_i32_0 : i32, i32
  }
  func.func @transform_5(%arg0: i32) -> (i32, i32) {
    %c0_i32 = arith.constant 0 : i32
    %c0_i32_0 = arith.constant 0 : i32
    %c0_i32_1 = arith.constant 0 : i32
    return %c0_i32, %c0_i32_0 : i32, i32
  }
  func.func @transform_6(%arg0: i32) -> (i32, i32) {
    %c0_i32 = arith.constant 0 : i32
    %c0_i32_0 = arith.constant 0 : i32
    %c0_i32_1 = arith.constant 0 : i32
    return %c0_i32, %c0_i32_0 : i32, i32
  }
  func.func @transform_7(%arg0: i32) -> (i32, i32) {
    %c0_i32 = arith.constant 0 : i32
    %c0_i32_0 = arith.constant 0 : i32
    %c0_i32_1 = arith.constant 0 : i32
    return %c0_i32, %c0_i32_0 : i32, i32
  }
  func.func @transform_8(%arg0: i32) -> (i32, i32) {
    %c0_i32 = arith.constant 0 : i32
    %c0_i32_0 = arith.constant 0 : i32
    return %arg0, %c0_i32 : i32, i32
  }
  func.func @transform_9(%arg0: i32) -> (i32, i32) {
    %c0_i32 = arith.constant 0 : i32
    %c0_i32_0 = arith.constant 0 : i32
    return %arg0, %c0_i32 : i32, i32
  }
  func.func @transform_10(%arg0: i32) -> (i32, i32) {
    %c0_i32 = arith.constant 0 : i32
    %c0_i32_0 = arith.constant 0 : i32
    %c0_i32_1 = arith.constant 0 : i32
    return %c0_i32, %c0_i32_0 : i32, i32
  }
}

module attributes {stable_mosaic.version = 14 : i64} {
  func.func @_vn_kernel(%arg0: i32, %arg1: memref<1000x128xf32, #tpu.memory_space<vmem>>, %arg2: memref<64x128xf32, #tpu.memory_space<vmem>>, %arg3: memref<64x1xf32, #tpu.memory_space<vmem>>, %arg4: memref<64x128xf32, #tpu.memory_space<vmem>>, %arg5: memref<128x128xf32, #tpu.memory_space<vmem>>, %arg6: memref<1x128xf32, #tpu.memory_space<vmem>>, %arg7: memref<128x128xf32, #tpu.memory_space<vmem>>, %arg8: memref<1x128xf32, #tpu.memory_space<vmem>>, %arg9: memref<1000x1xi32, #tpu.memory_space<vmem>>, %arg10: memref<1000x128xf32, #tpu.memory_space<vmem>>, %arg11: memref<64x128xf32, #tpu.memory_space<vmem>>) attributes {dimension_semantics = [#tpu.dimension_semantics<arbitrary>], iteration_bounds = array<i64: 10>, scalar_prefetch = 0 : i64, scratch_operands = 0 : i64, tpu.core_type = #tpu.core_type<tc>, window_params = [{transform_indices = @transform_0, window_bounds = array<i64: 1000, 128>}, {pipeline_mode = #tpu.pipeline_mode<synchronous>, transform_indices = @transform_1, window_bounds = array<i64: 64, 128>}, {pipeline_mode = #tpu.pipeline_mode<synchronous>, transform_indices = @transform_2, window_bounds = array<i64: 64, 1>}, {pipeline_mode = #tpu.pipeline_mode<synchronous>, transform_indices = @transform_3, window_bounds = array<i64: 64, 128>}, {pipeline_mode = #tpu.pipeline_mode<synchronous>, transform_indices = @transform_4, window_bounds = array<i64: 128, 128>}, {pipeline_mode = #tpu.pipeline_mode<synchronous>, transform_indices = @transform_5, window_bounds = array<i64: 1, 128>}, {pipeline_mode = #tpu.pipeline_mode<synchronous>, transform_indices = @transform_6, window_bounds = array<i64: 128, 128>}, {pipeline_mode = #tpu.pipeline_mode<synchronous>, transform_indices = @transform_7, window_bounds = array<i64: 1, 128>}, {transform_indices = @transform_8, window_bounds = array<i64: 1000, 1>}, {transform_indices = @transform_9, window_bounds = array<i64: 1000, 128>}, {pipeline_mode = #tpu.pipeline_mode<synchronous>, transform_indices = @transform_10, window_bounds = array<i64: 64, 128>}]} {
    %get3A = arith.constant 0 : index
    %get3A_0 = arith.constant 0 : index
    %get3A_1 = vector.load %arg2[%get3A, %get3A_0] : memref<64x128xf32, #tpu.memory_space<vmem>>, vector<64x128xf32>
    %get3A_2 = arith.constant 0 : index
    %get3A_3 = arith.constant 0 : index
    %get3A_4 = vector.load %arg3[%get3A_2, %get3A_3] : memref<64x1xf32, #tpu.memory_space<vmem>>, vector<64x1xf32>
    %max3A = arith.constant 1.000000e+00 : f32
    %max3A_5 = vector.broadcast %max3A : f32 to vector<64x1xf32>
    %max3A_6 = arith.maximumf %get3A_4, %max3A_5 : vector<64x1xf32>
    %div3A = vector.broadcast %max3A_6 : vector<64x1xf32> to vector<64x128xf32>
    %div3A_7 = arith.divf %get3A_1, %div3A : vector<64x128xf32>
    %get3A_8 = arith.constant 0 : index
    %get3A_9 = arith.constant 0 : index
    %get3A_10 = vector.load %arg5[%get3A_8, %get3A_9] : memref<128x128xf32, #tpu.memory_space<vmem>>, vector<128x128xf32>
    %dot_general3A = arith.constant dense<0.000000e+00> : vector<64x128xf32>
    %dot_general3A_11 = tpu.matmul %div3A_7, %get3A_10, %dot_general3A {dimension_numbers = #tpu.dot_dimension_numbers<[1], [0], [0], [1], [0, 0, 1, 1], [], []>, precision = #tpu.contract_precision<fp32>, transpose_lhs_hint = false} : vector<64x128xf32>, vector<128x128xf32>, vector<64x128xf32> -> vector<64x128xf32>
    %get3A_12 = arith.constant 0 : index
    %get3A_13 = arith.constant 0 : index
    %get3A_14 = vector.load %arg6[%get3A_12, %get3A_13] : memref<1x128xf32, #tpu.memory_space<vmem>>, vector<1x128xf32>
    %add3A = vector.broadcast %get3A_14 : vector<1x128xf32> to vector<64x128xf32>
    %add3A_15 = arith.addf %dot_general3A_11, %add3A : vector<64x128xf32>
    %ge3A = arith.constant 0.000000e+00 : f32
    %ge3A_16 = vector.broadcast %ge3A : f32 to vector<64x128xf32>
    %ge3A_17 = arith.cmpf oge, %add3A_15, %ge3A_16 : vector<64x128xf32>
    %mul3A = arith.constant 2.000000e-01 : f32
    %mul3A_18 = vector.broadcast %mul3A : f32 to vector<64x128xf32>
    %mul3A_19 = arith.mulf %mul3A_18, %add3A_15 : vector<64x128xf32>
    %select_n3A = arith.select %ge3A_17, %add3A_15, %mul3A_19 : vector<64x128xi1>, vector<64x128xf32>
    %get3A_20 = arith.constant 0 : index
    %get3A_21 = arith.constant 0 : index
    %get3A_22 = vector.load %arg7[%get3A_20, %get3A_21] : memref<128x128xf32, #tpu.memory_space<vmem>>, vector<128x128xf32>
    %dot_general3A_23 = arith.constant dense<0.000000e+00> : vector<64x128xf32>
    %dot_general3A_24 = tpu.matmul %select_n3A, %get3A_22, %dot_general3A_23 {dimension_numbers = #tpu.dot_dimension_numbers<[1], [0], [0], [1], [0, 0, 1, 1], [], []>, precision = #tpu.contract_precision<fp32>, transpose_lhs_hint = false} : vector<64x128xf32>, vector<128x128xf32>, vector<64x128xf32> -> vector<64x128xf32>
    %get3A_25 = arith.constant 0 : index
    %get3A_26 = arith.constant 0 : index
    %get3A_27 = vector.load %arg8[%get3A_25, %get3A_26] : memref<1x128xf32, #tpu.memory_space<vmem>>, vector<1x128xf32>
    %add3A_28 = vector.broadcast %get3A_27 : vector<1x128xf32> to vector<64x128xf32>
    %add3A_29 = arith.addf %dot_general3A_24, %add3A_28 : vector<64x128xf32>
    %get3A_30 = arith.constant 0 : index
    %get3A_31 = arith.constant 0 : index
    %get3A_32 = vector.load %arg4[%get3A_30, %get3A_31] : memref<64x128xf32, #tpu.memory_space<vmem>>, vector<64x128xf32>
    %add3A_33 = arith.addf %get3A_32, %add3A_29 : vector<64x128xf32>
    %swap3A = arith.constant 0 : index
    %swap3A_34 = arith.constant 0 : index
    %swap3A_35 = vector.load %arg11[%swap3A, %swap3A_34] : memref<64x128xf32, #tpu.memory_space<vmem>>, vector<64x128xf32>
    tpu.vector_store %arg11[%swap3A, %swap3A_34], %add3A_33 {strides = array<i32>} : memref<64x128xf32, #tpu.memory_space<vmem>>, vector<64x128xf32>,
    %get3A_36 = arith.constant 0 : index
    %get3A_37 = arith.constant 0 : index
    %get3A_38 = vector.load %arg9[%get3A_36, %get3A_37] : memref<1000x1xi32, #tpu.memory_space<vmem>>, vector<1000x1xi32>
    %iota3A = tpu.iota {dimensions = array<i32: 1>} : vector<1000x64xi32>
    %eq3A = vector.broadcast %get3A_38 : vector<1000x1xi32> to vector<1000x64xi32>
    %eq3A_39 = arith.cmpi eq, %eq3A, %iota3A : vector<1000x64xi32>
    %convert_element_type3A = arith.extui %eq3A_39 : vector<1000x64xi1> to vector<1000x64xi32>
    %convert_element_type3A_40 = arith.sitofp %convert_element_type3A : vector<1000x64xi32> to vector<1000x64xf32>
    %get3A_41 = arith.constant 0 : index
    %get3A_42 = arith.constant 0 : index
    %get3A_43 = vector.load %arg1[%get3A_41, %get3A_42] : memref<1000x128xf32, #tpu.memory_space<vmem>>, vector<1000x128xf32>
    %dot_general3A_44 = arith.constant dense<0.000000e+00> : vector<1000x128xf32>
    %dot_general3A_45 = tpu.matmul %convert_element_type3A_40, %add3A_33, %dot_general3A_44 {dimension_numbers = #tpu.dot_dimension_numbers<[1], [0], [0], [1], [0, 0, 1, 1], [], []>, precision = #tpu.contract_precision<fp32>, transpose_lhs_hint = false} : vector<1000x64xf32>, vector<64x128xf32>, vector<1000x128xf32> -> vector<1000x128xf32>
    %add3A_46 = arith.addf %get3A_43, %dot_general3A_45 : vector<1000x128xf32>
    %swap3A_47 = arith.constant 0 : index
    %swap3A_48 = arith.constant 0 : index
    %swap3A_49 = vector.load %arg10[%swap3A_47, %swap3A_48] : memref<1000x128xf32, #tpu.memory_space<vmem>>, vector<1000x128xf32>
    tpu.vector_store %arg10[%swap3A_47, %swap3A_48], %add3A_46 {strides = array<i32>} : memref<1000x128xf32, #tpu.memory_space<vmem>>, vector<1000x128xf32>,
    return
  }
  func.func @transform_0(%arg0: i32) -> (i32, i32) {
    %c0_i32 = arith.constant 0 : i32
    %c0_i32_0 = arith.constant 0 : i32
    return %arg0, %c0_i32 : i32, i32
  }
  func.func @transform_1(%arg0: i32) -> (i32, i32) {
    %c0_i32 = arith.constant 0 : i32
    %c0_i32_0 = arith.constant 0 : i32
    %c0_i32_1 = arith.constant 0 : i32
    return %c0_i32, %c0_i32_0 : i32, i32
  }
  func.func @transform_2(%arg0: i32) -> (i32, i32) {
    %c0_i32 = arith.constant 0 : i32
    %c0_i32_0 = arith.constant 0 : i32
    %c0_i32_1 = arith.constant 0 : i32
    return %c0_i32, %c0_i32_0 : i32, i32
  }
  func.func @transform_3(%arg0: i32) -> (i32, i32) {
    %c0_i32 = arith.constant 0 : i32
    %c0_i32_0 = arith.constant 0 : i32
    %c0_i32_1 = arith.constant 0 : i32
    return %c0_i32, %c0_i32_0 : i32, i32
  }
  func.func @transform_4(%arg0: i32) -> (i32, i32) {
    %c0_i32 = arith.constant 0 : i32
    %c0_i32_0 = arith.constant 0 : i32
    %c0_i32_1 = arith.constant 0 : i32
    return %c0_i32, %c0_i32_0 : i32, i32
  }
  func.func @transform_5(%arg0: i32) -> (i32, i32) {
    %c0_i32 = arith.constant 0 : i32
    %c0_i32_0 = arith.constant 0 : i32
    %c0_i32_1 = arith.constant 0 : i32
    return %c0_i32, %c0_i32_0 : i32, i32
  }
  func.func @transform_6(%arg0: i32) -> (i32, i32) {
    %c0_i32 = arith.constant 0 : i32
    %c0_i32_0 = arith.constant 0 : i32
    %c0_i32_1 = arith.constant 0 : i32
    return %c0_i32, %c0_i32_0 : i32, i32
  }
  func.func @transform_7(%arg0: i32) -> (i32, i32) {
    %c0_i32 = arith.constant 0 : i32
    %c0_i32_0 = arith.constant 0 : i32
    %c0_i32_1 = arith.constant 0 : i32
    return %c0_i32, %c0_i32_0 : i32, i32
  }
  func.func @transform_8(%arg0: i32) -> (i32, i32) {
    %c0_i32 = arith.constant 0 : i32
    %c0_i32_0 = arith.constant 0 : i32
    return %arg0, %c0_i32 : i32, i32
  }
  func.func @transform_9(%arg0: i32) -> (i32, i32) {
    %c0_i32 = arith.constant 0 : i32
    %c0_i32_0 = arith.constant 0 : i32
    return %arg0, %c0_i32 : i32, i32
  }
  func.func @transform_10(%arg0: i32) -> (i32, i32) {
    %c0_i32 = arith.constant 0 : i32
    %c0_i32_0 = arith.constant 0 : i32
    %c0_i32_1 = arith.constant 0 : i32
    return %c0_i32, %c0_i32_0 : i32, i32
  }
}

module attributes {stable_mosaic.version = 14 : i64} {
  func.func @_layer_kernel(%arg0: i32, %arg1: memref<1000x128xf32, #tpu.memory_space<vmem>>, %arg2: memref<1000x128xf32, #tpu.memory_space<vmem>>, %arg3: memref<1000x128xf32, #tpu.memory_space<vmem>>, %arg4: memref<1000x1xi32, #tpu.memory_space<vmem>>, %arg5: memref<128x128xf32, #tpu.memory_space<vmem>>, %arg6: memref<1x128xf32, #tpu.memory_space<vmem>>, %arg7: memref<1x128xf32, #tpu.memory_space<vmem>>, %arg8: memref<1x128xf32, #tpu.memory_space<vmem>>, %arg9: memref<1x128xf32, #tpu.memory_space<vmem>>, %arg10: memref<1x128xf32, #tpu.memory_space<vmem>>, %arg11: memref<128x128xf32, #tpu.memory_space<vmem>>, %arg12: memref<1x128xf32, #tpu.memory_space<vmem>>, %arg13: memref<1000x128xf32, #tpu.memory_space<vmem>>, %arg14: memref<64x128xf32, #tpu.memory_space<vmem>>) attributes {dimension_semantics = [#tpu.dimension_semantics<arbitrary>], iteration_bounds = array<i64: 10>, scalar_prefetch = 0 : i64, scratch_operands = 0 : i64, tpu.core_type = #tpu.core_type<tc>, window_params = [{transform_indices = @transform_0, window_bounds = array<i64: 1000, 128>}, {transform_indices = @transform_1, window_bounds = array<i64: 1000, 128>}, {transform_indices = @transform_2, window_bounds = array<i64: 1000, 128>}, {transform_indices = @transform_3, window_bounds = array<i64: 1000, 1>}, {pipeline_mode = #tpu.pipeline_mode<synchronous>, transform_indices = @transform_4, window_bounds = array<i64: 128, 128>}, {pipeline_mode = #tpu.pipeline_mode<synchronous>, transform_indices = @transform_5, window_bounds = array<i64: 1, 128>}, {pipeline_mode = #tpu.pipeline_mode<synchronous>, transform_indices = @transform_6, window_bounds = array<i64: 1, 128>}, {pipeline_mode = #tpu.pipeline_mode<synchronous>, transform_indices = @transform_7, window_bounds = array<i64: 1, 128>}, {pipeline_mode = #tpu.pipeline_mode<synchronous>, transform_indices = @transform_8, window_bounds = array<i64: 1, 128>}, {pipeline_mode = #tpu.pipeline_mode<synchronous>, transform_indices = @transform_9, window_bounds = array<i64: 1, 128>}, {pipeline_mode = #tpu.pipeline_mode<synchronous>, transform_indices = @transform_10, window_bounds = array<i64: 128, 128>}, {pipeline_mode = #tpu.pipeline_mode<synchronous>, transform_indices = @transform_11, window_bounds = array<i64: 1, 128>}, {transform_indices = @transform_12, window_bounds = array<i64: 1000, 128>}, {pipeline_mode = #tpu.pipeline_mode<synchronous>, transform_indices = @transform_13, window_bounds = array<i64: 64, 128>}]} {
    %get3A = arith.constant 0 : index
    %get3A_0 = arith.constant 0 : index
    %get3A_1 = vector.load %arg1[%get3A, %get3A_0] : memref<1000x128xf32, #tpu.memory_space<vmem>>, vector<1000x128xf32>
    %get3A_2 = arith.constant 0 : index
    %get3A_3 = arith.constant 0 : index
    %get3A_4 = vector.load %arg2[%get3A_2, %get3A_3] : memref<1000x128xf32, #tpu.memory_space<vmem>>, vector<1000x128xf32>
    %add3A = arith.addf %get3A_1, %get3A_4 : vector<1000x128xf32>
    %get3A_5 = arith.constant 0 : index
    %get3A_6 = arith.constant 0 : index
    %get3A_7 = vector.load %arg3[%get3A_5, %get3A_6] : memref<1000x128xf32, #tpu.memory_space<vmem>>, vector<1000x128xf32>
    %add3A_8 = arith.addf %add3A, %get3A_7 : vector<1000x128xf32>
    %get3A_9 = arith.constant 0 : index
    %get3A_10 = arith.constant 0 : index
    %get3A_11 = vector.load %arg5[%get3A_9, %get3A_10] : memref<128x128xf32, #tpu.memory_space<vmem>>, vector<128x128xf32>
    %dot_general3A = arith.constant dense<0.000000e+00> : vector<1000x128xf32>
    %dot_general3A_12 = tpu.matmul %add3A_8, %get3A_11, %dot_general3A {dimension_numbers = #tpu.dot_dimension_numbers<[1], [0], [0], [1], [0, 0, 1, 1], [], []>, precision = #tpu.contract_precision<fp32>, transpose_lhs_hint = false} : vector<1000x128xf32>, vector<128x128xf32>, vector<1000x128xf32> -> vector<1000x128xf32>
    %get3A_13 = arith.constant 0 : index
    %get3A_14 = arith.constant 0 : index
    %get3A_15 = vector.load %arg6[%get3A_13, %get3A_14] : memref<1x128xf32, #tpu.memory_space<vmem>>, vector<1x128xf32>
    %add3A_16 = vector.broadcast %get3A_15 : vector<1x128xf32> to vector<1000x128xf32>
    %add3A_17 = arith.addf %dot_general3A_12, %add3A_16 : vector<1000x128xf32>
    %ge3A = arith.constant 0.000000e+00 : f32
    %ge3A_18 = vector.broadcast %ge3A : f32 to vector<1000x128xf32>
    %ge3A_19 = arith.cmpf oge, %add3A_17, %ge3A_18 : vector<1000x128xf32>
    %mul3A = arith.constant 2.000000e-01 : f32
    %mul3A_20 = vector.broadcast %mul3A : f32 to vector<1000x128xf32>
    %mul3A_21 = arith.mulf %mul3A_20, %add3A_17 : vector<1000x128xf32>
    %select_n3A = arith.select %ge3A_19, %add3A_17, %mul3A_21 : vector<1000x128xi1>, vector<1000x128xf32>
    %get3A_22 = arith.constant 0 : index
    %get3A_23 = arith.constant 0 : index
    %get3A_24 = vector.load %arg7[%get3A_22, %get3A_23] : memref<1x128xf32, #tpu.memory_space<vmem>>, vector<1x128xf32>
    %get3A_25 = arith.constant 0 : index
    %get3A_26 = arith.constant 0 : index
    %get3A_27 = vector.load %arg9[%get3A_25, %get3A_26] : memref<1x128xf32, #tpu.memory_space<vmem>>, vector<1x128xf32>
    %sub3A = vector.broadcast %get3A_27 : vector<1x128xf32> to vector<1000x128xf32>
    %sub3A_28 = arith.subf %select_n3A, %sub3A : vector<1000x128xf32>
    %mul3A_29 = vector.broadcast %get3A_24 : vector<1x128xf32> to vector<1000x128xf32>
    %mul3A_30 = arith.mulf %mul3A_29, %sub3A_28 : vector<1000x128xf32>
    %get3A_31 = arith.constant 0 : index
    %get3A_32 = arith.constant 0 : index
    %get3A_33 = vector.load %arg10[%get3A_31, %get3A_32] : memref<1x128xf32, #tpu.memory_space<vmem>>, vector<1x128xf32>
    %add3A_34 = arith.constant 9.99999974E-6 : f32
    %add3A_35 = vector.broadcast %add3A_34 : f32 to vector<1x128xf32>
    %add3A_36 = arith.addf %get3A_33, %add3A_35 : vector<1x128xf32>
    %rsqrt3A = math.rsqrt %add3A_36 : vector<1x128xf32>
    %mul3A_37 = vector.broadcast %rsqrt3A : vector<1x128xf32> to vector<1000x128xf32>
    %mul3A_38 = arith.mulf %mul3A_30, %mul3A_37 : vector<1000x128xf32>
    %get3A_39 = arith.constant 0 : index
    %get3A_40 = arith.constant 0 : index
    %get3A_41 = vector.load %arg8[%get3A_39, %get3A_40] : memref<1x128xf32, #tpu.memory_space<vmem>>, vector<1x128xf32>
    %add3A_42 = vector.broadcast %get3A_41 : vector<1x128xf32> to vector<1000x128xf32>
    %add3A_43 = arith.addf %mul3A_38, %add3A_42 : vector<1000x128xf32>
    %get3A_44 = arith.constant 0 : index
    %get3A_45 = arith.constant 0 : index
    %get3A_46 = vector.load %arg11[%get3A_44, %get3A_45] : memref<128x128xf32, #tpu.memory_space<vmem>>, vector<128x128xf32>
    %dot_general3A_47 = arith.constant dense<0.000000e+00> : vector<1000x128xf32>
    %dot_general3A_48 = tpu.matmul %add3A_43, %get3A_46, %dot_general3A_47 {dimension_numbers = #tpu.dot_dimension_numbers<[1], [0], [0], [1], [0, 0, 1, 1], [], []>, precision = #tpu.contract_precision<fp32>, transpose_lhs_hint = false} : vector<1000x128xf32>, vector<128x128xf32>, vector<1000x128xf32> -> vector<1000x128xf32>
    %get3A_49 = arith.constant 0 : index
    %get3A_50 = arith.constant 0 : index
    %get3A_51 = vector.load %arg12[%get3A_49, %get3A_50] : memref<1x128xf32, #tpu.memory_space<vmem>>, vector<1x128xf32>
    %add3A_52 = vector.broadcast %get3A_51 : vector<1x128xf32> to vector<1000x128xf32>
    %add3A_53 = arith.addf %dot_general3A_48, %add3A_52 : vector<1000x128xf32>
    %ge3A_54 = arith.constant 0.000000e+00 : f32
    %ge3A_55 = vector.broadcast %ge3A_54 : f32 to vector<1000x128xf32>
    %ge3A_56 = arith.cmpf oge, %add3A_53, %ge3A_55 : vector<1000x128xf32>
    %mul3A_57 = arith.constant 2.000000e-01 : f32
    %mul3A_58 = vector.broadcast %mul3A_57 : f32 to vector<1000x128xf32>
    %mul3A_59 = arith.mulf %mul3A_58, %add3A_53 : vector<1000x128xf32>
    %select_n3A_60 = arith.select %ge3A_56, %add3A_53, %mul3A_59 : vector<1000x128xi1>, vector<1000x128xf32>
    %swap3A = arith.constant 0 : index
    %swap3A_61 = arith.constant 0 : index
    %swap3A_62 = vector.load %arg13[%swap3A, %swap3A_61] : memref<1000x128xf32, #tpu.memory_space<vmem>>, vector<1000x128xf32>
    tpu.vector_store %arg13[%swap3A, %swap3A_61], %select_n3A_60 {strides = array<i32>} : memref<1000x128xf32, #tpu.memory_space<vmem>>, vector<1000x128xf32>,
    %get3A_63 = arith.constant 0 : index
    %get3A_64 = arith.constant 0 : index
    %get3A_65 = vector.load %arg4[%get3A_63, %get3A_64] : memref<1000x1xi32, #tpu.memory_space<vmem>>, vector<1000x1xi32>
    %iota3A = tpu.iota {dimensions = array<i32: 1>} : vector<1000x64xi32>
    %eq3A = vector.broadcast %get3A_65 : vector<1000x1xi32> to vector<1000x64xi32>
    %eq3A_66 = arith.cmpi eq, %eq3A, %iota3A : vector<1000x64xi32>
    %convert_element_type3A = arith.extui %eq3A_66 : vector<1000x64xi1> to vector<1000x64xi32>
    %convert_element_type3A_67 = arith.sitofp %convert_element_type3A : vector<1000x64xi32> to vector<1000x64xf32>
    %transpose3A = tpu.transpose %convert_element_type3A_67, [1, 0] : vector<1000x64xf32> -> vector<64x1000xf32>
    %dot_general3A_68 = arith.constant dense<0.000000e+00> : vector<64x128xf32>
    %dot_general3A_69 = tpu.matmul %transpose3A, %select_n3A_60, %dot_general3A_68 {dimension_numbers = #tpu.dot_dimension_numbers<[1], [0], [0], [1], [0, 0, 1, 1], [], []>, precision = #tpu.contract_precision<fp32>, transpose_lhs_hint = false} : vector<64x1000xf32>, vector<1000x128xf32>, vector<64x128xf32> -> vector<64x128xf32>
    %eq3A_70 = arith.constant 0 : i32
    %eq3A_71 = arith.cmpi eq, %arg0, %eq3A_70 : i32
    %convert_element_type3A_72 = arith.extui %eq3A_71 : i1 to i32
    %cond3A = arith.constant 0 : i32
    %cond3A_73 = arith.cmpi ne, %convert_element_type3A_72, %cond3A : i32
    scf.if %cond3A_73 {
      %swap3A_78 = arith.constant 0 : index
      %swap3A_79 = arith.constant 0 : index
      %swap3A_80 = vector.load %arg14[%swap3A_78, %swap3A_79] : memref<64x128xf32, #tpu.memory_space<vmem>>, vector<64x128xf32>
      tpu.vector_store %arg14[%swap3A_78, %swap3A_79], %dot_general3A_69 {strides = array<i32>} : memref<64x128xf32, #tpu.memory_space<vmem>>, vector<64x128xf32>,
    } else {
    }
    %gt3A = arith.constant 0 : i32
    %gt3A_74 = arith.cmpi sgt, %arg0, %gt3A : i32
    %convert_element_type3A_75 = arith.extui %gt3A_74 : i1 to i32
    %cond3A_76 = arith.constant 0 : i32
    %cond3A_77 = arith.cmpi ne, %convert_element_type3A_75, %cond3A_76 : i32
    scf.if %cond3A_77 {
      %get3A_78 = arith.constant 0 : index
      %get3A_79 = arith.constant 0 : index
      %get3A_80 = vector.load %arg14[%get3A_78, %get3A_79] : memref<64x128xf32, #tpu.memory_space<vmem>>, vector<64x128xf32>
      %add3A_81 = arith.addf %get3A_80, %dot_general3A_69 : vector<64x128xf32>
      %swap3A_82 = arith.constant 0 : index
      %swap3A_83 = arith.constant 0 : index
      %swap3A_84 = vector.load %arg14[%swap3A_82, %swap3A_83] : memref<64x128xf32, #tpu.memory_space<vmem>>, vector<64x128xf32>
      tpu.vector_store %arg14[%swap3A_82, %swap3A_83], %add3A_81 {strides = array<i32>} : memref<64x128xf32, #tpu.memory_space<vmem>>, vector<64x128xf32>,
    } else {
    }
    return
  }
  func.func @transform_0(%arg0: i32) -> (i32, i32) {
    %c0_i32 = arith.constant 0 : i32
    %c0_i32_0 = arith.constant 0 : i32
    return %arg0, %c0_i32 : i32, i32
  }
  func.func @transform_1(%arg0: i32) -> (i32, i32) {
    %c0_i32 = arith.constant 0 : i32
    %c0_i32_0 = arith.constant 0 : i32
    return %arg0, %c0_i32 : i32, i32
  }
  func.func @transform_2(%arg0: i32) -> (i32, i32) {
    %c0_i32 = arith.constant 0 : i32
    %c0_i32_0 = arith.constant 0 : i32
    return %arg0, %c0_i32 : i32, i32
  }
  func.func @transform_3(%arg0: i32) -> (i32, i32) {
    %c0_i32 = arith.constant 0 : i32
    %c0_i32_0 = arith.constant 0 : i32
    return %arg0, %c0_i32 : i32, i32
  }
  func.func @transform_4(%arg0: i32) -> (i32, i32) {
    %c0_i32 = arith.constant 0 : i32
    %c0_i32_0 = arith.constant 0 : i32
    %c0_i32_1 = arith.constant 0 : i32
    return %c0_i32, %c0_i32_0 : i32, i32
  }
  func.func @transform_5(%arg0: i32) -> (i32, i32) {
    %c0_i32 = arith.constant 0 : i32
    %c0_i32_0 = arith.constant 0 : i32
    %c0_i32_1 = arith.constant 0 : i32
    return %c0_i32, %c0_i32_0 : i32, i32
  }
  func.func @transform_6(%arg0: i32) -> (i32, i32) {
    %c0_i32 = arith.constant 0 : i32
    %c0_i32_0 = arith.constant 0 : i32
    %c0_i32_1 = arith.constant 0 : i32
    return %c0_i32, %c0_i32_0 : i32, i32
  }
  func.func @transform_7(%arg0: i32) -> (i32, i32) {
    %c0_i32 = arith.constant 0 : i32
    %c0_i32_0 = arith.constant 0 : i32
    %c0_i32_1 = arith.constant 0 : i32
    return %c0_i32, %c0_i32_0 : i32, i32
  }
  func.func @transform_8(%arg0: i32) -> (i32, i32) {
    %c0_i32 = arith.constant 0 : i32
    %c0_i32_0 = arith.constant 0 : i32
    %c0_i32_1 = arith.constant 0 : i32
    return %c0_i32, %c0_i32_0 : i32, i32
  }
  func.func @transform_9(%arg0: i32) -> (i32, i32) {
    %c0_i32 = arith.constant 0 : i32
    %c0_i32_0 = arith.constant 0 : i32
    %c0_i32_1 = arith.constant 0 : i32
    return %c0_i32, %c0_i32_0 : i32, i32
  }
  func.func @transform_10(%arg0: i32) -> (i32, i32) {
    %c0_i32 = arith.constant 0 : i32
    %c0_i32_0 = arith.constant 0 : i32
    %c0_i32_1 = arith.constant 0 : i32
    return %c0_i32, %c0_i32_0 : i32, i32
  }
  func.func @transform_11(%arg0: i32) -> (i32, i32) {
    %c0_i32 = arith.constant 0 : i32
    %c0_i32_0 = arith.constant 0 : i32
    %c0_i32_1 = arith.constant 0 : i32
    return %c0_i32, %c0_i32_0 : i32, i32
  }
  func.func @transform_12(%arg0: i32) -> (i32, i32) {
    %c0_i32 = arith.constant 0 : i32
    %c0_i32_0 = arith.constant 0 : i32
    return %arg0, %c0_i32 : i32, i32
  }
  func.func @transform_13(%arg0: i32) -> (i32, i32) {
    %c0_i32 = arith.constant 0 : i32
    %c0_i32_0 = arith.constant 0 : i32
    %c0_i32_1 = arith.constant 0 : i32
    return %c0_i32, %c0_i32_0 : i32, i32
  }
}

module attributes {stable_mosaic.version = 14 : i64} {
  func.func @_final_kernel(%arg0: memref<64x128xf32, #tpu.memory_space<vmem>>, %arg1: memref<1x128xf32, #tpu.memory_space<vmem>>, %arg2: memref<1x128xf32, #tpu.memory_space<vmem>>, %arg3: memref<1x128xf32, #tpu.memory_space<vmem>>, %arg4: memref<1x128xf32, #tpu.memory_space<vmem>>, %arg5: memref<128x64xf32, #tpu.memory_space<vmem>>, %arg6: memref<1x64xf32, #tpu.memory_space<vmem>>, %arg7: memref<64x64xf32, #tpu.memory_space<vmem>>) attributes {dimension_semantics = [], scalar_prefetch = 0 : i64, scratch_operands = 0 : i64, tpu.core_type = #tpu.core_type<tc>} {
    %get3A = arith.constant 0 : index
    %get3A_0 = arith.constant 0 : index
    %get3A_1 = vector.load %arg1[%get3A, %get3A_0] : memref<1x128xf32, #tpu.memory_space<vmem>>, vector<1x128xf32>
    %get3A_2 = arith.constant 0 : index
    %get3A_3 = arith.constant 0 : index
    %get3A_4 = vector.load %arg0[%get3A_2, %get3A_3] : memref<64x128xf32, #tpu.memory_space<vmem>>, vector<64x128xf32>
    %get3A_5 = arith.constant 0 : index
    %get3A_6 = arith.constant 0 : index
    %get3A_7 = vector.load %arg3[%get3A_5, %get3A_6] : memref<1x128xf32, #tpu.memory_space<vmem>>, vector<1x128xf32>
    %sub3A = vector.broadcast %get3A_7 : vector<1x128xf32> to vector<64x128xf32>
    %sub3A_8 = arith.subf %get3A_4, %sub3A : vector<64x128xf32>
    %mul3A = vector.broadcast %get3A_1 : vector<1x128xf32> to vector<64x128xf32>
    %mul3A_9 = arith.mulf %mul3A, %sub3A_8 : vector<64x128xf32>
    %get3A_10 = arith.constant 0 : index
    %get3A_11 = arith.constant 0 : index
    %get3A_12 = vector.load %arg4[%get3A_10, %get3A_11] : memref<1x128xf32, #tpu.memory_space<vmem>>, vector<1x128xf32>
    %add3A = arith.constant 9.99999974E-6 : f32
    %add3A_13 = vector.broadcast %add3A : f32 to vector<1x128xf32>
    %add3A_14 = arith.addf %get3A_12, %add3A_13 : vector<1x128xf32>
    %rsqrt3A = math.rsqrt %add3A_14 : vector<1x128xf32>
    %mul3A_15 = vector.broadcast %rsqrt3A : vector<1x128xf32> to vector<64x128xf32>
    %mul3A_16 = arith.mulf %mul3A_9, %mul3A_15 : vector<64x128xf32>
    %get3A_17 = arith.constant 0 : index
    %get3A_18 = arith.constant 0 : index
    %get3A_19 = vector.load %arg2[%get3A_17, %get3A_18] : memref<1x128xf32, #tpu.memory_space<vmem>>, vector<1x128xf32>
    %add3A_20 = vector.broadcast %get3A_19 : vector<1x128xf32> to vector<64x128xf32>
    %add3A_21 = arith.addf %mul3A_16, %add3A_20 : vector<64x128xf32>
    %get3A_22 = arith.constant 0 : index
    %get3A_23 = arith.constant 0 : index
    %get3A_24 = vector.load %arg5[%get3A_22, %get3A_23] : memref<128x64xf32, #tpu.memory_space<vmem>>, vector<128x64xf32>
    %dot_general3A = arith.constant dense<0.000000e+00> : vector<64x64xf32>
    %dot_general3A_25 = tpu.matmul %add3A_21, %get3A_24, %dot_general3A {dimension_numbers = #tpu.dot_dimension_numbers<[1], [0], [0], [1], [0, 0, 1, 1], [], []>, precision = #tpu.contract_precision<fp32>, transpose_lhs_hint = false} : vector<64x128xf32>, vector<128x64xf32>, vector<64x64xf32> -> vector<64x64xf32>
    %get3A_26 = arith.constant 0 : index
    %get3A_27 = arith.constant 0 : index
    %get3A_28 = vector.load %arg6[%get3A_26, %get3A_27] : memref<1x64xf32, #tpu.memory_space<vmem>>, vector<1x64xf32>
    %add3A_29 = vector.broadcast %get3A_28 : vector<1x64xf32> to vector<64x64xf32>
    %add3A_30 = arith.addf %dot_general3A_25, %add3A_29 : vector<64x64xf32>
    %swap3A = arith.constant 0 : index
    %swap3A_31 = arith.constant 0 : index
    %swap3A_32 = vector.load %arg7[%swap3A, %swap3A_31] : memref<64x64xf32, #tpu.memory_space<vmem>>, vector<64x64xf32>
    tpu.vector_store %arg7[%swap3A, %swap3A_31], %add3A_30 {strides = array<i32>} : memref<64x64xf32, #tpu.memory_space<vmem>>, vector<64x64xf32>,
    return
  }
}

</mosaic_0001>

<sc_bundles>
// kernel: kernel.12.cloned.1.call-start
scs
__scs_entry_jumppad:
0x0: {  	(pc) =	sbr.rel $0x88, $3  }
0x1: {  	(tag) =	ssettag $0x0;
	lr =	simm.s32 $0x1  }
0x2: {  	[smem:$0x3F89] =	sst lr;
	_ =	strace $0xD0000000  }
0x3: {  	_ = 	snop  }
0x4: {  	_ = 	snop  }
0x5: {  	_ = 	snop  }
0x6: {  	_ = 	snop  }
0x7: {  	_ = 	snop  }
__scs_overlays_trampoline_lowered:
0x8: {  	[smem:$0x3F98] =	sst s0  }
0x9: {  	[smem:$0x3F99] =	sst s1  }
0xa: {  	[smem:$0x3F9A] =	sst s2  }
0xb: {  	[smem:$0x3F9B] =	sst s3  }
0xc: {  	[smem:$0x3F9C] =	sst s4  }
0xd: {  	[smem:$0x3F9D] =	sst s5  }
0xe: {  	[smem:$0x3F9E] =	sst s6  }
0xf: {  	[smem:$0x3F9F] =	sst s7  }
0x10: {  	[smem:$0x3FA0] =	sst s8  }
0x11: {  	[smem:$0x3FA1] =	sst s9;
	s0 =	simm.s32 @!p0 $0x0  }
0x12: {  	s1 =	sld [smem:$0x3F87];
	s0 =	simm.s32 @p0 $0x1  }
0x13: {  	[smem:$0x3FA2] =	sst s0;
	s0 =	simm.s32 @!p1 $0x0  }
0x14: {  	s2 =	sld [smem:$0x3F86];
	s0 =	simm.s32 @p1 $0x1  }
0x15: {  	[smem:$0x3FA3] =	sst s0;
	s0 =	simm.s32 @!p2 $0x0  }
0x16: {  	s3 =	sld [smem:$0x3FDB];
	s0 =	simm.s32 @p2 $0x1  }
0x17: {  	s4 =	simm.s32 $0x1BF5;
	[smem:$0x3FA5] =	sst s0  }
0x18: {  	s0 =	sld [smem:$0x3F88];
	_ =	swait.ge [sflag:s4], $0x0  }
0x19: {  	s7 =	sld [smem:$0x3F89]  }
0x1a: {  	s8 =	sadd.s32 $0xFFFFE003, lr  }
0x1b: {  	s9 =	sadd.s32 $0xFFFFFEF7, lr;
	s5 =	simm.s32 $0xFFFFFFFF;
	p2 =	slt.u32 s8, $0xFFFFF086  }
0x1c: {  	p1 =	slt.u32 s9, $0xF7A;
	s5 =	simm.s32 @!p2 $0x0  }
0x1d: {  	s5 =	simm.s32 @p1 $0x1;
	p0 =	seq.s32 s7, s2  }
0x1e: {  	s7 =	smul.u32 @!p0 $0xF7A, s2;
	p2 =	seq.s32 @!p0 s5, $0x0  }
0x1f: {  	s9 =	smul.u32 $0xF7A, s1;
	s8 =	simm.s32 @!p0 $0x1BF5;
	p2 =	por !p2, p0  }
0x20: {  	[sflag:s8] =	ssyncset.s32 @!p0 $0xFFFFF086;
	s6 =	sadd.s32 @!p0 s3, s7;
	s7 =	simm.s32 @!p0 $0x108  }
0x21: {  	s3 =	sadd.s32 s3, s9;
	s6 =	sadd.s32 @!p0 $0x88, s6;
	s7 =	simm.s32 @p2 $0x1082  }
0x22: {  	[simem:s7], [sflag:s8] =	dma.local @!p0 [hbm:s6], $0xF7A  }
0x23: {  	s9 =	sor.u32 $0xD0000000, s2;
	s6 =	simm.s32 $0x108;
	_ =	swait.ge @!p0 [sflag:s8], $0x0  }
0x24: {  	s3 =	sadd.s32 $0x88, s3;
	s6 =	simm.s32 @!p1 $0x1082;
	[sflag:s4] =	ssyncset.s32 $0xFFFFF086  }
0x25: {  	[simem:s6], [sflag:s4] =	dma.local [hbm:s3], $0xF7A  }
0x26: {  	[smem:$0x3F89] =	sst s1;
	(tag) =	ssettag s2;
	_ =	strace s9  }
0x27: {  	s1 =	sld [smem:$0x3F99]  }
0x28: {  	s2 =	sld [smem:$0x3F9A]  }
0x29: {  	s4 =	sld [smem:$0x3F9C]  }
0x2a: {  	p0 =	seq.s32 s5, $0x0;
	s5 =	sld [smem:$0x3F9D]  }
0x2b: {  	s6 =	sld [smem:$0x3F9E]  }
0x2c: {  	s7 =	sld [smem:$0x3F9F]  }
0x2d: {  	s3 =	simm.s32 $0x108;
	s8 =	sld [smem:$0x3FA0]  }
0x2e: {  	s3 =	simm.s32 @!p0 $0x1082;
	s9 =	sld [smem:$0x3FA1]  }
0x2f: {  	lr =	sadd.s32 s0, s3;
	s0 =	sld [smem:$0x3F98]  }
0x30: {  	s3 =	sld [smem:$0x3F9B]  }
0x31: {  	[smem:$0x3FA4] =	sst s10  }
0x32: {  	s10 =	sld [smem:$0x3FA2];
	_ =	sdelay $0x3  }
0x33: {  	p0 =	seq.s32 s10, $0x1;
	s10 =	sld [smem:$0x3FA4];
	_ =	sdelay $0x3  }
0x34: {  	[smem:$0x3FA4] =	sst s10  }
0x35: {  	s10 =	sld [smem:$0x3FA3];
	_ =	sdelay $0x3  }
0x36: {  	p1 =	seq.s32 s10, $0x1;
	s10 =	sld [smem:$0x3FA4];
	_ =	sdelay $0x3  }
0x37: {  	[smem:$0x3FA4] =	sst s10  }
0x38: {  	s10 =	sld [smem:$0x3FA5]  }
0x39: {  	_ = 	snop;
	(pc) =	sbr.ind lr, $3  }
0x3a: {  	_ = 	snop  }
0x3b: {  	_ = 	snop  }
0x3c: {  	p2 =	seq.s32 s10, $0x1;
	s10 =	sld [smem:$0x3FA4]  }
0x3d: {  	_ =	shalt  }
0x3e: {  	_ =	shalt  }
0x3f: {  	_ =	shalt  }
0x40: {  	_ =	shalt  }
0x41: {  	_ =	shalt  }
0x42: {  	_ =	shalt  }
0x43: {  	_ =	shalt  }
0x44: {  	_ =	shalt  }
0x45: {  	_ =	shalt  }
0x46: {  	_ =	shalt  }
0x47: {  	_ =	shalt  }
0x48: {  	_ =	shalt  }
0x49: {  	_ =	shalt  }
0x4a: {  	_ =	shalt  }
0x4b: {  	_ =	shalt  }
0x4c: {  	_ =	shalt  }
0x4d: {  	_ =	shalt  }
0x4e: {  	_ =	shalt  }
0x4f: {  	_ =	shalt  }
0x50: {  	_ =	shalt  }
0x51: {  	_ =	shalt  }
0x52: {  	_ =	shalt  }
0x53: {  	_ =	shalt  }
0x54: {  	_ =	shalt  }
0x55: {  	_ =	shalt  }
0x56: {  	_ =	shalt  }
0x57: {  	_ =	shalt  }
0x58: {  	_ =	shalt  }
0x59: {  	_ =	shalt  }
0x5a: {  	_ =	shalt  }
0x5b: {  	_ =	shalt  }
0x5c: {  	_ =	shalt  }
0x5d: {  	_ =	shalt  }
0x5e: {  	_ =	shalt  }
0x5f: {  	_ =	shalt  }
0x60: {  	_ =	shalt  }
0x61: {  	_ =	shalt  }
0x62: {  	_ =	shalt  }
0x63: {  	_ =	shalt  }
0x64: {  	_ =	shalt  }
0x65: {  	_ =	shalt  }
0x66: {  	_ =	shalt  }
0x67: {  	_ =	shalt  }
0x68: {  	_ =	shalt  }
0x69: {  	_ =	shalt  }
0x6a: {  	_ =	shalt  }
0x6b: {  	_ =	shalt  }
0x6c: {  	_ =	shalt  }
0x6d: {  	_ =	shalt  }
0x6e: {  	_ =	shalt  }
0x6f: {  	_ =	shalt  }
0x70: {  	_ =	shalt  }
0x71: {  	_ =	shalt  }
0x72: {  	_ =	shalt  }
0x73: {  	_ =	shalt  }
0x74: {  	_ =	shalt  }
0x75: {  	_ =	shalt  }
0x76: {  	_ =	shalt  }
0x77: {  	_ =	shalt  }
0x78: {  	_ =	shalt  }
0x79: {  	_ =	shalt  }
0x7a: {  	_ =	shalt  }
0x7b: {  	_ =	shalt  }
0x7c: {  	_ =	shalt  }
0x7d: {  	_ =	shalt  }
0x7e: {  	_ =	shalt  }
0x7f: {  	_ =	shalt  }
0x80: {  	_ =	shalt  }
0x81: {  	_ =	shalt  }
0x82: {  	_ =	shalt  }
0x83: {  	_ =	shalt  }
0x84: {  	_ =	shalt  }
0x85: {  	_ =	shalt  }
0x86: {  	_ =	shalt  }
0x87: {  	_ =	shalt  }
.Lfunc_end0:
.L_simem_size_0:
called_computation_lowered:
.L_overlay_start_0:
0x88: {  	s2 =	sld [smem:$0x3FD9]  }
0x89: {  	s3 =	sld [smem:$0x3FFE];
	_ =	sdelay $0x1  }
0x8a: {  	s1 =	srdreg.scid  }
0x8b: {  	s0 =	sand.u32 $0x1, s1  }
0x8c: {  	s16 =	sshll.u32 s0, $0xA;
	s2 =	sadd.s32 s3, s2  }
0x8d: {  	s2 =	sadd.s32 s2, s16  }
0x8e: {  	[smem:$0x3FB0] =	sst s2  }
0x8f: {  	_ = 	snop  }
0x90: {  	(tm) =	ssettm $0x1  }
0x91: {  	s17 =	sld [smem:$0x3FFB];
	_ =	sdelay $0x3  }
0x92: {  	_ =	strace s17  }
0x93: {  	s2 =	sld [smem:$0x3FFC];
	_ =	sdelay $0x3  }
0x94: {  	_ =	strace s2  }
0x95: {  	s2 =	sld [smem:$0x3FFD];
	_ =	sdelay $0x3  }
0x96: {  	_ =	strace s2  }
0x97: {  	_ =	strace $0x8FFFFFFF  }
0x98: {  	s18 =	sld [smem:$0x3FDB];
	_ =	sdelay $0x1  }
0x99: {  	s19 =	simm.s32 $_scs_section_size  }
0x9a: {  	s4 =	simm.s32 $_size__tile_overlayer_lowered;
	s5 =	simm.s32 $_tile_overlayer_lowered  }
0x9b: {  	s22 =	simm.s32 $0x1BFF;
	s21 =	sshll.u32 s5, $0x1;
	s2 =	sadd.s32 s19, s18  }
0x9c: {  	s6 =	simm.s32 $0x0;
	s20 =	sshll.u32 s4, $0x1;
	s4 =	sadd.s32 s21, s2  }
0x9d: {  	[timem:s6], [sflag:s22] =	dma.local [hbm:s4], s20  }
0x9e: {  	_ =	swait.ge [sflag:s22], s20  }
0x9f: {  	s3 =	ssub.s32 $0x0, s20;
	[sflag:s22] =	ssyncset.done $0x0  }
0xa0: {  	[sflag:s22] =	ssyncadd.s32 s3;
	_ =	sdelay $0x1  }
0xa1: {  	s23 =	simm.s32 $0x1B8B  }
0xa2: {  	_ =	swait.ge [sflag:s23], $0x1  }
0xa3: {  	[sflag:s23] =	ssyncset.done $0x0  }
0xa4: {  	s25 =	simm.s32 $0x1B8E;
	s24 =	sld [smem:$0x3FFE];
	[sflag:s23] =	ssyncadd.s32 $0xFFFFFFFF  }
0xa5: {  	s26 =	simm.s32 $execute0_lowered;
	[smem:$0x3FD2] =	sst s25  }
0xa6: {  	s4 =	sshll.u32 s26, $0x1;
	_ =	strace $0x80000046;
	[dreg:$0x1] =	wrdreg $0xFFFFFFFF  }
0xa7: {  	s28 =	simm.s32 $_size_execute0_lowered;
	s2 =	sadd.s32 s2, s4;
	[dreg:$0x0] =	wrdreg $0x0  }
0xa8: {  	s4 =	sshll.u32 s28, $0x1;
	[dreg:$0x2] =	wrdreg s2  }
0xa9: {  	[dreg:$0x3] =	wrdreg s4  }
0xaa: {  	[dreg:$0x4] =	wrdreg $0xC0  }
0xab: {  	_ =	task [dreg:s6], $0x5FFFF  }
0xac: {  	[dreg:$0x1] =	wrdreg $0xFFFFFFFF  }
0xad: {  	[dreg:$0x0] =	wrdreg $0x60  }
0xae: {  	[dreg:$0x2] =	wrdreg s24  }
0xaf: {  	[dreg:$0x3] =	wrdreg $0x82000  }
0xb0: {  	[dreg:$0x4] =	wrdreg $0x9  }
0xb1: {  	_ =	task.clear_ibuf [dreg:s6], $0x5FFFF;
	_ =	strace $0x90000046  }
0xb2: {  	s29 =	simm.s32 $0x9;
	_ =	strace $0x80000048  }
0xb3: {  	_ =	swait.ge [sflag:s29], $0x1  }
0xb4: {  	[sflag:s29] =	ssyncadd.s32 $0xFFFFFFFF  }
0xb5: {  	_ =	strace $0x90000048  }
0xb6: {  	_ =	sfence  }
0xb7: {  	s30 =	sld [smem:$0x0];
	_ =	sdelay $0x2  }
0xb8: {  	s31 =	sshll.u32 s1, $0xD;
	s1 =	sshrl.u32 s1, $0x2  }
0xb9: {  	s3 =	sand.u32 $0x4000, s31;
	s1 =	sadd.s32 s1, s30  }
0xba: {  	s0 =	sor.u32 s3, s0;
	s1 =	sshll.u32 s1, $0x11  }
0xbb: {  	s0 =	sor.u32 s1, s0  }
0xbc: {  	s0 =	sadd.s32 $0x8F2B, s0  }
0xbd: {  	[sflag:s0] =	ssyncadd.remote.s32 $0x1  }
0xbe: {  	_ =	sfence.sel $0xFFFF  }
0xbf: {  	[dreg:$0x0] =	wrdreg $0xFFFFFFFF;
	(pc) =	sbr.abs _section_cstart, $3  }
0xc0: {  	[dreg:$0x1] =	wrdreg $0xFFFFFFFF  }
0xc1: {  	_ =	task.clear_ibuf [dreg:s6], $0x2FFFF;
	_ =	strace $0x9FFFFFFF  }
0xc2: {  	(tm) =	ssettm $0x7FFFFFFF  }
0xc3: {  	_ =	shalt  }
tec
execute0_lowered:
.L_overlay_start_1:
0x0: {  	(tag) =	ssettag $0x1  }
0x1: {  	s6 =	rddreg [dreg:$0x0]  }
0x2: {  	s1 =	rddreg [dreg:$0x1]  }
0x3: {  	s2 =	srdreg.scid;
	s0 =	rddreg [dreg:$0x2]  }
0x4: {  	s3 =	simm.s32 $0x0;
	s19 =	simm.s32 $0x100;
	s20 =	simm.s32 $0x80  }
0x5: {  	s21 =	simm.s32 $0x200;
	s22 =	simm.s32 $0x180;
	s23 =	simm.s32 $0x4200  }
0x6: {  	s7 =	sand.u32 $0x1, s2;
	s2 =	stileid.u32;
	[smem:$0x7FF] =	sst s3  }
0x7: {  	s4 =	sadd.s32 $0x43800, s6;
	s16 =	sadd.s32 $0x2F800, s6;
	s8 =	smul.u32 $0x140000, s7  }
0x8: {  	s15 =	sadd.s32 $0x39800, s6;
	s5 =	sadd.s32 $0x6AA00, s6;
	s9 =	smul.u32 $0x14000, s2  }
0x9: {  	_ =	strace $0x80000047;
	s24 =	sshll.u32 s2, $0x1;
	s10 =	smul.u32 $0x50000, s2  }
0xa: {  	s25 =	ssub.s32 $0x2, s7;
	s29 =	smul.u32 $0x5000, s2;
	s30 =	sshll.u32 s2, $0x6  }
0xb: {  	s13 =	smul.u32 $0x2800, s7;
	s26 =	sor.u32 s7, s24;
	s28 =	sshrl.u32 s25, $0x1  }
0xc: {  	s24 =	simm.s32 $0x1;
	s8 =	sadd.s32 s9, s8;
	s10 =	sshrl.u32 s10, $0x2  }
0xd: {  	s12 =	ssub.s32 s25, s28;
	s13 =	sadd.s32 s13, s29;
	s25 =	simm.s32 $0x2  }
0xe: {  	s8 =	sshrl.u32 s8, $0x3;
	s17 =	sadd.s32 s10, s1;
	s31 =	sor.u32 $0x180, s13  }
0xf: {  	s18 =	sor.u32 $0x100, s13;
	s11 =	sadd.s32 s8, s6;
	s8 =	smul.u32 $0x2800, s26  }
0x10: {  	s12 =	smax.u32 s12, $0x1;
	s6 =	sor.u32 $0x1C03, s30;
	s18 =	sshrl.u32 s18, $0x3  }
0x11: {  	s17 =	sshrl.u32 s17, $0x3;
	s26 =	simm.s32 $0x0;
	s8 =	sshrl.u32 s8, $0x3  }
0x12: {  	s11 =	sadd.s32 $0x6D200, s11;
	s7 =	sadd.s32 s16, s8;
	s14 =	sor.u32 $0x10, s8  }
0x13: {  	s9 =	sadd.s32 s16, s14;
	s10 =	sadd.s32 s15, s14;
	s14 =	sshrl.u32 s31, $0x3  }
0x14: {  	s8 =	sadd.s32 s15, s8;
	s13 =	sadd.s32 s14, s15;
	s14 =	sadd.s32 s14, s16  }
0x15: {  	s15 =	sadd.s32 s18, s15;
	s16 =	sadd.s32 s18, s16;
	s18 =	simm.s32 $0x3  }
.LBB2_1:
0x16: {  	[spmem:s17], [sflag:s6] =	dma.local [hbm:s5], $0x2800  }
0x17: {  	_ =	swait.ge [sflag:s18], $0x2800  }
0x18: {  	[sflag:s18] =	ssyncset.done $0x0  }
0x19: {  	[sflag:s18] =	ssyncadd.s32 $0xFFFFD800  }
0x1a: {  	[tilespmem:s3], [sflag:$0x3] =	stream.linear.gather [hbm4b:s7+s3], $0x80, $0x38;
	[tilespmem:$0x1C200] =	vst v63  }
0x1b: {  	_ =	swait.ge [sflag:s18], $0x80  }
0x1c: {  	[sflag:s18] =	ssyncset.done $0x0  }
0x1d: {  	[sflag:s18] =	ssyncadd.s32 $0xFFFFFF80  }
0x1e: {  	[tilespmem:s19], [sflag:$0x3] =	stream.linear.gather [hbm4b:s8+s3], $0x80, $0x38;
	[tilespmem:$0x1C200] =	vst v63  }
0x1f: {  	_ =	swait.ge [sflag:s18], $0x80  }
0x20: {  	[sflag:s18] =	ssyncset.done $0x0  }
0x21: {  	[sflag:s18] =	ssyncadd.s32 $0xFFFFFF80  }
0x22: {  	[bflag:$0x0] =	sbarrier.arrive $0xFFFF  }
0x23: {  	[tilespmem:s21], [sflag:$0x1] =	stream.indirect.gather [hbm4b:s4+s20], $0x80, s3, s20, $0xb8;
	[tilespmem:$0x1C200] =	vst v63  }
0x24: {  	_ = 	snop  }
0x25: {  	[tilespmem:s20], [sflag:$0x3] =	stream.linear.gather [hbm4b:s9+s3], $0x80, $0x38;
	[tilespmem:$0x1C200] =	vst v63  }
0x26: {  	_ =	swait.ge [sflag:s18], $0x80  }
0x27: {  	[sflag:s18] =	ssyncset.done $0x0  }
0x28: {  	[sflag:s18] =	ssyncadd.s32 $0xFFFFFF80  }
0x29: {  	[tilespmem:s22], [sflag:$0x3] =	stream.linear.gather [hbm4b:s10+s3], $0x80, $0x38;
	[tilespmem:$0x1C200] =	vst v63  }
0x2a: {  	_ =	swait.ge [sflag:s18], $0x80  }
0x2b: {  	[sflag:s18] =	ssyncset.done $0x0  }
0x2c: {  	[sflag:s18] =	ssyncadd.s32 $0xFFFFFF80  }
0x2d: {  	[tilespmem:s23], [sflag:$0x2] =	stream.indirect.gather [hbm4b:s4+s20], $0x80, s20, s20, $0xb8;
	[tilespmem:$0x1C200] =	vst v63  }
0x2e: {  	_ =	swait.ge [sflag:s24], $0x4000  }
0x2f: {  	[sflag:s24] =	ssyncset.done $0x0  }
0x30: {  	[sflag:s24] =	ssyncadd.s32 $0xFFFFC000  }
0x31: {  	[spmem:s1] =	stream.indirect.scatter.add.f32 [tilespmem:s21], [sflag:$0x3], $0x80, s19, s20, $0xb8;
	[tilespmem:$0x1C200] =	vst v63  }
0x32: {  	_ =	swait.ge [sflag:s18], $0x4000  }
0x33: {  	[sflag:s18] =	ssyncset.done $0x0  }
0x34: {  	s28 =	sadd.s32 $0x0, s16;
	[sflag:s18] =	ssyncadd.s32 $0xFFFFC000  }
0x35: {  	[tilespmem:s3], [sflag:$0x3] =	stream.linear.gather [hbm4b:s28+s3], $0x80, $0x38;
	[tilespmem:$0x1C200] =	vst v63  }
0x36: {  	_ =	swait.ge [sflag:s18], $0x80  }
0x37: {  	[sflag:s18] =	ssyncset.done $0x0  }
0x38: {  	s28 =	sadd.s32 $0x0, s15;
	[sflag:s18] =	ssyncadd.s32 $0xFFFFFF80  }
0x39: {  	[tilespmem:s19], [sflag:$0x3] =	stream.linear.gather [hbm4b:s28+s3], $0x80, $0x38;
	[tilespmem:$0x1C200] =	vst v63  }
0x3a: {  	_ =	swait.ge [sflag:s18], $0x80  }
0x3b: {  	[sflag:s18] =	ssyncset.done $0x0  }
0x3c: {  	[sflag:s18] =	ssyncadd.s32 $0xFFFFFF80  }
0x3d: {  	[tilespmem:s21], [sflag:$0x1] =	stream.indirect.gather [hbm4b:s4+s20], $0x80, s3, s20, $0xb8;
	[tilespmem:$0x1C200] =	vst v63  }
0x3e: {  	_ =	swait.ge [sflag:s25], $0x4000  }
0x3f: {  	[sflag:s25] =	ssyncset.done $0x0  }
0x40: {  	[sflag:s25] =	ssyncadd.s32 $0xFFFFC000  }
0x41: {  	[spmem:s1] =	stream.indirect.scatter.add.f32 [tilespmem:s23], [sflag:$0x3], $0x80, s22, s20, $0xb8;
	[tilespmem:$0x1C200] =	vst v63  }
0x42: {  	_ =	swait.ge [sflag:s18], $0x4000  }
0x43: {  	[sflag:s18] =	ssyncset.done $0x0  }
0x44: {  	s28 =	sadd.s32 $0x0, s14;
	[sflag:s18] =	ssyncadd.s32 $0xFFFFC000  }
0x45: {  	[tilespmem:s20], [sflag:$0x3] =	stream.linear.gather [hbm4b:s28+s3], $0x80, $0x38;
	[tilespmem:$0x1C200] =	vst v63  }
0x46: {  	_ =	swait.ge [sflag:s18], $0x80  }
0x47: {  	[sflag:s18] =	ssyncset.done $0x0  }
0x48: {  	s28 =	sadd.s32 $0x0, s13;
	[sflag:s18] =	ssyncadd.s32 $0xFFFFFF80  }
0x49: {  	[tilespmem:s22], [sflag:$0x3] =	stream.linear.gather [hbm4b:s28+s3], $0x80, $0x38;
	[tilespmem:$0x1C200] =	vst v63  }
0x4a: {  	_ =	swait.ge [sflag:s18], $0x80  }
0x4b: {  	s28 =	simm.s32 $0x20;
	[sflag:s18] =	ssyncset.done $0x0  }
.LBB2_2:
0x4c: {  	p0 =	sne.s32 s28, $0x4C0  }
0x4d: {  	[sflag:s18] =	ssyncadd.s32 $0xFFFFFF80;
	s29 =	smov.u32 s28;
	s28 =	sadd.s32 $0x20, s28  }
0x4e: {  	[tilespmem:s23], [sflag:$0x2] =	stream.indirect.gather [hbm4b:s4+s20], $0x80, s20, s20, $0xb8;
	[tilespmem:$0x1C200] =	vst v63  }
0x4f: {  	_ =	swait.ge [sflag:s24], $0x4000  }
0x50: {  	[sflag:s24] =	ssyncset.done $0x0  }
0x51: {  	[sflag:s24] =	ssyncadd.s32 $0xFFFFC000  }
0x52: {  	[spmem:s1] =	stream.indirect.scatter.add.f32 [tilespmem:s21], [sflag:$0x3], $0x80, s19, s20, $0xb8;
	[tilespmem:$0x1C200] =	vst v63  }
0x53: {  	_ =	swait.ge [sflag:s18], $0x4000  }
0x54: {  	[sflag:s18] =	ssyncset.done $0x0  }
0x55: {  	s30 =	sadd.s32 s29, s16;
	[sflag:s18] =	ssyncadd.s32 $0xFFFFC000  }
0x56: {  	[tilespmem:s3], [sflag:$0x3] =	stream.linear.gather [hbm4b:s30+s3], $0x80, $0x38;
	[tilespmem:$0x1C200] =	vst v63  }
0x57: {  	_ =	swait.ge [sflag:s18], $0x80  }
0x58: {  	[sflag:s18] =	ssyncset.done $0x0  }
0x59: {  	s30 =	sadd.s32 s29, s15;
	[sflag:s18] =	ssyncadd.s32 $0xFFFFFF80  }
0x5a: {  	[tilespmem:s19], [sflag:$0x3] =	stream.linear.gather [hbm4b:s30+s3], $0x80, $0x38;
	[tilespmem:$0x1C200] =	vst v63  }
0x5b: {  	_ =	swait.ge [sflag:s18], $0x80  }
0x5c: {  	[sflag:s18] =	ssyncset.done $0x0  }
0x5d: {  	[sflag:s18] =	ssyncadd.s32 $0xFFFFFF80  }
0x5e: {  	[tilespmem:s21], [sflag:$0x1] =	stream.indirect.gather [hbm4b:s4+s20], $0x80, s3, s20, $0xb8;
	[tilespmem:$0x1C200] =	vst v63  }
0x5f: {  	_ =	swait.ge [sflag:s25], $0x4000  }
0x60: {  	[sflag:s25] =	ssyncset.done $0x0  }
0x61: {  	[sflag:s25] =	ssyncadd.s32 $0xFFFFC000  }
0x62: {  	[spmem:s1] =	stream.indirect.scatter.add.f32 [tilespmem:s23], [sflag:$0x3], $0x80, s22, s20, $0xb8;
	[tilespmem:$0x1C200] =	vst v63  }
0x63: {  	_ =	swait.ge [sflag:s18], $0x4000  }
0x64: {  	[sflag:s18] =	ssyncset.done $0x0  }
0x65: {  	s30 =	sadd.s32 s29, s14;
	[sflag:s18] =	ssyncadd.s32 $0xFFFFC000  }
0x66: {  	[tilespmem:s20], [sflag:$0x3] =	stream.linear.gather [hbm4b:s30+s3], $0x80, $0x38;
	[tilespmem:$0x1C200] =	vst v63  }
0x67: {  	_ =	swait.ge [sflag:s18], $0x80  }
.Ltmp0:
0x68: {  	[sflag:s18] =	ssyncset.done $0x0;
	(pc) =	sbr.rel @p0 .LBB2_2-.Ltmp0, $4  }
0x69: {  	s29 =	sadd.s32 s29, s13;
	[sflag:s18] =	ssyncadd.s32 $0xFFFFFF80  }
0x6a: {  	[tilespmem:s22], [sflag:$0x3] =	stream.linear.gather [hbm4b:s29+s3], $0x80, $0x38;
	[tilespmem:$0x1C200] =	vst v63  }
0x6b: {  	_ =	swait.ge [sflag:s18], $0x80  }
0x6c: {  	[sflag:s18] =	ssyncset.done $0x0  }
0x6d: {  	[sflag:s18] =	ssyncadd.s32 $0xFFFFFF80  }
0x6e: {  	[tilespmem:s23], [sflag:$0x2] =	stream.indirect.gather [hbm4b:s4+s20], $0x80, s20, s20, $0xb8;
	[tilespmem:$0x1C200] =	vst v63  }
0x6f: {  	_ =	swait.ge [sflag:s24], $0x4000  }
0x70: {  	[sflag:s24] =	ssyncset.done $0x0  }
0x71: {  	[sflag:s24] =	ssyncadd.s32 $0xFFFFC000  }
0x72: {  	[spmem:s1] =	stream.indirect.scatter.add.f32 [tilespmem:s21], [sflag:$0x3], $0x80, s19, s20, $0xb8;
	[tilespmem:$0x1C200] =	vst v63  }
0x73: {  	_ =	swait.ge [sflag:s18], $0x4000  }
0x74: {  	[sflag:s18] =	ssyncset.done $0x0  }
0x75: {  	[sflag:s18] =	ssyncadd.s32 $0xFFFFC000  }
0x76: {  	_ =	swait.ge [sflag:s25], $0x4000  }
0x77: {  	[sflag:s25] =	ssyncset.done $0x0  }
0x78: {  	[sflag:s25] =	ssyncadd.s32 $0xFFFFC000  }
0x79: {  	[spmem:s1] =	stream.indirect.scatter.add.f32 [tilespmem:s23], [sflag:$0x3], $0x80, s22, s20, $0xb8;
	[tilespmem:$0x1C200] =	vst v63  }
0x7a: {  	_ =	swait.ge [sflag:s18], $0x4000  }
0x7b: {  	s26 =	sadd.s32 $0x1, s26;
	[sflag:s18] =	ssyncset.done $0x0  }
0x7c: {  	p0 =	sne.s32 s26, s12;
	[sflag:s18] =	ssyncadd.s32 $0xFFFFC000  }
.Ltmp1:
0x7d: {  	[bflag:$0x0] =	sbarrier.arrive $0xFFFF;
	(pc) =	sbr.rel @p0 .LBB2_1-.Ltmp1, $4  }
0x7e: {  	[hbm:s11], [sflag:s6] =	dma.local [spmem:s17], $0x2800  }
0x7f: {  	_ =	swait.ge [sflag:s18], $0x2800  }
0x80: {  	[sflag:s18] =	ssyncset.done $0x0  }
0x81: {  	[sflag:s18] =	ssyncadd.s32 $0xFFFFD800  }
0x82: {  	_ =	sfence.sel $0x180000  }
0x83: {  	[bflag:$0x0] =	sbarrier.arrive $0xFFFF  }
0x84: {  	p0 =	sne.s32 s2, $0x0;
	_ =	strace $0x90000047  }
0x85: {  	s0 =	sadd.s32 @!p0 $0x100000, s0;
	[bflag:$0x2] =	sbarrier.arrive $0xFFFF  }
0x86: {  	[sflag:s0] =	ssyncadd.tile.s32 @!p0 $0x1;
	_ =	shalt  }
.Lfunc_end2:
_tile_overlayer_lowered:
.L_overlay_start_2:
0x87: {  	(tag) =	ssettag $0x2  }
0x88: {  	s0 =	rddreg [dreg:$0x0];
	s2 =	stileid.u32  }
0x89: {  	s1 =	rddreg [dreg:$0x1];
	p0 =	sne.s32 s2, $0x0  }
0x8a: {  	s3 =	rddreg [dreg:$0x2];
	[bflag:$0x3] =	sbarrier.arrive $0xFFFF;
	s2 =	simm.s32 @!p0 $0x1C03  }
0x8b: {  	[timem:s3], [sflag:s2] =	dma.local @!p0 [hbm:s0], s1  }
0x8c: {  	s0 =	simm.s32 @!p0 $0x3  }
0x8d: {  	_ =	swait.ge @!p0 [sflag:s0], s1  }
0x8e: {  	s1 =	ssub.s32 @!p0 $0x0, s1;
	[sflag:s0] =	ssyncset.done @!p0 $0x0  }
0x8f: {  	[sflag:s0] =	ssyncadd.s32 @!p0 s1  }
0x90: {  	[bflag:$0x3] =	sbarrier.arrive $0xFFFF  }
0x91: {  	_ =	shalt  }

// kernel: kernel.15.cloned.1.call-start
scs
__scs_entry_jumppad:
0x0: {  	(pc) =	sbr.rel $0x88, $3  }
0x1: {  	(tag) =	ssettag $0x0;
	lr =	simm.s32 $0x1  }
0x2: {  	[smem:$0x3F89] =	sst lr;
	_ =	strace $0xD0000000  }
0x3: {  	_ = 	snop  }
0x4: {  	_ = 	snop  }
0x5: {  	_ = 	snop  }
0x6: {  	_ = 	snop  }
0x7: {  	_ = 	snop  }
__scs_overlays_trampoline_lowered:
0x8: {  	[smem:$0x3F98] =	sst s0  }
0x9: {  	[smem:$0x3F99] =	sst s1  }
0xa: {  	[smem:$0x3F9A] =	sst s2  }
0xb: {  	[smem:$0x3F9B] =	sst s3  }
0xc: {  	[smem:$0x3F9C] =	sst s4  }
0xd: {  	[smem:$0x3F9D] =	sst s5  }
0xe: {  	[smem:$0x3F9E] =	sst s6  }
0xf: {  	[smem:$0x3F9F] =	sst s7  }
0x10: {  	[smem:$0x3FA0] =	sst s8  }
0x11: {  	[smem:$0x3FA1] =	sst s9;
	s0 =	simm.s32 @!p0 $0x0  }
0x12: {  	s1 =	sld [smem:$0x3F87];
	s0 =	simm.s32 @p0 $0x1  }
0x13: {  	[smem:$0x3FA2] =	sst s0;
	s0 =	simm.s32 @!p1 $0x0  }
0x14: {  	s2 =	sld [smem:$0x3F86];
	s0 =	simm.s32 @p1 $0x1  }
0x15: {  	[smem:$0x3FA3] =	sst s0;
	s0 =	simm.s32 @!p2 $0x0  }
0x16: {  	s3 =	sld [smem:$0x3FDB];
	s0 =	simm.s32 @p2 $0x1  }
0x17: {  	s4 =	simm.s32 $0x1BF5;
	[smem:$0x3FA5] =	sst s0  }
0x18: {  	s0 =	sld [smem:$0x3F88];
	_ =	swait.ge [sflag:s4], $0x0  }
0x19: {  	s7 =	sld [smem:$0x3F89]  }
0x1a: {  	s8 =	sadd.s32 $0xFFFFE003, lr  }
0x1b: {  	s9 =	sadd.s32 $0xFFFFFEF7, lr;
	s5 =	simm.s32 $0xFFFFFFFF;
	p2 =	slt.u32 s8, $0xFFFFF086  }
0x1c: {  	p1 =	slt.u32 s9, $0xF7A;
	s5 =	simm.s32 @!p2 $0x0  }
0x1d: {  	s5 =	simm.s32 @p1 $0x1;
	p0 =	seq.s32 s7, s2  }
0x1e: {  	s7 =	smul.u32 @!p0 $0xF7A, s2;
	p2 =	seq.s32 @!p0 s5, $0x0  }
0x1f: {  	s9 =	smul.u32 $0xF7A, s1;
	s8 =	simm.s32 @!p0 $0x1BF5;
	p2 =	por !p2, p0  }
0x20: {  	[sflag:s8] =	ssyncset.s32 @!p0 $0xFFFFF086;
	s6 =	sadd.s32 @!p0 s3, s7;
	s7 =	simm.s32 @!p0 $0x108  }
0x21: {  	s3 =	sadd.s32 s3, s9;
	s6 =	sadd.s32 @!p0 $0x88, s6;
	s7 =	simm.s32 @p2 $0x1082  }
0x22: {  	[simem:s7], [sflag:s8] =	dma.local @!p0 [hbm:s6], $0xF7A  }
0x23: {  	s9 =	sor.u32 $0xD0000000, s2;
	s6 =	simm.s32 $0x108;
	_ =	swait.ge @!p0 [sflag:s8], $0x0  }
0x24: {  	s3 =	sadd.s32 $0x88, s3;
	s6 =	simm.s32 @!p1 $0x1082;
	[sflag:s4] =	ssyncset.s32 $0xFFFFF086  }
0x25: {  	[simem:s6], [sflag:s4] =	dma.local [hbm:s3], $0xF7A  }
0x26: {  	[smem:$0x3F89] =	sst s1;
	(tag) =	ssettag s2;
	_ =	strace s9  }
0x27: {  	s1 =	sld [smem:$0x3F99]  }
0x28: {  	s2 =	sld [smem:$0x3F9A]  }
0x29: {  	s4 =	sld [smem:$0x3F9C]  }
0x2a: {  	p0 =	seq.s32 s5, $0x0;
	s5 =	sld [smem:$0x3F9D]  }
0x2b: {  	s6 =	sld [smem:$0x3F9E]  }
0x2c: {  	s7 =	sld [smem:$0x3F9F]  }
0x2d: {  	s3 =	simm.s32 $0x108;
	s8 =	sld [smem:$0x3FA0]  }
0x2e: {  	s3 =	simm.s32 @!p0 $0x1082;
	s9 =	sld [smem:$0x3FA1]  }
0x2f: {  	lr =	sadd.s32 s0, s3;
	s0 =	sld [smem:$0x3F98]  }
0x30: {  	s3 =	sld [smem:$0x3F9B]  }
0x31: {  	[smem:$0x3FA4] =	sst s10  }
0x32: {  	s10 =	sld [smem:$0x3FA2];
	_ =	sdelay $0x3  }
0x33: {  	p0 =	seq.s32 s10, $0x1;
	s10 =	sld [smem:$0x3FA4];
	_ =	sdelay $0x3  }
0x34: {  	[smem:$0x3FA4] =	sst s10  }
0x35: {  	s10 =	sld [smem:$0x3FA3];
	_ =	sdelay $0x3  }
0x36: {  	p1 =	seq.s32 s10, $0x1;
	s10 =	sld [smem:$0x3FA4];
	_ =	sdelay $0x3  }
0x37: {  	[smem:$0x3FA4] =	sst s10  }
0x38: {  	s10 =	sld [smem:$0x3FA5]  }
0x39: {  	_ = 	snop;
	(pc) =	sbr.ind lr, $3  }
0x3a: {  	_ = 	snop  }
0x3b: {  	_ = 	snop  }
0x3c: {  	p2 =	seq.s32 s10, $0x1;
	s10 =	sld [smem:$0x3FA4]  }
0x3d: {  	_ =	shalt  }
0x3e: {  	_ =	shalt  }
0x3f: {  	_ =	shalt  }
0x40: {  	_ =	shalt  }
0x41: {  	_ =	shalt  }
0x42: {  	_ =	shalt  }
0x43: {  	_ =	shalt  }
0x44: {  	_ =	shalt  }
0x45: {  	_ =	shalt  }
0x46: {  	_ =	shalt  }
0x47: {  	_ =	shalt  }
0x48: {  	_ =	shalt  }
0x49: {  	_ =	shalt  }
0x4a: {  	_ =	shalt  }
0x4b: {  	_ =	shalt  }
0x4c: {  	_ =	shalt  }
0x4d: {  	_ =	shalt  }
0x4e: {  	_ =	shalt  }
0x4f: {  	_ =	shalt  }
0x50: {  	_ =	shalt  }
0x51: {  	_ =	shalt  }
0x52: {  	_ =	shalt  }
0x53: {  	_ =	shalt  }
0x54: {  	_ =	shalt  }
0x55: {  	_ =	shalt  }
0x56: {  	_ =	shalt  }
0x57: {  	_ =	shalt  }
0x58: {  	_ =	shalt  }
0x59: {  	_ =	shalt  }
0x5a: {  	_ =	shalt  }
0x5b: {  	_ =	shalt  }
0x5c: {  	_ =	shalt  }
0x5d: {  	_ =	shalt  }
0x5e: {  	_ =	shalt  }
0x5f: {  	_ =	shalt  }
0x60: {  	_ =	shalt  }
0x61: {  	_ =	shalt  }
0x62: {  	_ =	shalt  }
0x63: {  	_ =	shalt  }
0x64: {  	_ =	shalt  }
0x65: {  	_ =	shalt  }
0x66: {  	_ =	shalt  }
0x67: {  	_ =	shalt  }
0x68: {  	_ =	shalt  }
0x69: {  	_ =	shalt  }
0x6a: {  	_ =	shalt  }
0x6b: {  	_ =	shalt  }
0x6c: {  	_ =	shalt  }
0x6d: {  	_ =	shalt  }
0x6e: {  	_ =	shalt  }
0x6f: {  	_ =	shalt  }
0x70: {  	_ =	shalt  }
0x71: {  	_ =	shalt  }
0x72: {  	_ =	shalt  }
0x73: {  	_ =	shalt  }
0x74: {  	_ =	shalt  }
0x75: {  	_ =	shalt  }
0x76: {  	_ =	shalt  }
0x77: {  	_ =	shalt  }
0x78: {  	_ =	shalt  }
0x79: {  	_ =	shalt  }
0x7a: {  	_ =	shalt  }
0x7b: {  	_ =	shalt  }
0x7c: {  	_ =	shalt  }
0x7d: {  	_ =	shalt  }
0x7e: {  	_ =	shalt  }
0x7f: {  	_ =	shalt  }
0x80: {  	_ =	shalt  }
0x81: {  	_ =	shalt  }
0x82: {  	_ =	shalt  }
0x83: {  	_ =	shalt  }
0x84: {  	_ =	shalt  }
0x85: {  	_ =	shalt  }
0x86: {  	_ =	shalt  }
0x87: {  	_ =	shalt  }
.Lfunc_end0:
.L_simem_size_0:
called_computation.1_lowered:
.L_overlay_start_0:
0x88: {  	s2 =	sld [smem:$0x3FD9]  }
0x89: {  	s3 =	sld [smem:$0x3FFE];
	_ =	sdelay $0x1  }
0x8a: {  	s1 =	srdreg.scid  }
0x8b: {  	s0 =	sand.u32 $0x1, s1  }
0x8c: {  	s16 =	sshll.u32 s0, $0xA;
	s2 =	sadd.s32 s3, s2  }
0x8d: {  	s2 =	sadd.s32 s2, s16  }
0x8e: {  	[smem:$0x3FB0] =	sst s2  }
0x8f: {  	_ = 	snop  }
0x90: {  	(tm) =	ssettm $0x1  }
0x91: {  	s17 =	sld [smem:$0x3FFB];
	_ =	sdelay $0x3  }
0x92: {  	_ =	strace s17  }
0x93: {  	s2 =	sld [smem:$0x3FFC];
	_ =	sdelay $0x3  }
0x94: {  	_ =	strace s2  }
0x95: {  	s2 =	sld [smem:$0x3FFD];
	_ =	sdelay $0x3  }
0x96: {  	_ =	strace s2  }
0x97: {  	_ =	strace $0x8FFFFFFF  }
0x98: {  	s18 =	sld [smem:$0x3FDB];
	_ =	sdelay $0x1  }
0x99: {  	s19 =	simm.s32 $_scs_section_size  }
0x9a: {  	s4 =	simm.s32 $_size__tile_overlayer_lowered;
	s5 =	simm.s32 $_tile_overlayer_lowered  }
0x9b: {  	s22 =	simm.s32 $0x1BFF;
	s21 =	sshll.u32 s5, $0x1;
	s2 =	sadd.s32 s19, s18  }
0x9c: {  	s6 =	simm.s32 $0x0;
	s20 =	sshll.u32 s4, $0x1;
	s4 =	sadd.s32 s21, s2  }
0x9d: {  	[timem:s6], [sflag:s22] =	dma.local [hbm:s4], s20  }
0x9e: {  	_ =	swait.ge [sflag:s22], s20  }
0x9f: {  	s3 =	ssub.s32 $0x0, s20;
	[sflag:s22] =	ssyncset.done $0x0  }
0xa0: {  	[sflag:s22] =	ssyncadd.s32 s3;
	_ =	sdelay $0x1  }
0xa1: {  	s23 =	simm.s32 $0x1B8B  }
0xa2: {  	_ =	swait.ge [sflag:s23], $0x1  }
0xa3: {  	[sflag:s23] =	ssyncset.done $0x0  }
0xa4: {  	s25 =	simm.s32 $0x1B8E;
	s24 =	sld [smem:$0x3FFE];
	[sflag:s23] =	ssyncadd.s32 $0xFFFFFFFF  }
0xa5: {  	s26 =	simm.s32 $execute0_lowered;
	[smem:$0x3FD2] =	sst s25  }
0xa6: {  	s4 =	sshll.u32 s26, $0x1;
	_ =	strace $0x80000049;
	[dreg:$0x1] =	wrdreg $0xFFFFFFFF  }
0xa7: {  	s28 =	simm.s32 $_size_execute0_lowered;
	s2 =	sadd.s32 s2, s4;
	[dreg:$0x0] =	wrdreg $0x0  }
0xa8: {  	s4 =	sshll.u32 s28, $0x1;
	[dreg:$0x2] =	wrdreg s2  }
0xa9: {  	[dreg:$0x3] =	wrdreg s4  }
0xaa: {  	[dreg:$0x4] =	wrdreg $0xC0  }
0xab: {  	_ =	task [dreg:s6], $0x5FFFF  }
0xac: {  	[dreg:$0x1] =	wrdreg $0xFFFFFFFF  }
0xad: {  	[dreg:$0x0] =	wrdreg $0x60  }
0xae: {  	[dreg:$0x2] =	wrdreg s24  }
0xaf: {  	[dreg:$0x3] =	wrdreg $0x82000  }
0xb0: {  	[dreg:$0x4] =	wrdreg $0x9  }
0xb1: {  	_ =	task.clear_ibuf [dreg:s6], $0x5FFFF;
	_ =	strace $0x90000049  }
0xb2: {  	s29 =	simm.s32 $0x9;
	_ =	strace $0x8000004B  }
0xb3: {  	_ =	swait.ge [sflag:s29], $0x1  }
0xb4: {  	[sflag:s29] =	ssyncadd.s32 $0xFFFFFFFF  }
0xb5: {  	_ =	strace $0x9000004B  }
0xb6: {  	_ =	sfence  }
0xb7: {  	s30 =	sld [smem:$0x0];
	_ =	sdelay $0x2  }
0xb8: {  	s31 =	sshll.u32 s1, $0xD;
	s1 =	sshrl.u32 s1, $0x2  }
0xb9: {  	s3 =	sand.u32 $0x4000, s31;
	s1 =	sadd.s32 s1, s30  }
0xba: {  	s0 =	sor.u32 s3, s0;
	s1 =	sshll.u32 s1, $0x11  }
0xbb: {  	s0 =	sor.u32 s1, s0  }
0xbc: {  	s0 =	sadd.s32 $0x8F2B, s0  }
0xbd: {  	[sflag:s0] =	ssyncadd.remote.s32 $0x1  }
0xbe: {  	_ =	sfence.sel $0xFFFF  }
0xbf: {  	[dreg:$0x0] =	wrdreg $0xFFFFFFFF;
	(pc) =	sbr.abs _section_cstart, $3  }
0xc0: {  	[dreg:$0x1] =	wrdreg $0xFFFFFFFF  }
0xc1: {  	_ =	task.clear_ibuf [dreg:s6], $0x2FFFF;
	_ =	strace $0x9FFFFFFF  }
0xc2: {  	(tm) =	ssettm $0x7FFFFFFF  }
0xc3: {  	_ =	shalt  }
tec
execute0_lowered:
.L_overlay_start_1:
0x0: {  	(tag) =	ssettag $0x1  }
0x1: {  	s6 =	rddreg [dreg:$0x0]  }
0x2: {  	s1 =	rddreg [dreg:$0x1]  }
0x3: {  	s2 =	srdreg.scid;
	s0 =	rddreg [dreg:$0x2]  }
0x4: {  	s3 =	simm.s32 $0x0;
	s19 =	simm.s32 $0x100;
	s20 =	simm.s32 $0x80  }
0x5: {  	s21 =	simm.s32 $0x200;
	s22 =	simm.s32 $0x180;
	s23 =	simm.s32 $0x4200  }
0x6: {  	s7 =	sand.u32 $0x1, s2;
	s2 =	stileid.u32;
	[smem:$0x7FF] =	sst s3  }
0x7: {  	s4 =	sadd.s32 $0x43800, s6;
	s16 =	sadd.s32 $0x2F800, s6;
	s8 =	smul.u32 $0x140000, s7  }
0x8: {  	s15 =	sadd.s32 $0x39800, s6;
	s5 =	sadd.s32 $0x6AA00, s6;
	s9 =	smul.u32 $0x14000, s2  }
0x9: {  	_ =	strace $0x8000004A;
	s24 =	sshll.u32 s2, $0x1;
	s10 =	smul.u32 $0x50000, s2  }
0xa: {  	s25 =	ssub.s32 $0x2, s7;
	s29 =	smul.u32 $0x5000, s2;
	s30 =	sshll.u32 s2, $0x6  }
0xb: {  	s13 =	smul.u32 $0x2800, s7;
	s26 =	sor.u32 s7, s24;
	s28 =	sshrl.u32 s25, $0x1  }
0xc: {  	s24 =	simm.s32 $0x1;
	s8 =	sadd.s32 s9, s8;
	s10 =	sshrl.u32 s10, $0x2  }
0xd: {  	s12 =	ssub.s32 s25, s28;
	s13 =	sadd.s32 s13, s29;
	s25 =	simm.s32 $0x2  }
0xe: {  	s8 =	sshrl.u32 s8, $0x3;
	s17 =	sadd.s32 s10, s1;
	s31 =	sor.u32 $0x180, s13  }
0xf: {  	s18 =	sor.u32 $0x100, s13;
	s11 =	sadd.s32 s8, s6;
	s8 =	smul.u32 $0x2800, s26  }
0x10: {  	s12 =	smax.u32 s12, $0x1;
	s6 =	sor.u32 $0x1C03, s30;
	s18 =	sshrl.u32 s18, $0x3  }
0x11: {  	s17 =	sshrl.u32 s17, $0x3;
	s26 =	simm.s32 $0x0;
	s8 =	sshrl.u32 s8, $0x3  }
0x12: {  	s11 =	sadd.s32 $0x6D200, s11;
	s7 =	sadd.s32 s16, s8;
	s14 =	sor.u32 $0x10, s8  }
0x13: {  	s9 =	sadd.s32 s16, s14;
	s10 =	sadd.s32 s15, s14;
	s14 =	sshrl.u32 s31, $0x3  }
0x14: {  	s8 =	sadd.s32 s15, s8;
	s13 =	sadd.s32 s14, s15;
	s14 =	sadd.s32 s14, s16  }
0x15: {  	s15 =	sadd.s32 s18, s15;
	s16 =	sadd.s32 s18, s16;
	s18 =	simm.s32 $0x3  }
.LBB2_1:
0x16: {  	[spmem:s17], [sflag:s6] =	dma.local [hbm:s5], $0x2800  }
0x17: {  	_ =	swait.ge [sflag:s18], $0x2800  }
0x18: {  	[sflag:s18] =	ssyncset.done $0x0  }
0x19: {  	[sflag:s18] =	ssyncadd.s32 $0xFFFFD800  }
0x1a: {  	[tilespmem:s3], [sflag:$0x3] =	stream.linear.gather [hbm4b:s7+s3], $0x80, $0x38;
	[tilespmem:$0x1C200] =	vst v63  }
0x1b: {  	_ =	swait.ge [sflag:s18], $0x80  }
0x1c: {  	[sflag:s18] =	ssyncset.done $0x0  }
0x1d: {  	[sflag:s18] =	ssyncadd.s32 $0xFFFFFF80  }
0x1e: {  	[tilespmem:s19], [sflag:$0x3] =	stream.linear.gather [hbm4b:s8+s3], $0x80, $0x38;
	[tilespmem:$0x1C200] =	vst v63  }
0x1f: {  	_ =	swait.ge [sflag:s18], $0x80  }
0x20: {  	[sflag:s18] =	ssyncset.done $0x0  }
0x21: {  	[sflag:s18] =	ssyncadd.s32 $0xFFFFFF80  }
0x22: {  	[bflag:$0x0] =	sbarrier.arrive $0xFFFF  }
0x23: {  	[tilespmem:s21], [sflag:$0x1] =	stream.indirect.gather [hbm4b:s4+s20], $0x80, s3, s20, $0xb8;
	[tilespmem:$0x1C200] =	vst v63  }
0x24: {  	_ = 	snop  }
0x25: {  	[tilespmem:s20], [sflag:$0x3] =	stream.linear.gather [hbm4b:s9+s3], $0x80, $0x38;
	[tilespmem:$0x1C200] =	vst v63  }
0x26: {  	_ =	swait.ge [sflag:s18], $0x80  }
0x27: {  	[sflag:s18] =	ssyncset.done $0x0  }
0x28: {  	[sflag:s18] =	ssyncadd.s32 $0xFFFFFF80  }
0x29: {  	[tilespmem:s22], [sflag:$0x3] =	stream.linear.gather [hbm4b:s10+s3], $0x80, $0x38;
	[tilespmem:$0x1C200] =	vst v63  }
0x2a: {  	_ =	swait.ge [sflag:s18], $0x80  }
0x2b: {  	[sflag:s18] =	ssyncset.done $0x0  }
0x2c: {  	[sflag:s18] =	ssyncadd.s32 $0xFFFFFF80  }
0x2d: {  	[tilespmem:s23], [sflag:$0x2] =	stream.indirect.gather [hbm4b:s4+s20], $0x80, s20, s20, $0xb8;
	[tilespmem:$0x1C200] =	vst v63  }
0x2e: {  	_ =	swait.ge [sflag:s24], $0x4000  }
0x2f: {  	[sflag:s24] =	ssyncset.done $0x0  }
0x30: {  	[sflag:s24] =	ssyncadd.s32 $0xFFFFC000  }
0x31: {  	[spmem:s1] =	stream.indirect.scatter.add.f32 [tilespmem:s21], [sflag:$0x3], $0x80, s19, s20, $0xb8;
	[tilespmem:$0x1C200] =	vst v63  }
0x32: {  	_ =	swait.ge [sflag:s18], $0x4000  }
0x33: {  	[sflag:s18] =	ssyncset.done $0x0  }
0x34: {  	s28 =	sadd.s32 $0x0, s16;
	[sflag:s18] =	ssyncadd.s32 $0xFFFFC000  }
0x35: {  	[tilespmem:s3], [sflag:$0x3] =	stream.linear.gather [hbm4b:s28+s3], $0x80, $0x38;
	[tilespmem:$0x1C200] =	vst v63  }
0x36: {  	_ =	swait.ge [sflag:s18], $0x80  }
0x37: {  	[sflag:s18] =	ssyncset.done $0x0  }
0x38: {  	s28 =	sadd.s32 $0x0, s15;
	[sflag:s18] =	ssyncadd.s32 $0xFFFFFF80  }
0x39: {  	[tilespmem:s19], [sflag:$0x3] =	stream.linear.gather [hbm4b:s28+s3], $0x80, $0x38;
	[tilespmem:$0x1C200] =	vst v63  }
0x3a: {  	_ =	swait.ge [sflag:s18], $0x80  }
0x3b: {  	[sflag:s18] =	ssyncset.done $0x0  }
0x3c: {  	[sflag:s18] =	ssyncadd.s32 $0xFFFFFF80  }
0x3d: {  	[tilespmem:s21], [sflag:$0x1] =	stream.indirect.gather [hbm4b:s4+s20], $0x80, s3, s20, $0xb8;
	[tilespmem:$0x1C200] =	vst v63  }
0x3e: {  	_ =	swait.ge [sflag:s25], $0x4000  }
0x3f: {  	[sflag:s25] =	ssyncset.done $0x0  }
0x40: {  	[sflag:s25] =	ssyncadd.s32 $0xFFFFC000  }
0x41: {  	[spmem:s1] =	stream.indirect.scatter.add.f32 [tilespmem:s23], [sflag:$0x3], $0x80, s22, s20, $0xb8;
	[tilespmem:$0x1C200] =	vst v63  }
0x42: {  	_ =	swait.ge [sflag:s18], $0x4000  }
0x43: {  	[sflag:s18] =	ssyncset.done $0x0  }
0x44: {  	s28 =	sadd.s32 $0x0, s14;
	[sflag:s18] =	ssyncadd.s32 $0xFFFFC000  }
0x45: {  	[tilespmem:s20], [sflag:$0x3] =	stream.linear.gather [hbm4b:s28+s3], $0x80, $0x38;
	[tilespmem:$0x1C200] =	vst v63  }
0x46: {  	_ =	swait.ge [sflag:s18], $0x80  }
0x47: {  	[sflag:s18] =	ssyncset.done $0x0  }
0x48: {  	s28 =	sadd.s32 $0x0, s13;
	[sflag:s18] =	ssyncadd.s32 $0xFFFFFF80  }
0x49: {  	[tilespmem:s22], [sflag:$0x3] =	stream.linear.gather [hbm4b:s28+s3], $0x80, $0x38;
	[tilespmem:$0x1C200] =	vst v63  }
0x4a: {  	_ =	swait.ge [sflag:s18], $0x80  }
0x4b: {  	s28 =	simm.s32 $0x20;
	[sflag:s18] =	ssyncset.done $0x0  }
.LBB2_2:
0x4c: {  	p0 =	sne.s32 s28, $0x4C0  }
0x4d: {  	[sflag:s18] =	ssyncadd.s32 $0xFFFFFF80;
	s29 =	smov.u32 s28;
	s28 =	sadd.s32 $0x20, s28  }
0x4e: {  	[tilespmem:s23], [sflag:$0x2] =	stream.indirect.gather [hbm4b:s4+s20], $0x80, s20, s20, $0xb8;
	[tilespmem:$0x1C200] =	vst v63  }
0x4f: {  	_ =	swait.ge [sflag:s24], $0x4000  }
0x50: {  	[sflag:s24] =	ssyncset.done $0x0  }
0x51: {  	[sflag:s24] =	ssyncadd.s32 $0xFFFFC000  }
0x52: {  	[spmem:s1] =	stream.indirect.scatter.add.f32 [tilespmem:s21], [sflag:$0x3], $0x80, s19, s20, $0xb8;
	[tilespmem:$0x1C200] =	vst v63  }
0x53: {  	_ =	swait.ge [sflag:s18], $0x4000  }
0x54: {  	[sflag:s18] =	ssyncset.done $0x0  }
0x55: {  	s30 =	sadd.s32 s29, s16;
	[sflag:s18] =	ssyncadd.s32 $0xFFFFC000  }
0x56: {  	[tilespmem:s3], [sflag:$0x3] =	stream.linear.gather [hbm4b:s30+s3], $0x80, $0x38;
	[tilespmem:$0x1C200] =	vst v63  }
0x57: {  	_ =	swait.ge [sflag:s18], $0x80  }
0x58: {  	[sflag:s18] =	ssyncset.done $0x0  }
0x59: {  	s30 =	sadd.s32 s29, s15;
	[sflag:s18] =	ssyncadd.s32 $0xFFFFFF80  }
0x5a: {  	[tilespmem:s19], [sflag:$0x3] =	stream.linear.gather [hbm4b:s30+s3], $0x80, $0x38;
	[tilespmem:$0x1C200] =	vst v63  }
0x5b: {  	_ =	swait.ge [sflag:s18], $0x80  }
0x5c: {  	[sflag:s18] =	ssyncset.done $0x0  }
0x5d: {  	[sflag:s18] =	ssyncadd.s32 $0xFFFFFF80  }
0x5e: {  	[tilespmem:s21], [sflag:$0x1] =	stream.indirect.gather [hbm4b:s4+s20], $0x80, s3, s20, $0xb8;
	[tilespmem:$0x1C200] =	vst v63  }
0x5f: {  	_ =	swait.ge [sflag:s25], $0x4000  }
0x60: {  	[sflag:s25] =	ssyncset.done $0x0  }
0x61: {  	[sflag:s25] =	ssyncadd.s32 $0xFFFFC000  }
0x62: {  	[spmem:s1] =	stream.indirect.scatter.add.f32 [tilespmem:s23], [sflag:$0x3], $0x80, s22, s20, $0xb8;
	[tilespmem:$0x1C200] =	vst v63  }
0x63: {  	_ =	swait.ge [sflag:s18], $0x4000  }
0x64: {  	[sflag:s18] =	ssyncset.done $0x0  }
0x65: {  	s30 =	sadd.s32 s29, s14;
	[sflag:s18] =	ssyncadd.s32 $0xFFFFC000  }
0x66: {  	[tilespmem:s20], [sflag:$0x3] =	stream.linear.gather [hbm4b:s30+s3], $0x80, $0x38;
	[tilespmem:$0x1C200] =	vst v63  }
0x67: {  	_ =	swait.ge [sflag:s18], $0x80  }
.Ltmp0:
0x68: {  	[sflag:s18] =	ssyncset.done $0x0;
	(pc) =	sbr.rel @p0 .LBB2_2-.Ltmp0, $4  }
0x69: {  	s29 =	sadd.s32 s29, s13;
	[sflag:s18] =	ssyncadd.s32 $0xFFFFFF80  }
0x6a: {  	[tilespmem:s22], [sflag:$0x3] =	stream.linear.gather [hbm4b:s29+s3], $0x80, $0x38;
	[tilespmem:$0x1C200] =	vst v63  }
0x6b: {  	_ =	swait.ge [sflag:s18], $0x80  }
0x6c: {  	[sflag:s18] =	ssyncset.done $0x0  }
0x6d: {  	[sflag:s18] =	ssyncadd.s32 $0xFFFFFF80  }
0x6e: {  	[tilespmem:s23], [sflag:$0x2] =	stream.indirect.gather [hbm4b:s4+s20], $0x80, s20, s20, $0xb8;
	[tilespmem:$0x1C200] =	vst v63  }
0x6f: {  	_ =	swait.ge [sflag:s24], $0x4000  }
0x70: {  	[sflag:s24] =	ssyncset.done $0x0  }
0x71: {  	[sflag:s24] =	ssyncadd.s32 $0xFFFFC000  }
0x72: {  	[spmem:s1] =	stream.indirect.scatter.add.f32 [tilespmem:s21], [sflag:$0x3], $0x80, s19, s20, $0xb8;
	[tilespmem:$0x1C200] =	vst v63  }
0x73: {  	_ =	swait.ge [sflag:s18], $0x4000  }
0x74: {  	[sflag:s18] =	ssyncset.done $0x0  }
0x75: {  	[sflag:s18] =	ssyncadd.s32 $0xFFFFC000  }
0x76: {  	_ =	swait.ge [sflag:s25], $0x4000  }
0x77: {  	[sflag:s25] =	ssyncset.done $0x0  }
0x78: {  	[sflag:s25] =	ssyncadd.s32 $0xFFFFC000  }
0x79: {  	[spmem:s1] =	stream.indirect.scatter.add.f32 [tilespmem:s23], [sflag:$0x3], $0x80, s22, s20, $0xb8;
	[tilespmem:$0x1C200] =	vst v63  }
0x7a: {  	_ =	swait.ge [sflag:s18], $0x4000  }
0x7b: {  	s26 =	sadd.s32 $0x1, s26;
	[sflag:s18] =	ssyncset.done $0x0  }
0x7c: {  	p0 =	sne.s32 s26, s12;
	[sflag:s18] =	ssyncadd.s32 $0xFFFFC000  }
.Ltmp1:
0x7d: {  	[bflag:$0x0] =	sbarrier.arrive $0xFFFF;
	(pc) =	sbr.rel @p0 .LBB2_1-.Ltmp1, $4  }
0x7e: {  	[hbm:s11], [sflag:s6] =	dma.local [spmem:s17], $0x2800  }
0x7f: {  	_ =	swait.ge [sflag:s18], $0x2800  }
0x80: {  	[sflag:s18] =	ssyncset.done $0x0  }
0x81: {  	[sflag:s18] =	ssyncadd.s32 $0xFFFFD800  }
0x82: {  	_ =	sfence.sel $0x180000  }
0x83: {  	[bflag:$0x0] =	sbarrier.arrive $0xFFFF  }
0x84: {  	p0 =	sne.s32 s2, $0x0;
	_ =	strace $0x9000004A  }
0x85: {  	s0 =	sadd.s32 @!p0 $0x100000, s0;
	[bflag:$0x2] =	sbarrier.arrive $0xFFFF  }
0x86: {  	[sflag:s0] =	ssyncadd.tile.s32 @!p0 $0x1;
	_ =	shalt  }
.Lfunc_end2:
_tile_overlayer_lowered:
.L_overlay_start_2:
0x87: {  	(tag) =	ssettag $0x2  }
0x88: {  	s0 =	rddreg [dreg:$0x0];
	s2 =	stileid.u32  }
0x89: {  	s1 =	rddreg [dreg:$0x1];
	p0 =	sne.s32 s2, $0x0  }
0x8a: {  	s3 =	rddreg [dreg:$0x2];
	[bflag:$0x3] =	sbarrier.arrive $0xFFFF;
	s2 =	simm.s32 @!p0 $0x1C03  }
0x8b: {  	[timem:s3], [sflag:s2] =	dma.local @!p0 [hbm:s0], s1  }
0x8c: {  	s0 =	simm.s32 @!p0 $0x3  }
0x8d: {  	_ =	swait.ge @!p0 [sflag:s0], s1  }
0x8e: {  	s1 =	ssub.s32 @!p0 $0x0, s1;
	[sflag:s0] =	ssyncset.done @!p0 $0x0  }
0x8f: {  	[sflag:s0] =	ssyncadd.s32 @!p0 s1  }
0x90: {  	[bflag:$0x3] =	sbarrier.arrive $0xFFFF  }
0x91: {  	_ =	shalt  }

// kernel: kernel.18.cloned.1.call-start
scs
__scs_entry_jumppad:
0x0: {  	(pc) =	sbr.rel $0x88, $3  }
0x1: {  	(tag) =	ssettag $0x0;
	lr =	simm.s32 $0x1  }
0x2: {  	[smem:$0x3F89] =	sst lr;
	_ =	strace $0xD0000000  }
0x3: {  	_ = 	snop  }
0x4: {  	_ = 	snop  }
0x5: {  	_ = 	snop  }
0x6: {  	_ = 	snop  }
0x7: {  	_ = 	snop  }
__scs_overlays_trampoline_lowered:
0x8: {  	[smem:$0x3F98] =	sst s0  }
0x9: {  	[smem:$0x3F99] =	sst s1  }
0xa: {  	[smem:$0x3F9A] =	sst s2  }
0xb: {  	[smem:$0x3F9B] =	sst s3  }
0xc: {  	[smem:$0x3F9C] =	sst s4  }
0xd: {  	[smem:$0x3F9D] =	sst s5  }
0xe: {  	[smem:$0x3F9E] =	sst s6  }
0xf: {  	[smem:$0x3F9F] =	sst s7  }
0x10: {  	[smem:$0x3FA0] =	sst s8  }
0x11: {  	[smem:$0x3FA1] =	sst s9;
	s0 =	simm.s32 @!p0 $0x0  }
0x12: {  	s1 =	sld [smem:$0x3F87];
	s0 =	simm.s32 @p0 $0x1  }
0x13: {  	[smem:$0x3FA2] =	sst s0;
	s0 =	simm.s32 @!p1 $0x0  }
0x14: {  	s2 =	sld [smem:$0x3F86];
	s0 =	simm.s32 @p1 $0x1  }
0x15: {  	[smem:$0x3FA3] =	sst s0;
	s0 =	simm.s32 @!p2 $0x0  }
0x16: {  	s3 =	sld [smem:$0x3FDB];
	s0 =	simm.s32 @p2 $0x1  }
0x17: {  	s4 =	simm.s32 $0x1BF5;
	[smem:$0x3FA5] =	sst s0  }
0x18: {  	s0 =	sld [smem:$0x3F88];
	_ =	swait.ge [sflag:s4], $0x0  }
0x19: {  	s7 =	sld [smem:$0x3F89]  }
0x1a: {  	s8 =	sadd.s32 $0xFFFFE003, lr  }
0x1b: {  	s9 =	sadd.s32 $0xFFFFFEF7, lr;
	s5 =	simm.s32 $0xFFFFFFFF;
	p2 =	slt.u32 s8, $0xFFFFF086  }
0x1c: {  	p1 =	slt.u32 s9, $0xF7A;
	s5 =	simm.s32 @!p2 $0x0  }
0x1d: {  	s5 =	simm.s32 @p1 $0x1;
	p0 =	seq.s32 s7, s2  }
0x1e: {  	s7 =	smul.u32 @!p0 $0xF7A, s2;
	p2 =	seq.s32 @!p0 s5, $0x0  }
0x1f: {  	s9 =	smul.u32 $0xF7A, s1;
	s8 =	simm.s32 @!p0 $0x1BF5;
	p2 =	por !p2, p0  }
0x20: {  	[sflag:s8] =	ssyncset.s32 @!p0 $0xFFFFF086;
	s6 =	sadd.s32 @!p0 s3, s7;
	s7 =	simm.s32 @!p0 $0x108  }
0x21: {  	s3 =	sadd.s32 s3, s9;
	s6 =	sadd.s32 @!p0 $0x88, s6;
	s7 =	simm.s32 @p2 $0x1082  }
0x22: {  	[simem:s7], [sflag:s8] =	dma.local @!p0 [hbm:s6], $0xF7A  }
0x23: {  	s9 =	sor.u32 $0xD0000000, s2;
	s6 =	simm.s32 $0x108;
	_ =	swait.ge @!p0 [sflag:s8], $0x0  }
0x24: {  	s3 =	sadd.s32 $0x88, s3;
	s6 =	simm.s32 @!p1 $0x1082;
	[sflag:s4] =	ssyncset.s32 $0xFFFFF086  }
0x25: {  	[simem:s6], [sflag:s4] =	dma.local [hbm:s3], $0xF7A  }
0x26: {  	[smem:$0x3F89] =	sst s1;
	(tag) =	ssettag s2;
	_ =	strace s9  }
0x27: {  	s1 =	sld [smem:$0x3F99]  }
0x28: {  	s2 =	sld [smem:$0x3F9A]  }
0x29: {  	s4 =	sld [smem:$0x3F9C]  }
0x2a: {  	p0 =	seq.s32 s5, $0x0;
	s5 =	sld [smem:$0x3F9D]  }
0x2b: {  	s6 =	sld [smem:$0x3F9E]  }
0x2c: {  	s7 =	sld [smem:$0x3F9F]  }
0x2d: {  	s3 =	simm.s32 $0x108;
	s8 =	sld [smem:$0x3FA0]  }
0x2e: {  	s3 =	simm.s32 @!p0 $0x1082;
	s9 =	sld [smem:$0x3FA1]  }
0x2f: {  	lr =	sadd.s32 s0, s3;
	s0 =	sld [smem:$0x3F98]  }
0x30: {  	s3 =	sld [smem:$0x3F9B]  }
0x31: {  	[smem:$0x3FA4] =	sst s10  }
0x32: {  	s10 =	sld [smem:$0x3FA2];
	_ =	sdelay $0x3  }
0x33: {  	p0 =	seq.s32 s10, $0x1;
	s10 =	sld [smem:$0x3FA4];
	_ =	sdelay $0x3  }
0x34: {  	[smem:$0x3FA4] =	sst s10  }
0x35: {  	s10 =	sld [smem:$0x3FA3];
	_ =	sdelay $0x3  }
0x36: {  	p1 =	seq.s32 s10, $0x1;
	s10 =	sld [smem:$0x3FA4];
	_ =	sdelay $0x3  }
0x37: {  	[smem:$0x3FA4] =	sst s10  }
0x38: {  	s10 =	sld [smem:$0x3FA5]  }
0x39: {  	_ = 	snop;
	(pc) =	sbr.ind lr, $3  }
0x3a: {  	_ = 	snop  }
0x3b: {  	_ = 	snop  }
0x3c: {  	p2 =	seq.s32 s10, $0x1;
	s10 =	sld [smem:$0x3FA4]  }
0x3d: {  	_ =	shalt  }
0x3e: {  	_ =	shalt  }
0x3f: {  	_ =	shalt  }
0x40: {  	_ =	shalt  }
0x41: {  	_ =	shalt  }
0x42: {  	_ =	shalt  }
0x43: {  	_ =	shalt  }
0x44: {  	_ =	shalt  }
0x45: {  	_ =	shalt  }
0x46: {  	_ =	shalt  }
0x47: {  	_ =	shalt  }
0x48: {  	_ =	shalt  }
0x49: {  	_ =	shalt  }
0x4a: {  	_ =	shalt  }
0x4b: {  	_ =	shalt  }
0x4c: {  	_ =	shalt  }
0x4d: {  	_ =	shalt  }
0x4e: {  	_ =	shalt  }
0x4f: {  	_ =	shalt  }
0x50: {  	_ =	shalt  }
0x51: {  	_ =	shalt  }
0x52: {  	_ =	shalt  }
0x53: {  	_ =	shalt  }
0x54: {  	_ =	shalt  }
0x55: {  	_ =	shalt  }
0x56: {  	_ =	shalt  }
0x57: {  	_ =	shalt  }
0x58: {  	_ =	shalt  }
0x59: {  	_ =	shalt  }
0x5a: {  	_ =	shalt  }
0x5b: {  	_ =	shalt  }
0x5c: {  	_ =	shalt  }
0x5d: {  	_ =	shalt  }
0x5e: {  	_ =	shalt  }
0x5f: {  	_ =	shalt  }
0x60: {  	_ =	shalt  }
0x61: {  	_ =	shalt  }
0x62: {  	_ =	shalt  }
0x63: {  	_ =	shalt  }
0x64: {  	_ =	shalt  }
0x65: {  	_ =	shalt  }
0x66: {  	_ =	shalt  }
0x67: {  	_ =	shalt  }
0x68: {  	_ =	shalt  }
0x69: {  	_ =	shalt  }
0x6a: {  	_ =	shalt  }
0x6b: {  	_ =	shalt  }
0x6c: {  	_ =	shalt  }
0x6d: {  	_ =	shalt  }
0x6e: {  	_ =	shalt  }
0x6f: {  	_ =	shalt  }
0x70: {  	_ =	shalt  }
0x71: {  	_ =	shalt  }
0x72: {  	_ =	shalt  }
0x73: {  	_ =	shalt  }
0x74: {  	_ =	shalt  }
0x75: {  	_ =	shalt  }
0x76: {  	_ =	shalt  }
0x77: {  	_ =	shalt  }
0x78: {  	_ =	shalt  }
0x79: {  	_ =	shalt  }
0x7a: {  	_ =	shalt  }
0x7b: {  	_ =	shalt  }
0x7c: {  	_ =	shalt  }
0x7d: {  	_ =	shalt  }
0x7e: {  	_ =	shalt  }
0x7f: {  	_ =	shalt  }
0x80: {  	_ =	shalt  }
0x81: {  	_ =	shalt  }
0x82: {  	_ =	shalt  }
0x83: {  	_ =	shalt  }
0x84: {  	_ =	shalt  }
0x85: {  	_ =	shalt  }
0x86: {  	_ =	shalt  }
0x87: {  	_ =	shalt  }
.Lfunc_end0:
.L_simem_size_0:
called_computation.2_lowered:
.L_overlay_start_0:
0x88: {  	s2 =	sld [smem:$0x3FD9]  }
0x89: {  	s3 =	sld [smem:$0x3FFE];
	_ =	sdelay $0x1  }
0x8a: {  	s1 =	srdreg.scid  }
0x8b: {  	s0 =	sand.u32 $0x1, s1  }
0x8c: {  	s16 =	sshll.u32 s0, $0xA;
	s2 =	sadd.s32 s3, s2  }
0x8d: {  	s2 =	sadd.s32 s2, s16  }
0x8e: {  	[smem:$0x3FB0] =	sst s2  }
0x8f: {  	_ = 	snop  }
0x90: {  	(tm) =	ssettm $0x1  }
0x91: {  	s17 =	sld [smem:$0x3FFB];
	_ =	sdelay $0x3  }
0x92: {  	_ =	strace s17  }
0x93: {  	s2 =	sld [smem:$0x3FFC];
	_ =	sdelay $0x3  }
0x94: {  	_ =	strace s2  }
0x95: {  	s2 =	sld [smem:$0x3FFD];
	_ =	sdelay $0x3  }
0x96: {  	_ =	strace s2  }
0x97: {  	_ =	strace $0x8FFFFFFF  }
0x98: {  	s18 =	sld [smem:$0x3FDB];
	_ =	sdelay $0x1  }
0x99: {  	s19 =	simm.s32 $_scs_section_size  }
0x9a: {  	s4 =	simm.s32 $_size__tile_overlayer_lowered;
	s5 =	simm.s32 $_tile_overlayer_lowered  }
0x9b: {  	s22 =	simm.s32 $0x1BFF;
	s21 =	sshll.u32 s5, $0x1;
	s2 =	sadd.s32 s19, s18  }
0x9c: {  	s6 =	simm.s32 $0x0;
	s20 =	sshll.u32 s4, $0x1;
	s4 =	sadd.s32 s21, s2  }
0x9d: {  	[timem:s6], [sflag:s22] =	dma.local [hbm:s4], s20  }
0x9e: {  	_ =	swait.ge [sflag:s22], s20  }
0x9f: {  	s3 =	ssub.s32 $0x0, s20;
	[sflag:s22] =	ssyncset.done $0x0  }
0xa0: {  	[sflag:s22] =	ssyncadd.s32 s3;
	_ =	sdelay $0x1  }
0xa1: {  	s23 =	simm.s32 $0x1B8B  }
0xa2: {  	_ =	swait.ge [sflag:s23], $0x1  }
0xa3: {  	[sflag:s23] =	ssyncset.done $0x0  }
0xa4: {  	s25 =	simm.s32 $0x1B8E;
	s24 =	sld [smem:$0x3FFE];
	[sflag:s23] =	ssyncadd.s32 $0xFFFFFFFF  }
0xa5: {  	s26 =	simm.s32 $execute0_lowered;
	[smem:$0x3FD2] =	sst s25  }
0xa6: {  	s4 =	sshll.u32 s26, $0x1;
	_ =	strace $0x8000004C;
	[dreg:$0x1] =	wrdreg $0xFFFFFFFF  }
0xa7: {  	s28 =	simm.s32 $_size_execute0_lowered;
	s2 =	sadd.s32 s2, s4;
	[dreg:$0x0] =	wrdreg $0x0  }
0xa8: {  	s4 =	sshll.u32 s28, $0x1;
	[dreg:$0x2] =	wrdreg s2  }
0xa9: {  	[dreg:$0x3] =	wrdreg s4  }
0xaa: {  	[dreg:$0x4] =	wrdreg $0xC0  }
0xab: {  	_ =	task [dreg:s6], $0x5FFFF  }
0xac: {  	[dreg:$0x1] =	wrdreg $0xFFFFFFFF  }
0xad: {  	[dreg:$0x0] =	wrdreg $0x60  }
0xae: {  	[dreg:$0x2] =	wrdreg s24  }
0xaf: {  	[dreg:$0x3] =	wrdreg $0x82000  }
0xb0: {  	[dreg:$0x4] =	wrdreg $0x9  }
0xb1: {  	_ =	task.clear_ibuf [dreg:s6], $0x5FFFF;
	_ =	strace $0x9000004C  }
0xb2: {  	s29 =	simm.s32 $0x9;
	_ =	strace $0x8000004E  }
0xb3: {  	_ =	swait.ge [sflag:s29], $0x1  }
0xb4: {  	[sflag:s29] =	ssyncadd.s32 $0xFFFFFFFF  }
0xb5: {  	_ =	strace $0x9000004E  }
0xb6: {  	_ =	sfence  }
0xb7: {  	s30 =	sld [smem:$0x0];
	_ =	sdelay $0x2  }
0xb8: {  	s31 =	sshll.u32 s1, $0xD;
	s1 =	sshrl.u32 s1, $0x2  }
0xb9: {  	s3 =	sand.u32 $0x4000, s31;
	s1 =	sadd.s32 s1, s30  }
0xba: {  	s0 =	sor.u32 s3, s0;
	s1 =	sshll.u32 s1, $0x11  }
0xbb: {  	s0 =	sor.u32 s1, s0  }
0xbc: {  	s0 =	sadd.s32 $0x8F2B, s0  }
0xbd: {  	[sflag:s0] =	ssyncadd.remote.s32 $0x1  }
0xbe: {  	_ =	sfence.sel $0xFFFF  }
0xbf: {  	[dreg:$0x0] =	wrdreg $0xFFFFFFFF;
	(pc) =	sbr.abs _section_cstart, $3  }
0xc0: {  	[dreg:$0x1] =	wrdreg $0xFFFFFFFF  }
0xc1: {  	_ =	task.clear_ibuf [dreg:s6], $0x2FFFF;
	_ =	strace $0x9FFFFFFF  }
0xc2: {  	(tm) =	ssettm $0x7FFFFFFF  }
0xc3: {  	_ =	shalt  }
tec
execute0_lowered:
.L_overlay_start_1:
0x0: {  	(tag) =	ssettag $0x1  }
0x1: {  	s6 =	rddreg [dreg:$0x0]  }
0x2: {  	s1 =	rddreg [dreg:$0x1]  }
0x3: {  	s2 =	srdreg.scid;
	s0 =	rddreg [dreg:$0x2]  }
0x4: {  	s3 =	simm.s32 $0x0;
	s19 =	simm.s32 $0x100;
	s20 =	simm.s32 $0x80  }
0x5: {  	s21 =	simm.s32 $0x200;
	s22 =	simm.s32 $0x180;
	s23 =	simm.s32 $0x4200  }
0x6: {  	s7 =	sand.u32 $0x1, s2;
	s2 =	stileid.u32;
	[smem:$0x7FF] =	sst s3  }
0x7: {  	s4 =	sadd.s32 $0x43800, s6;
	s16 =	sadd.s32 $0x2F800, s6;
	s8 =	smul.u32 $0x140000, s7  }
0x8: {  	s15 =	sadd.s32 $0x39800, s6;
	s5 =	sadd.s32 $0x6AA00, s6;
	s9 =	smul.u32 $0x14000, s2  }
0x9: {  	_ =	strace $0x8000004D;
	s24 =	sshll.u32 s2, $0x1;
	s10 =	smul.u32 $0x50000, s2  }
0xa: {  	s25 =	ssub.s32 $0x2, s7;
	s29 =	smul.u32 $0x5000, s2;
	s30 =	sshll.u32 s2, $0x6  }
0xb: {  	s13 =	smul.u32 $0x2800, s7;
	s26 =	sor.u32 s7, s24;
	s28 =	sshrl.u32 s25, $0x1  }
0xc: {  	s24 =	simm.s32 $0x1;
	s8 =	sadd.s32 s9, s8;
	s10 =	sshrl.u32 s10, $0x2  }
0xd: {  	s12 =	ssub.s32 s25, s28;
	s13 =	sadd.s32 s13, s29;
	s25 =	simm.s32 $0x2  }
0xe: {  	s8 =	sshrl.u32 s8, $0x3;
	s17 =	sadd.s32 s10, s1;
	s31 =	sor.u32 $0x180, s13  }
0xf: {  	s18 =	sor.u32 $0x100, s13;
	s11 =	sadd.s32 s8, s6;
	s8 =	smul.u32 $0x2800, s26  }
0x10: {  	s12 =	smax.u32 s12, $0x1;
	s6 =	sor.u32 $0x1C03, s30;
	s18 =	sshrl.u32 s18, $0x3  }
0x11: {  	s17 =	sshrl.u32 s17, $0x3;
	s26 =	simm.s32 $0x0;
	s8 =	sshrl.u32 s8, $0x3  }
0x12: {  	s11 =	sadd.s32 $0x6D200, s11;
	s7 =	sadd.s32 s16, s8;
	s14 =	sor.u32 $0x10, s8  }
0x13: {  	s9 =	sadd.s32 s16, s14;
	s10 =	sadd.s32 s15, s14;
	s14 =	sshrl.u32 s31, $0x3  }
0x14: {  	s8 =	sadd.s32 s15, s8;
	s13 =	sadd.s32 s14, s15;
	s14 =	sadd.s32 s14, s16  }
0x15: {  	s15 =	sadd.s32 s18, s15;
	s16 =	sadd.s32 s18, s16;
	s18 =	simm.s32 $0x3  }
.LBB2_1:
0x16: {  	[spmem:s17], [sflag:s6] =	dma.local [hbm:s5], $0x2800  }
0x17: {  	_ =	swait.ge [sflag:s18], $0x2800  }
0x18: {  	[sflag:s18] =	ssyncset.done $0x0  }
0x19: {  	[sflag:s18] =	ssyncadd.s32 $0xFFFFD800  }
0x1a: {  	[tilespmem:s3], [sflag:$0x3] =	stream.linear.gather [hbm4b:s7+s3], $0x80, $0x38;
	[tilespmem:$0x1C200] =	vst v63  }
0x1b: {  	_ =	swait.ge [sflag:s18], $0x80  }
0x1c: {  	[sflag:s18] =	ssyncset.done $0x0  }
0x1d: {  	[sflag:s18] =	ssyncadd.s32 $0xFFFFFF80  }
0x1e: {  	[tilespmem:s19], [sflag:$0x3] =	stream.linear.gather [hbm4b:s8+s3], $0x80, $0x38;
	[tilespmem:$0x1C200] =	vst v63  }
0x1f: {  	_ =	swait.ge [sflag:s18], $0x80  }
0x20: {  	[sflag:s18] =	ssyncset.done $0x0  }
0x21: {  	[sflag:s18] =	ssyncadd.s32 $0xFFFFFF80  }
0x22: {  	[bflag:$0x0] =	sbarrier.arrive $0xFFFF  }
0x23: {  	[tilespmem:s21], [sflag:$0x1] =	stream.indirect.gather [hbm4b:s4+s20], $0x80, s3, s20, $0xb8;
	[tilespmem:$0x1C200] =	vst v63  }
0x24: {  	_ = 	snop  }
0x25: {  	[tilespmem:s20], [sflag:$0x3] =	stream.linear.gather [hbm4b:s9+s3], $0x80, $0x38;
	[tilespmem:$0x1C200] =	vst v63  }
0x26: {  	_ =	swait.ge [sflag:s18], $0x80  }
0x27: {  	[sflag:s18] =	ssyncset.done $0x0  }
0x28: {  	[sflag:s18] =	ssyncadd.s32 $0xFFFFFF80  }
0x29: {  	[tilespmem:s22], [sflag:$0x3] =	stream.linear.gather [hbm4b:s10+s3], $0x80, $0x38;
	[tilespmem:$0x1C200] =	vst v63  }
0x2a: {  	_ =	swait.ge [sflag:s18], $0x80  }
0x2b: {  	[sflag:s18] =	ssyncset.done $0x0  }
0x2c: {  	[sflag:s18] =	ssyncadd.s32 $0xFFFFFF80  }
0x2d: {  	[tilespmem:s23], [sflag:$0x2] =	stream.indirect.gather [hbm4b:s4+s20], $0x80, s20, s20, $0xb8;
	[tilespmem:$0x1C200] =	vst v63  }
0x2e: {  	_ =	swait.ge [sflag:s24], $0x4000  }
0x2f: {  	[sflag:s24] =	ssyncset.done $0x0  }
0x30: {  	[sflag:s24] =	ssyncadd.s32 $0xFFFFC000  }
0x31: {  	[spmem:s1] =	stream.indirect.scatter.add.f32 [tilespmem:s21], [sflag:$0x3], $0x80, s19, s20, $0xb8;
	[tilespmem:$0x1C200] =	vst v63  }
0x32: {  	_ =	swait.ge [sflag:s18], $0x4000  }
0x33: {  	[sflag:s18] =	ssyncset.done $0x0  }
0x34: {  	s28 =	sadd.s32 $0x0, s16;
	[sflag:s18] =	ssyncadd.s32 $0xFFFFC000  }
0x35: {  	[tilespmem:s3], [sflag:$0x3] =	stream.linear.gather [hbm4b:s28+s3], $0x80, $0x38;
	[tilespmem:$0x1C200] =	vst v63  }
0x36: {  	_ =	swait.ge [sflag:s18], $0x80  }
0x37: {  	[sflag:s18] =	ssyncset.done $0x0  }
0x38: {  	s28 =	sadd.s32 $0x0, s15;
	[sflag:s18] =	ssyncadd.s32 $0xFFFFFF80  }
0x39: {  	[tilespmem:s19], [sflag:$0x3] =	stream.linear.gather [hbm4b:s28+s3], $0x80, $0x38;
	[tilespmem:$0x1C200] =	vst v63  }
0x3a: {  	_ =	swait.ge [sflag:s18], $0x80  }
0x3b: {  	[sflag:s18] =	ssyncset.done $0x0  }
0x3c: {  	[sflag:s18] =	ssyncadd.s32 $0xFFFFFF80  }
0x3d: {  	[tilespmem:s21], [sflag:$0x1] =	stream.indirect.gather [hbm4b:s4+s20], $0x80, s3, s20, $0xb8;
	[tilespmem:$0x1C200] =	vst v63  }
0x3e: {  	_ =	swait.ge [sflag:s25], $0x4000  }
0x3f: {  	[sflag:s25] =	ssyncset.done $0x0  }
0x40: {  	[sflag:s25] =	ssyncadd.s32 $0xFFFFC000  }
0x41: {  	[spmem:s1] =	stream.indirect.scatter.add.f32 [tilespmem:s23], [sflag:$0x3], $0x80, s22, s20, $0xb8;
	[tilespmem:$0x1C200] =	vst v63  }
0x42: {  	_ =	swait.ge [sflag:s18], $0x4000  }
0x43: {  	[sflag:s18] =	ssyncset.done $0x0  }
0x44: {  	s28 =	sadd.s32 $0x0, s14;
	[sflag:s18] =	ssyncadd.s32 $0xFFFFC000  }
0x45: {  	[tilespmem:s20], [sflag:$0x3] =	stream.linear.gather [hbm4b:s28+s3], $0x80, $0x38;
	[tilespmem:$0x1C200] =	vst v63  }
0x46: {  	_ =	swait.ge [sflag:s18], $0x80  }
0x47: {  	[sflag:s18] =	ssyncset.done $0x0  }
0x48: {  	s28 =	sadd.s32 $0x0, s13;
	[sflag:s18] =	ssyncadd.s32 $0xFFFFFF80  }
0x49: {  	[tilespmem:s22], [sflag:$0x3] =	stream.linear.gather [hbm4b:s28+s3], $0x80, $0x38;
	[tilespmem:$0x1C200] =	vst v63  }
0x4a: {  	_ =	swait.ge [sflag:s18], $0x80  }
0x4b: {  	s28 =	simm.s32 $0x20;
	[sflag:s18] =	ssyncset.done $0x0  }
.LBB2_2:
0x4c: {  	p0 =	sne.s32 s28, $0x4C0  }
0x4d: {  	[sflag:s18] =	ssyncadd.s32 $0xFFFFFF80;
	s29 =	smov.u32 s28;
	s28 =	sadd.s32 $0x20, s28  }
0x4e: {  	[tilespmem:s23], [sflag:$0x2] =	stream.indirect.gather [hbm4b:s4+s20], $0x80, s20, s20, $0xb8;
	[tilespmem:$0x1C200] =	vst v63  }
0x4f: {  	_ =	swait.ge [sflag:s24], $0x4000  }
0x50: {  	[sflag:s24] =	ssyncset.done $0x0  }
0x51: {  	[sflag:s24] =	ssyncadd.s32 $0xFFFFC000  }
0x52: {  	[spmem:s1] =	stream.indirect.scatter.add.f32 [tilespmem:s21], [sflag:$0x3], $0x80, s19, s20, $0xb8;
	[tilespmem:$0x1C200] =	vst v63  }
0x53: {  	_ =	swait.ge [sflag:s18], $0x4000  }
0x54: {  	[sflag:s18] =	ssyncset.done $0x0  }
0x55: {  	s30 =	sadd.s32 s29, s16;
	[sflag:s18] =	ssyncadd.s32 $0xFFFFC000  }
0x56: {  	[tilespmem:s3], [sflag:$0x3] =	stream.linear.gather [hbm4b:s30+s3], $0x80, $0x38;
	[tilespmem:$0x1C200] =	vst v63  }
0x57: {  	_ =	swait.ge [sflag:s18], $0x80  }
0x58: {  	[sflag:s18] =	ssyncset.done $0x0  }
0x59: {  	s30 =	sadd.s32 s29, s15;
	[sflag:s18] =	ssyncadd.s32 $0xFFFFFF80  }
0x5a: {  	[tilespmem:s19], [sflag:$0x3] =	stream.linear.gather [hbm4b:s30+s3], $0x80, $0x38;
	[tilespmem:$0x1C200] =	vst v63  }
0x5b: {  	_ =	swait.ge [sflag:s18], $0x80  }
0x5c: {  	[sflag:s18] =	ssyncset.done $0x0  }
0x5d: {  	[sflag:s18] =	ssyncadd.s32 $0xFFFFFF80  }
0x5e: {  	[tilespmem:s21], [sflag:$0x1] =	stream.indirect.gather [hbm4b:s4+s20], $0x80, s3, s20, $0xb8;
	[tilespmem:$0x1C200] =	vst v63  }
0x5f: {  	_ =	swait.ge [sflag:s25], $0x4000  }
0x60: {  	[sflag:s25] =	ssyncset.done $0x0  }
0x61: {  	[sflag:s25] =	ssyncadd.s32 $0xFFFFC000  }
0x62: {  	[spmem:s1] =	stream.indirect.scatter.add.f32 [tilespmem:s23], [sflag:$0x3], $0x80, s22, s20, $0xb8;
	[tilespmem:$0x1C200] =	vst v63  }
0x63: {  	_ =	swait.ge [sflag:s18], $0x4000  }
0x64: {  	[sflag:s18] =	ssyncset.done $0x0  }
0x65: {  	s30 =	sadd.s32 s29, s14;
	[sflag:s18] =	ssyncadd.s32 $0xFFFFC000  }
0x66: {  	[tilespmem:s20], [sflag:$0x3] =	stream.linear.gather [hbm4b:s30+s3], $0x80, $0x38;
	[tilespmem:$0x1C200] =	vst v63  }
0x67: {  	_ =	swait.ge [sflag:s18], $0x80  }
.Ltmp0:
0x68: {  	[sflag:s18] =	ssyncset.done $0x0;
	(pc) =	sbr.rel @p0 .LBB2_2-.Ltmp0, $4  }
0x69: {  	s29 =	sadd.s32 s29, s13;
	[sflag:s18] =	ssyncadd.s32 $0xFFFFFF80  }
0x6a: {  	[tilespmem:s22], [sflag:$0x3] =	stream.linear.gather [hbm4b:s29+s3], $0x80, $0x38;
	[tilespmem:$0x1C200] =	vst v63  }
0x6b: {  	_ =	swait.ge [sflag:s18], $0x80  }
0x6c: {  	[sflag:s18] =	ssyncset.done $0x0  }
0x6d: {  	[sflag:s18] =	ssyncadd.s32 $0xFFFFFF80  }
0x6e: {  	[tilespmem:s23], [sflag:$0x2] =	stream.indirect.gather [hbm4b:s4+s20], $0x80, s20, s20, $0xb8;
	[tilespmem:$0x1C200] =	vst v63  }
0x6f: {  	_ =	swait.ge [sflag:s24], $0x4000  }
0x70: {  	[sflag:s24] =	ssyncset.done $0x0  }
0x71: {  	[sflag:s24] =	ssyncadd.s32 $0xFFFFC000  }
0x72: {  	[spmem:s1] =	stream.indirect.scatter.add.f32 [tilespmem:s21], [sflag:$0x3], $0x80, s19, s20, $0xb8;
	[tilespmem:$0x1C200] =	vst v63  }
0x73: {  	_ =	swait.ge [sflag:s18], $0x4000  }
0x74: {  	[sflag:s18] =	ssyncset.done $0x0  }
0x75: {  	[sflag:s18] =	ssyncadd.s32 $0xFFFFC000  }
0x76: {  	_ =	swait.ge [sflag:s25], $0x4000  }
0x77: {  	[sflag:s25] =	ssyncset.done $0x0  }
0x78: {  	[sflag:s25] =	ssyncadd.s32 $0xFFFFC000  }
0x79: {  	[spmem:s1] =	stream.indirect.scatter.add.f32 [tilespmem:s23], [sflag:$0x3], $0x80, s22, s20, $0xb8;
	[tilespmem:$0x1C200] =	vst v63  }
0x7a: {  	_ =	swait.ge [sflag:s18], $0x4000  }
0x7b: {  	s26 =	sadd.s32 $0x1, s26;
	[sflag:s18] =	ssyncset.done $0x0  }
0x7c: {  	p0 =	sne.s32 s26, s12;
	[sflag:s18] =	ssyncadd.s32 $0xFFFFC000  }
.Ltmp1:
0x7d: {  	[bflag:$0x0] =	sbarrier.arrive $0xFFFF;
	(pc) =	sbr.rel @p0 .LBB2_1-.Ltmp1, $4  }
0x7e: {  	[hbm:s11], [sflag:s6] =	dma.local [spmem:s17], $0x2800  }
0x7f: {  	_ =	swait.ge [sflag:s18], $0x2800  }
0x80: {  	[sflag:s18] =	ssyncset.done $0x0  }
0x81: {  	[sflag:s18] =	ssyncadd.s32 $0xFFFFD800  }
0x82: {  	_ =	sfence.sel $0x180000  }
0x83: {  	[bflag:$0x0] =	sbarrier.arrive $0xFFFF  }
0x84: {  	p0 =	sne.s32 s2, $0x0;
	_ =	strace $0x9000004D  }
0x85: {  	s0 =	sadd.s32 @!p0 $0x100000, s0;
	[bflag:$0x2] =	sbarrier.arrive $0xFFFF  }
0x86: {  	[sflag:s0] =	ssyncadd.tile.s32 @!p0 $0x1;
	_ =	shalt  }
.Lfunc_end2:
_tile_overlayer_lowered:
.L_overlay_start_2:
0x87: {  	(tag) =	ssettag $0x2  }
0x88: {  	s0 =	rddreg [dreg:$0x0];
	s2 =	stileid.u32  }
0x89: {  	s1 =	rddreg [dreg:$0x1];
	p0 =	sne.s32 s2, $0x0  }
0x8a: {  	s3 =	rddreg [dreg:$0x2];
	[bflag:$0x3] =	sbarrier.arrive $0xFFFF;
	s2 =	simm.s32 @!p0 $0x1C03  }
0x8b: {  	[timem:s3], [sflag:s2] =	dma.local @!p0 [hbm:s0], s1  }
0x8c: {  	s0 =	simm.s32 @!p0 $0x3  }
0x8d: {  	_ =	swait.ge @!p0 [sflag:s0], s1  }
0x8e: {  	s1 =	ssub.s32 @!p0 $0x0, s1;
	[sflag:s0] =	ssyncset.done @!p0 $0x0  }
0x8f: {  	[sflag:s0] =	ssyncadd.s32 @!p0 s1  }
0x90: {  	[bflag:$0x3] =	sbarrier.arrive $0xFFFF  }
0x91: {  	_ =	shalt  }

</sc_bundles>
